<compile_context>
chip_gen: v7x
topology: tpu7x:2x2x1
jax: 0.10.2.dev20260603
libtpu: 0.0.44.dev20260713+nightly
codegen_flags: <defaults>
</compile_context>

<pallas_src>
import functools

import jax
import jax.numpy as jnp
from jax import lax
from jax.experimental import pallas as pl
from jax.experimental.pallas import tpu as pltpu
from jax.experimental.pallas import tpu_sc as plsc

L = 16
NC = 2
NS = 16
NW = NC * NS

CHUNK = 32
GROUP = 16
BLK = 128


def _make_sc_kernel(B, D, n_chunks):
    mesh = plsc.VectorSubcoreMesh(core_axis_name="c", subcore_axis_name="s")
    n_pairs = n_chunks // 2
    idx_per_w = n_chunks * 2 * CHUNK

    @functools.partial(
        pl.kernel,
        out_type=jax.ShapeDtypeStruct((B, 1, D), jnp.float32),
        mesh=mesh,
        scratch_types=[
            pltpu.VMEM((idx_per_w,), jnp.int32),
            pltpu.VMEM((CHUNK, D), jnp.float32),
            pltpu.VMEM((CHUNK, D), jnp.float32),
            pltpu.VMEM((CHUNK, D), jnp.float32),
            pltpu.VMEM((CHUNK, D), jnp.float32),
            pltpu.VMEM((CHUNK, D), jnp.float32),
            pltpu.VMEM((CHUNK, D), jnp.float32),
            pltpu.VMEM((2, D), jnp.float32),
            pltpu.SemaphoreType.DMA,
            pltpu.SemaphoreType.DMA,
            pltpu.SemaphoreType.DMA,
            pltpu.SemaphoreType.DMA,
        ],
    )
    def decoder_kernel(idx_hbm, table_hbm, w_hbm, out_hbm,
                       idx_all, rowsa0, rowsb0, rowsa1, rowsb1,
                       outb0, outb1, w_v,
                       gsem0, gsem1, osem0, osem1):
        wid = lax.axis_index("s") * NC + lax.axis_index("c")
        pltpu.sync_copy(w_hbm, w_v)
        pltpu.sync_copy(idx_hbm.at[pl.ds(wid * idx_per_w, idx_per_w)], idx_all)

        def off0(g):
            cpb = BLK // CHUNK
            return (g // cpb) * (2 * BLK) + (g % cpb) * CHUNK

        def fire(g, rowsa, rowsb, gsem):
            o0 = off0(g)
            pltpu.async_copy(table_hbm.at[idx_all.at[pl.ds(o0, CHUNK)]],
                             rowsa, gsem)
            pltpu.async_copy(table_hbm.at[idx_all.at[pl.ds(o0 + BLK, CHUNK)]],
                             rowsb, gsem)

        def drain(g, rowsa, rowsb, gsem):
            o0 = off0(g)
            pltpu.make_async_copy(table_hbm.at[idx_all.at[pl.ds(o0, CHUNK)]],
                                  rowsa, gsem).wait()
            pltpu.make_async_copy(
                table_hbm.at[idx_all.at[pl.ds(o0 + BLK, CHUNK)]],
                rowsb, gsem).wait()

        fire(0, rowsa0, rowsb0, gsem0)

        def compute(rowsa, rowsb, outb):
            for grp in range(D // (L * GROUP)):
                wslices = []
                for j in range(GROUP):
                    dsl = pl.ds((grp * GROUP + j) * L, L)
                    wslices.append((w_v[0, dsl], w_v[1, dsl], dsl))

                @plsc.parallel_loop(0, CHUNK, unroll=1)
                def _(c):
                    for w0, w1, dsl in wslices:
                        r0 = rowsa[c, dsl]
                        r1 = rowsb[c, dsl]
                        outb[c, dsl] = jnp.maximum(r0 * w0 + r1 * w1, 0.0)

        def pair_body(i, carry):
            g0 = 2 * i
            g1 = g0 + 1
            base0 = (wid * n_chunks + g0) * CHUNK
            base1 = base0 + CHUNK
            fire(g1, rowsa1, rowsb1, gsem1)
            drain(g0, rowsa0, rowsb0, gsem0)

            @pl.when(i > 0)
            def _():
                pltpu.make_async_copy(
                    outb0, out_hbm.at[pl.ds(base0, CHUNK), 0], osem0).wait()

            compute(rowsa0, rowsb0, outb0)
            pltpu.async_copy(outb0, out_hbm.at[pl.ds(base0, CHUNK), 0], osem0)

            @pl.when(i < n_pairs - 1)
            def _():
                fire(g0 + 2, rowsa0, rowsb0, gsem0)

            drain(g1, rowsa1, rowsb1, gsem1)

            @pl.when(i > 0)
            def _():
                pltpu.make_async_copy(
                    outb1, out_hbm.at[pl.ds(base1, CHUNK), 0], osem1).wait()

            compute(rowsa1, rowsb1, outb1)
            pltpu.async_copy(outb1, out_hbm.at[pl.ds(base1, CHUNK), 0], osem1)
            return carry

        lax.fori_loop(0, n_pairs, pair_body, 0)
        pltpu.make_async_copy(outb0, out_hbm.at[pl.ds(0, CHUNK), 0], osem0).wait()
        pltpu.make_async_copy(outb1, out_hbm.at[pl.ds(0, CHUNK), 0], osem1).wait()

    return decoder_kernel


@jax.jit
def kernel(y, table, emb_scale, conv_w, conv_scale):
    B, ctx = y.shape
    V, D = table.shape
    w = (conv_w * jnp.exp(emb_scale + conv_scale)).astype(jnp.float32)
    w_t = w.T
    n_chunks = B // (NW * CHUNK)
    idx = (y.astype(jnp.int32)
            .reshape(B // BLK, BLK, ctx)
            .transpose(0, 2, 1)
            .reshape(-1))

    return _make_sc_kernel(B, D, n_chunks)(idx, table, w_t)

# --- scband reference (transcript-rebuilt; emitter-appended) ---
"""Pipeline reference for scband-decoder-17643725652218 (READ-ONLY COPY).

The authoritative reference and input builder live on the scoring server;
editing this copy changes nothing except your own understanding.
"""

import jax, jax.numpy as jnp
import numpy as np

VOCAB = 100000
DIM = 512
BLANK = 0
CTX = 2
BATCH = 16384


def setup_inputs(seed: int = 0) -> dict:
    key = jax.random.key(seed)
    k1, k2, k3 = jax.random.split(key, 3)
    y = jax.random.randint(k1, (BATCH, CTX), 0, VOCAB)
    # ScaledEmbedding weight; padding_idx=BLANK row is zeroed like nn.Embedding(padding_idx=...)
    table = jax.random.normal(k2, (VOCAB, DIM), dtype=jnp.float32) * 0.05
    table = table.at[BLANK].set(0.0)
    # ScaledEmbedding log-scale parameter (weight is multiplied by exp(scale))
    emb_scale = jnp.zeros((), dtype=jnp.float32)
    # ScaledConv1d depthwise (groups=DIM) weight, kernel_size=CTX, bias=False.
    # Torch layout (out_ch=DIM, in_ch/groups=1, k=CTX) -> store as (DIM, CTX)
    conv_w = jax.random.normal(k3, (DIM, CTX), dtype=jnp.float32) * 0.1
    # ScaledConv1d log weight-scale parameter
    conv_scale = jnp.zeros((), dtype=jnp.float32)
    return {"y": y, "table": table, "emb_scale": emb_scale,
            "conv_w": conv_w, "conv_scale": conv_scale}


def reference(y, table, emb_scale, conv_w, conv_scale):
    y = y.astype(jnp.int64) if y.dtype != jnp.int32 else y
    # ScaledEmbedding: gather then multiply by exp(scale)
    emb = jnp.take(table, y, axis=0) * jnp.exp(emb_scale)  # (N, U, D)
    # context_size > 1 path: permute to (N, D, U), depthwise conv1d (padding=0), permute back
    w = conv_w * jnp.exp(conv_scale)  # (D, CTX)
    N, U, D = emb.shape
    out_len = U - CTX + 1  # = 1, since U == CTX is asserted in the torch module
    out = jnp.zeros((N, out_len, D), dtype=emb.dtype)
    for k in range(CTX):
        out = out + emb[:, k:k + out_len, :] * w[:, k][None, None, :]
    # final ReLU
    return jax.nn.relu(out)  # (N, 1, D)

if __name__ == "__main__":
    import jax
    _d = setup_inputs()
    print(jax.jit(kernel)(*tuple(_d.values())))

</pallas_src>

<mosaic_0001>
#map = affine_map<(d0, d1) -> (0)>
#map1 = affine_map<(d0, d1) -> (0, 0)>
#map2 = affine_map<(d0, d1) -> (0, 0, 0)>
module attributes {stable_mosaic.version = 14 : i64} {
  func.func @decoder_kernel(%arg0: i32, %arg1: i32, %arg2: memref<32768xi32, #tpu.memory_space<hbm>>, %arg3: memref<100000x512xf32, #tpu.memory_space<hbm>>, %arg4: memref<2x512xf32, #tpu.memory_space<hbm>>, %arg5: memref<16384x1x512xf32, #tpu.memory_space<hbm>>, %arg6: memref<1024xi32, #tpu.memory_space<vmem>>, %arg7: memref<32x512xf32, #tpu.memory_space<vmem>>, %arg8: memref<32x512xf32, #tpu.memory_space<vmem>>, %arg9: memref<32x512xf32, #tpu.memory_space<vmem>>, %arg10: memref<32x512xf32, #tpu.memory_space<vmem>>, %arg11: memref<32x512xf32, #tpu.memory_space<vmem>>, %arg12: memref<32x512xf32, #tpu.memory_space<vmem>>, %arg13: memref<2x512xf32, #tpu.memory_space<vmem>>, %arg14: memref<!tpu.dma_semaphore, #tpu.memory_space<semaphore_mem>>, %arg15: memref<!tpu.dma_semaphore, #tpu.memory_space<semaphore_mem>>, %arg16: memref<!tpu.dma_semaphore, #tpu.memory_space<semaphore_mem>>, %arg17: memref<!tpu.dma_semaphore, #tpu.memory_space<semaphore_mem>>) attributes {dimension_semantics = [#tpu.dimension_semantics<core_parallel>, #tpu.dimension_semantics<subcore_parallel>], iteration_bounds = array<i64: 2, 16>, scalar_prefetch = 0 : i64, scratch_operands = 12 : i64, tpu.core_type = #tpu.core_type<sc_vector_subcore>, window_params = [{transform_indices = #map}, {transform_indices = #map1}, {transform_indices = #map1}, {transform_indices = #map2}]} {
    %mul3A = arith.constant 2 : i32
    %mul3A_0 = arith.muli %arg1, %mul3A : i32
    %add3A = arith.addi %mul3A_0, %arg0 : i32
    "tpu.region"() ({
      %run_scoped3A = tpu.sem_alloc : memref<!tpu.dma_semaphore, #tpu.memory_space<semaphore_mem>>
      tpu.enqueue_dma source(%arg4 : memref<2x512xf32, #tpu.memory_space<hbm>>) target(%arg13 : memref<2x512xf32, #tpu.memory_space<vmem>>) target_semaphore(%run_scoped3A : memref<!tpu.dma_semaphore, #tpu.memory_space<semaphore_mem>>)
      tpu.wait_dma2 semaphore(%run_scoped3A : memref<!tpu.dma_semaphore, #tpu.memory_space<semaphore_mem>>) src(%arg4 : memref<2x512xf32, #tpu.memory_space<hbm>>) dst(%arg13 : memref<2x512xf32, #tpu.memory_space<vmem>>)
      tpu.yield
    }) : () -> ()
    %mul3A_1 = arith.constant 1024 : i32
    %mul3A_2 = arith.muli %add3A, %mul3A_1 : i32
    "tpu.region"() ({
      %run_scoped3A = tpu.sem_alloc : memref<!tpu.dma_semaphore, #tpu.memory_space<semaphore_mem>>
      %dma_start3A_34 = tpu.memref_slice %arg2[%mul3A_2] : memref<32768xi32, #tpu.memory_space<hbm>> -> memref<1024xi32, #tpu.memory_space<hbm>>
      %dma_start3A_35 = tpu.memref_slice %arg2[%mul3A_2] : memref<32768xi32, #tpu.memory_space<hbm>> -> memref<1024xi32, #tpu.memory_space<hbm>>
      tpu.enqueue_dma source(%dma_start3A_35 : memref<1024xi32, #tpu.memory_space<hbm>>) target(%arg6 : memref<1024xi32, #tpu.memory_space<vmem>>) target_semaphore(%run_scoped3A : memref<!tpu.dma_semaphore, #tpu.memory_space<semaphore_mem>>)
      %dma_wait3A_36 = tpu.memref_slice %arg2[%mul3A_2] : memref<32768xi32, #tpu.memory_space<hbm>> -> memref<1024xi32, #tpu.memory_space<hbm>>
      %dma_wait3A_37 = tpu.memref_slice %arg2[%mul3A_2] : memref<32768xi32, #tpu.memory_space<hbm>> -> memref<1024xi32, #tpu.memory_space<hbm>>
      tpu.wait_dma2 semaphore(%run_scoped3A : memref<!tpu.dma_semaphore, #tpu.memory_space<semaphore_mem>>) src(%dma_wait3A_37 : memref<1024xi32, #tpu.memory_space<hbm>>) dst(%arg6 : memref<1024xi32, #tpu.memory_space<vmem>>)
      tpu.yield
    }) : () -> ()
    %dma_start3A = arith.constant 0 : i32
    %dma_start3A_3 = tpu.memref_slice %arg6[%dma_start3A] : memref<1024xi32, #tpu.memory_space<vmem>> -> memref<32xi32, #tpu.memory_space<vmem>>
    %dma_start3A_4 = arith.constant 0 : i32
    %dma_start3A_5 = arith.constant 0 : i32
    %dma_start3A_6 = tpu.memref_slice %arg3[%dma_start3A_4, %dma_start3A_5] : memref<100000x512xf32, #tpu.memory_space<hbm>> -> memref<100000x512xf32, #tpu.memory_space<hbm>>
    tpu.enqueue_indirect_dma source(%dma_start3A_6 : memref<100000x512xf32, #tpu.memory_space<hbm>>) target(%arg7 : memref<32x512xf32, #tpu.memory_space<vmem>>) offsets(%dma_start3A_3 : memref<32xi32, #tpu.memory_space<vmem>>) semaphore(%arg14 : memref<!tpu.dma_semaphore, #tpu.memory_space<semaphore_mem>>)
    %dma_start3A_7 = arith.constant 128 : i32
    %dma_start3A_8 = tpu.memref_slice %arg6[%dma_start3A_7] : memref<1024xi32, #tpu.memory_space<vmem>> -> memref<32xi32, #tpu.memory_space<vmem>>
    %dma_start3A_9 = arith.constant 0 : i32
    %dma_start3A_10 = arith.constant 0 : i32
    %dma_start3A_11 = tpu.memref_slice %arg3[%dma_start3A_9, %dma_start3A_10] : memref<100000x512xf32, #tpu.memory_space<hbm>> -> memref<100000x512xf32, #tpu.memory_space<hbm>>
    tpu.enqueue_indirect_dma source(%dma_start3A_11 : memref<100000x512xf32, #tpu.memory_space<hbm>>) target(%arg8 : memref<32x512xf32, #tpu.memory_space<vmem>>) offsets(%dma_start3A_8 : memref<32xi32, #tpu.memory_space<vmem>>) semaphore(%arg14 : memref<!tpu.dma_semaphore, #tpu.memory_space<semaphore_mem>>)
    %scan3A = arith.constant 0 : i32
    %scan3A_12 = arith.constant 0 : i32
    %scan3A_13 = arith.constant 8 : i32
    %scan3A_14 = arith.addi %scan3A_12, %scan3A_13 : i32
    %scan3A_15 = arith.constant 1 : i32
    scf.for %scan3A_34 = %scan3A_12 to %scan3A_14 step %scan3A_15  : i32 {
      %mul3A_35 = arith.constant 2 : i32
      %mul3A_36 = arith.muli %mul3A_35, %scan3A_34 : i32
      %add3A_37 = arith.constant 1 : i32
      %add3A_38 = arith.addi %mul3A_36, %add3A_37 : i32
      %mul3A_39 = arith.constant 16 : i32
      %mul3A_40 = arith.muli %add3A, %mul3A_39 : i32
      %add3A_41 = arith.addi %mul3A_40, %mul3A_36 : i32
      %mul3A_42 = arith.constant 32 : i32
      %mul3A_43 = arith.muli %add3A_41, %mul3A_42 : i32
      %add3A_44 = arith.constant 32 : i32
      %add3A_45 = arith.addi %mul3A_43, %add3A_44 : i32
      %jit3A = arith.constant 4 : i32
      %div3A = arith.divsi %add3A_38, %jit3A : i32
      %sign3A = arith.constant 0 : i32
      %sign3A_46 = arith.cmpi sgt, %add3A_38, %sign3A : i32
      %sign3A_47 = arith.extui %sign3A_46 : i1 to i32
      %sign3A_48 = arith.constant 0 : i32
      %sign3A_49 = arith.cmpi slt, %add3A_38, %sign3A_48 : i32
      %sign3A_50 = arith.extui %sign3A_49 : i1 to i32
      %sign3A_51 = arith.subi %sign3A_47, %sign3A_50 : i32
      %sign3A_52 = arith.constant 0 : i32
      %sign3A_53 = arith.cmpi sgt, %jit3A, %sign3A_52 : i32
      %sign3A_54 = arith.extui %sign3A_53 : i1 to i32
      %sign3A_55 = arith.constant 0 : i32
      %sign3A_56 = arith.cmpi slt, %jit3A, %sign3A_55 : i32
      %sign3A_57 = arith.extui %sign3A_56 : i1 to i32
      %sign3A_58 = arith.subi %sign3A_54, %sign3A_57 : i32
      %ne3A = arith.cmpi ne, %sign3A_51, %sign3A_58 : i32
      %rem3A = arith.remsi %add3A_38, %jit3A : i32
      %ne3A_59 = arith.constant 0 : i32
      %ne3A_60 = arith.cmpi ne, %rem3A, %ne3A_59 : i32
      %and3A = arith.andi %ne3A, %ne3A_60 : i1
      %sub3A = arith.constant 1 : i32
      %sub3A_61 = arith.subi %div3A, %sub3A : i32
      %select_n3A = arith.select %and3A, %sub3A_61, %div3A : i32
      %mul3A_62 = arith.constant 256 : i32
      %mul3A_63 = arith.muli %select_n3A, %mul3A_62 : i32
      %jit3A_64 = arith.constant 4 : i32
      %eq3A = arith.constant 0 : i32
      %eq3A_65 = arith.cmpi eq, %jit3A_64, %eq3A : i32
      %jit3A_66 = arith.constant 1 : i32
      %select_n3A_67 = arith.select %eq3A_65, %jit3A_66, %jit3A_64 : i32
      %rem3A_68 = arith.remsi %add3A_38, %select_n3A_67 : i32
      %ne3A_69 = arith.constant 0 : i32
      %ne3A_70 = arith.cmpi ne, %rem3A_68, %ne3A_69 : i32
      %lt3A = arith.constant 0 : i32
      %lt3A_71 = arith.cmpi slt, %rem3A_68, %lt3A : i32
      %lt3A_72 = arith.constant 0 : i32
      %lt3A_73 = arith.cmpi slt, %select_n3A_67, %lt3A_72 : i32
      %ne3A_74 = arith.xori %lt3A_71, %lt3A_73 : i1
      %and3A_75 = arith.andi %ne3A_74, %ne3A_70 : i1
      %add3A_76 = arith.addi %rem3A_68, %select_n3A_67 : i32
      %select_n3A_77 = arith.select %and3A_75, %add3A_76, %rem3A_68 : i32
      %mul3A_78 = arith.constant 32 : i32
      %mul3A_79 = arith.muli %select_n3A_77, %mul3A_78 : i32
      %add3A_80 = arith.addi %mul3A_63, %mul3A_79 : i32
      %dma_start3A_81 = tpu.memref_slice %arg6[%add3A_80] : memref<1024xi32, #tpu.memory_space<vmem>> -> memref<32xi32, #tpu.memory_space<vmem>>
      %dma_start3A_82 = arith.constant 0 : i32
      %dma_start3A_83 = arith.constant 0 : i32
      %dma_start3A_84 = tpu.memref_slice %arg3[%dma_start3A_82, %dma_start3A_83] : memref<100000x512xf32, #tpu.memory_space<hbm>> -> memref<100000x512xf32, #tpu.memory_space<hbm>>
      tpu.enqueue_indirect_dma source(%dma_start3A_84 : memref<100000x512xf32, #tpu.memory_space<hbm>>) target(%arg9 : memref<32x512xf32, #tpu.memory_space<vmem>>) offsets(%dma_start3A_81 : memref<32xi32, #tpu.memory_space<vmem>>) semaphore(%arg15 : memref<!tpu.dma_semaphore, #tpu.memory_space<semaphore_mem>>)
      %add3A_85 = arith.constant 128 : i32
      %add3A_86 = arith.addi %add3A_80, %add3A_85 : i32
      %dma_start3A_87 = tpu.memref_slice %arg6[%add3A_86] : memref<1024xi32, #tpu.memory_space<vmem>> -> memref<32xi32, #tpu.memory_space<vmem>>
      %dma_start3A_88 = arith.constant 0 : i32
      %dma_start3A_89 = arith.constant 0 : i32
      %dma_start3A_90 = tpu.memref_slice %arg3[%dma_start3A_88, %dma_start3A_89] : memref<100000x512xf32, #tpu.memory_space<hbm>> -> memref<100000x512xf32, #tpu.memory_space<hbm>>
      tpu.enqueue_indirect_dma source(%dma_start3A_90 : memref<100000x512xf32, #tpu.memory_space<hbm>>) target(%arg10 : memref<32x512xf32, #tpu.memory_space<vmem>>) offsets(%dma_start3A_87 : memref<32xi32, #tpu.memory_space<vmem>>) semaphore(%arg15 : memref<!tpu.dma_semaphore, #tpu.memory_space<semaphore_mem>>)
      %jit3A_91 = arith.constant 4 : i32
      %div3A_92 = arith.divsi %mul3A_36, %jit3A_91 : i32
      %sign3A_93 = arith.constant 0 : i32
      %sign3A_94 = arith.cmpi sgt, %mul3A_36, %sign3A_93 : i32
      %sign3A_95 = arith.extui %sign3A_94 : i1 to i32
      %sign3A_96 = arith.constant 0 : i32
      %sign3A_97 = arith.cmpi slt, %mul3A_36, %sign3A_96 : i32
      %sign3A_98 = arith.extui %sign3A_97 : i1 to i32
      %sign3A_99 = arith.subi %sign3A_95, %sign3A_98 : i32
      %sign3A_100 = arith.constant 0 : i32
      %sign3A_101 = arith.cmpi sgt, %jit3A_91, %sign3A_100 : i32
      %sign3A_102 = arith.extui %sign3A_101 : i1 to i32
      %sign3A_103 = arith.constant 0 : i32
      %sign3A_104 = arith.cmpi slt, %jit3A_91, %sign3A_103 : i32
      %sign3A_105 = arith.extui %sign3A_104 : i1 to i32
      %sign3A_106 = arith.subi %sign3A_102, %sign3A_105 : i32
      %ne3A_107 = arith.cmpi ne, %sign3A_99, %sign3A_106 : i32
      %rem3A_108 = arith.remsi %mul3A_36, %jit3A_91 : i32
      %ne3A_109 = arith.constant 0 : i32
      %ne3A_110 = arith.cmpi ne, %rem3A_108, %ne3A_109 : i32
      %and3A_111 = arith.andi %ne3A_107, %ne3A_110 : i1
      %sub3A_112 = arith.constant 1 : i32
      %sub3A_113 = arith.subi %div3A_92, %sub3A_112 : i32
      %select_n3A_114 = arith.select %and3A_111, %sub3A_113, %div3A_92 : i32
      %mul3A_115 = arith.constant 256 : i32
      %mul3A_116 = arith.muli %select_n3A_114, %mul3A_115 : i32
      %jit3A_117 = arith.constant 4 : i32
      %eq3A_118 = arith.constant 0 : i32
      %eq3A_119 = arith.cmpi eq, %jit3A_117, %eq3A_118 : i32
      %jit3A_120 = arith.constant 1 : i32
      %select_n3A_121 = arith.select %eq3A_119, %jit3A_120, %jit3A_117 : i32
      %rem3A_122 = arith.remsi %mul3A_36, %select_n3A_121 : i32
      %ne3A_123 = arith.constant 0 : i32
      %ne3A_124 = arith.cmpi ne, %rem3A_122, %ne3A_123 : i32
      %lt3A_125 = arith.constant 0 : i32
      %lt3A_126 = arith.cmpi slt, %rem3A_122, %lt3A_125 : i32
      %lt3A_127 = arith.constant 0 : i32
      %lt3A_128 = arith.cmpi slt, %select_n3A_121, %lt3A_127 : i32
      %ne3A_129 = arith.xori %lt3A_126, %lt3A_128 : i1
      %and3A_130 = arith.andi %ne3A_129, %ne3A_124 : i1
      %add3A_131 = arith.addi %rem3A_122, %select_n3A_121 : i32
      %select_n3A_132 = arith.select %and3A_130, %add3A_131, %rem3A_122 : i32
      %mul3A_133 = arith.constant 32 : i32
      %mul3A_134 = arith.muli %select_n3A_132, %mul3A_133 : i32
      %add3A_135 = arith.addi %mul3A_116, %mul3A_134 : i32
      %dma_wait3A_136 = tpu.memref_slice %arg6[%add3A_135] : memref<1024xi32, #tpu.memory_space<vmem>> -> memref<32xi32, #tpu.memory_space<vmem>>
      %dma_wait3A_137 = arith.constant 0 : i32
      %dma_wait3A_138 = arith.constant 0 : i32
      %dma_wait3A_139 = tpu.memref_slice %arg3[%dma_wait3A_137, %dma_wait3A_138] : memref<100000x512xf32, #tpu.memory_space<hbm>> -> memref<100000x512xf32, #tpu.memory_space<hbm>>
      tpu.wait_indirect_dma semaphore(%arg14 : memref<!tpu.dma_semaphore, #tpu.memory_space<semaphore_mem>>) src(%dma_wait3A_139 : memref<100000x512xf32, #tpu.memory_space<hbm>>) dst(%arg7 : memref<32x512xf32, #tpu.memory_space<vmem>>)
      %add3A_140 = arith.constant 128 : i32
      %add3A_141 = arith.addi %add3A_135, %add3A_140 : i32
      %dma_wait3A_142 = tpu.memref_slice %arg6[%add3A_141] : memref<1024xi32, #tpu.memory_space<vmem>> -> memref<32xi32, #tpu.memory_space<vmem>>
      %dma_wait3A_143 = arith.constant 0 : i32
      %dma_wait3A_144 = arith.constant 0 : i32
      %dma_wait3A_145 = tpu.memref_slice %arg3[%dma_wait3A_143, %dma_wait3A_144] : memref<100000x512xf32, #tpu.memory_space<hbm>> -> memref<100000x512xf32, #tpu.memory_space<hbm>>
      tpu.wait_indirect_dma semaphore(%arg14 : memref<!tpu.dma_semaphore, #tpu.memory_space<semaphore_mem>>) src(%dma_wait3A_145 : memref<100000x512xf32, #tpu.memory_space<hbm>>) dst(%arg8 : memref<32x512xf32, #tpu.memory_space<vmem>>)
      %gt3A = arith.constant 0 : i32
      %gt3A_146 = arith.cmpi sgt, %scan3A_34, %gt3A : i32
      %convert_element_type3A = arith.extui %gt3A_146 : i1 to i32
      %cond3A = arith.constant 0 : i32
      %cond3A_147 = arith.cmpi ne, %convert_element_type3A, %cond3A : i32
      scf.if %cond3A_147 {
        %dma_wait3A_877 = arith.constant 0 : i32
        %dma_wait3A_878 = arith.constant 0 : i32
        %dma_wait3A_879 = tpu.memref_slice %arg5[%mul3A_43, %dma_wait3A_877, %dma_wait3A_878] : memref<16384x1x512xf32, #tpu.memory_space<hbm>> -> memref<32x1x512xf32, #tpu.memory_space<hbm>>
        %dma_wait3A_880 = tpu.memref_squeeze %dma_wait3A_879 : memref<32x1x512xf32, #tpu.memory_space<hbm>> -> memref<32x512xf32, #tpu.memory_space<hbm>>
        %dma_wait3A_881 = arith.constant 0 : i32
        %dma_wait3A_882 = tpu.memref_slice %arg5[%mul3A_43, %dma_wait3A_877, %dma_wait3A_881] : memref<16384x1x512xf32, #tpu.memory_space<hbm>> -> memref<32x1x512xf32, #tpu.memory_space<hbm>>
        %dma_wait3A_883 = tpu.memref_squeeze %dma_wait3A_882 : memref<32x1x512xf32, #tpu.memory_space<hbm>> -> memref<32x512xf32, #tpu.memory_space<hbm>>
        tpu.wait_dma2 semaphore(%arg16 : memref<!tpu.dma_semaphore, #tpu.memory_space<semaphore_mem>>) src(%arg11 : memref<32x512xf32, #tpu.memory_space<vmem>>) dst(%dma_wait3A_883 : memref<32x512xf32, #tpu.memory_space<hbm>>)
      } else {
      }
      %get3A = arith.constant 0 : i32
      %get3A_148 = arith.index_cast %get3A : i32 to index
      %get3A_149 = arith.constant 0 : index
      %get3A_150 = tpu.vector_load %arg13[%get3A_148, %get3A_149] {strides = array<i32>} : memref<2x512xf32, #tpu.memory_space<vmem>>, vector<1x16xf32>,
      %get3A_151 = vector.shape_cast %get3A_150 : vector<1x16xf32> to vector<16xf32>
      %get3A_152 = arith.constant 1 : i32
      %get3A_153 = arith.index_cast %get3A_152 : i32 to index
      %get3A_154 = arith.constant 0 : index
      %get3A_155 = tpu.vector_load %arg13[%get3A_153, %get3A_154] {strides = array<i32>} : memref<2x512xf32, #tpu.memory_space<vmem>>, vector<1x16xf32>,
      %get3A_156 = vector.shape_cast %get3A_155 : vector<1x16xf32> to vector<16xf32>
      %get3A_157 = arith.constant 0 : i32
      %get3A_158 = arith.index_cast %get3A_157 : i32 to index
      %get3A_159 = arith.constant 16 : index
      %get3A_160 = tpu.vector_load %arg13[%get3A_158, %get3A_159] {strides = array<i32>} : memref<2x512xf32, #tpu.memory_space<vmem>>, vector<1x16xf32>,
      %get3A_161 = vector.shape_cast %get3A_160 : vector<1x16xf32> to vector<16xf32>
      %get3A_162 = arith.constant 1 : i32
      %get3A_163 = arith.index_cast %get3A_162 : i32 to index
      %get3A_164 = arith.constant 16 : index
      %get3A_165 = tpu.vector_load %arg13[%get3A_163, %get3A_164] {strides = array<i32>} : memref<2x512xf32, #tpu.memory_space<vmem>>, vector<1x16xf32>,
      %get3A_166 = vector.shape_cast %get3A_165 : vector<1x16xf32> to vector<16xf32>
      %get3A_167 = arith.constant 0 : i32
      %get3A_168 = arith.index_cast %get3A_167 : i32 to index
      %get3A_169 = arith.constant 32 : index
      %get3A_170 = tpu.vector_load %arg13[%get3A_168, %get3A_169] {strides = array<i32>} : memref<2x512xf32, #tpu.memory_space<vmem>>, vector<1x16xf32>,
      %get3A_171 = vector.shape_cast %get3A_170 : vector<1x16xf32> to vector<16xf32>
      %get3A_172 = arith.constant 1 : i32
      %get3A_173 = arith.index_cast %get3A_172 : i32 to index
      %get3A_174 = arith.constant 32 : index
      %get3A_175 = tpu.vector_load %arg13[%get3A_173, %get3A_174] {strides = array<i32>} : memref<2x512xf32, #tpu.memory_space<vmem>>, vector<1x16xf32>,
      %get3A_176 = vector.shape_cast %get3A_175 : vector<1x16xf32> to vector<16xf32>
      %get3A_177 = arith.constant 0 : i32
      %get3A_178 = arith.index_cast %get3A_177 : i32 to index
      %get3A_179 = arith.constant 48 : index
      %get3A_180 = tpu.vector_load %arg13[%get3A_178, %get3A_179] {strides = array<i32>} : memref<2x512xf32, #tpu.memory_space<vmem>>, vector<1x16xf32>,
      %get3A_181 = vector.shape_cast %get3A_180 : vector<1x16xf32> to vector<16xf32>
      %get3A_182 = arith.constant 1 : i32
      %get3A_183 = arith.index_cast %get3A_182 : i32 to index
      %get3A_184 = arith.constant 48 : index
      %get3A_185 = tpu.vector_load %arg13[%get3A_183, %get3A_184] {strides = array<i32>} : memref<2x512xf32, #tpu.memory_space<vmem>>, vector<1x16xf32>,
      %get3A_186 = vector.shape_cast %get3A_185 : vector<1x16xf32> to vector<16xf32>
      %get3A_187 = arith.constant 0 : i32
      %get3A_188 = arith.index_cast %get3A_187 : i32 to index
      %get3A_189 = arith.constant 64 : index
      %get3A_190 = tpu.vector_load %arg13[%get3A_188, %get3A_189] {strides = array<i32>} : memref<2x512xf32, #tpu.memory_space<vmem>>, vector<1x16xf32>,
      %get3A_191 = vector.shape_cast %get3A_190 : vector<1x16xf32> to vector<16xf32>
      %get3A_192 = arith.constant 1 : i32
      %get3A_193 = arith.index_cast %get3A_192 : i32 to index
      %get3A_194 = arith.constant 64 : index
      %get3A_195 = tpu.vector_load %arg13[%get3A_193, %get3A_194] {strides = array<i32>} : memref<2x512xf32, #tpu.memory_space<vmem>>, vector<1x16xf32>,
      %get3A_196 = vector.shape_cast %get3A_195 : vector<1x16xf32> to vector<16xf32>
      %get3A_197 = arith.constant 0 : i32
      %get3A_198 = arith.index_cast %get3A_197 : i32 to index
      %get3A_199 = arith.constant 80 : index
      %get3A_200 = tpu.vector_load %arg13[%get3A_198, %get3A_199] {strides = array<i32>} : memref<2x512xf32, #tpu.memory_space<vmem>>, vector<1x16xf32>,
      %get3A_201 = vector.shape_cast %get3A_200 : vector<1x16xf32> to vector<16xf32>
      %get3A_202 = arith.constant 1 : i32
      %get3A_203 = arith.index_cast %get3A_202 : i32 to index
      %get3A_204 = arith.constant 80 : index
      %get3A_205 = tpu.vector_load %arg13[%get3A_203, %get3A_204] {strides = array<i32>} : memref<2x512xf32, #tpu.memory_space<vmem>>, vector<1x16xf32>,
      %get3A_206 = vector.shape_cast %get3A_205 : vector<1x16xf32> to vector<16xf32>
      %get3A_207 = arith.constant 0 : i32
      %get3A_208 = arith.index_cast %get3A_207 : i32 to index
      %get3A_209 = arith.constant 96 : index
      %get3A_210 = tpu.vector_load %arg13[%get3A_208, %get3A_209] {strides = array<i32>} : memref<2x512xf32, #tpu.memory_space<vmem>>, vector<1x16xf32>,
      %get3A_211 = vector.shape_cast %get3A_210 : vector<1x16xf32> to vector<16xf32>
      %get3A_212 = arith.constant 1 : i32
      %get3A_213 = arith.index_cast %get3A_212 : i32 to index
      %get3A_214 = arith.constant 96 : index
      %get3A_215 = tpu.vector_load %arg13[%get3A_213, %get3A_214] {strides = array<i32>} : memref<2x512xf32, #tpu.memory_space<vmem>>, vector<1x16xf32>,
      %get3A_216 = vector.shape_cast %get3A_215 : vector<1x16xf32> to vector<16xf32>
      %get3A_217 = arith.constant 0 : i32
      %get3A_218 = arith.index_cast %get3A_217 : i32 to index
      %get3A_219 = arith.constant 112 : index
      %get3A_220 = tpu.vector_load %arg13[%get3A_218, %get3A_219] {strides = array<i32>} : memref<2x512xf32, #tpu.memory_space<vmem>>, vector<1x16xf32>,
      %get3A_221 = vector.shape_cast %get3A_220 : vector<1x16xf32> to vector<16xf32>
      %get3A_222 = arith.constant 1 : i32
      %get3A_223 = arith.index_cast %get3A_222 : i32 to index
      %get3A_224 = arith.constant 112 : index
      %get3A_225 = tpu.vector_load %arg13[%get3A_223, %get3A_224] {strides = array<i32>} : memref<2x512xf32, #tpu.memory_space<vmem>>, vector<1x16xf32>,
      %get3A_226 = vector.shape_cast %get3A_225 : vector<1x16xf32> to vector<16xf32>
      %get3A_227 = arith.constant 0 : i32
      %get3A_228 = arith.index_cast %get3A_227 : i32 to index
      %get3A_229 = arith.constant 128 : index
      %get3A_230 = tpu.vector_load %arg13[%get3A_228, %get3A_229] {strides = array<i32>} : memref<2x512xf32, #tpu.memory_space<vmem>>, vector<1x16xf32>,
      %get3A_231 = vector.shape_cast %get3A_230 : vector<1x16xf32> to vector<16xf32>
      %get3A_232 = arith.constant 1 : i32
      %get3A_233 = arith.index_cast %get3A_232 : i32 to index
      %get3A_234 = arith.constant 128 : index
      %get3A_235 = tpu.vector_load %arg13[%get3A_233, %get3A_234] {strides = array<i32>} : memref<2x512xf32, #tpu.memory_space<vmem>>, vector<1x16xf32>,
      %get3A_236 = vector.shape_cast %get3A_235 : vector<1x16xf32> to vector<16xf32>
      %get3A_237 = arith.constant 0 : i32
      %get3A_238 = arith.index_cast %get3A_237 : i32 to index
      %get3A_239 = arith.constant 144 : index
      %get3A_240 = tpu.vector_load %arg13[%get3A_238, %get3A_239] {strides = array<i32>} : memref<2x512xf32, #tpu.memory_space<vmem>>, vector<1x16xf32>,
      %get3A_241 = vector.shape_cast %get3A_240 : vector<1x16xf32> to vector<16xf32>
      %get3A_242 = arith.constant 1 : i32
      %get3A_243 = arith.index_cast %get3A_242 : i32 to index
      %get3A_244 = arith.constant 144 : index
      %get3A_245 = tpu.vector_load %arg13[%get3A_243, %get3A_244] {strides = array<i32>} : memref<2x512xf32, #tpu.memory_space<vmem>>, vector<1x16xf32>,
      %get3A_246 = vector.shape_cast %get3A_245 : vector<1x16xf32> to vector<16xf32>
      %get3A_247 = arith.constant 0 : i32
      %get3A_248 = arith.index_cast %get3A_247 : i32 to index
      %get3A_249 = arith.constant 160 : index
      %get3A_250 = tpu.vector_load %arg13[%get3A_248, %get3A_249] {strides = array<i32>} : memref<2x512xf32, #tpu.memory_space<vmem>>, vector<1x16xf32>,
      %get3A_251 = vector.shape_cast %get3A_250 : vector<1x16xf32> to vector<16xf32>
      %get3A_252 = arith.constant 1 : i32
      %get3A_253 = arith.index_cast %get3A_252 : i32 to index
      %get3A_254 = arith.constant 160 : index
      %get3A_255 = tpu.vector_load %arg13[%get3A_253, %get3A_254] {strides = array<i32>} : memref<2x512xf32, #tpu.memory_space<vmem>>, vector<1x16xf32>,
      %get3A_256 = vector.shape_cast %get3A_255 : vector<1x16xf32> to vector<16xf32>
      %get3A_257 = arith.constant 0 : i32
      %get3A_258 = arith.index_cast %get3A_257 : i32 to index
      %get3A_259 = arith.constant 176 : index
      %get3A_260 = tpu.vector_load %arg13[%get3A_258, %get3A_259] {strides = array<i32>} : memref<2x512xf32, #tpu.memory_space<vmem>>, vector<1x16xf32>,
      %get3A_261 = vector.shape_cast %get3A_260 : vector<1x16xf32> to vector<16xf32>
      %get3A_262 = arith.constant 1 : i32
      %get3A_263 = arith.index_cast %get3A_262 : i32 to index
      %get3A_264 = arith.constant 176 : index
      %get3A_265 = tpu.vector_load %arg13[%get3A_263, %get3A_264] {strides = array<i32>} : memref<2x512xf32, #tpu.memory_space<vmem>>, vector<1x16xf32>,
      %get3A_266 = vector.shape_cast %get3A_265 : vector<1x16xf32> to vector<16xf32>
      %get3A_267 = arith.constant 0 : i32
      %get3A_268 = arith.index_cast %get3A_267 : i32 to index
      %get3A_269 = arith.constant 192 : index
      %get3A_270 = tpu.vector_load %arg13[%get3A_268, %get3A_269] {strides = array<i32>} : memref<2x512xf32, #tpu.memory_space<vmem>>, vector<1x16xf32>,
      %get3A_271 = vector.shape_cast %get3A_270 : vector<1x16xf32> to vector<16xf32>
      %get3A_272 = arith.constant 1 : i32
      %get3A_273 = arith.index_cast %get3A_272 : i32 to index
      %get3A_274 = arith.constant 192 : index
      %get3A_275 = tpu.vector_load %arg13[%get3A_273, %get3A_274] {strides = array<i32>} : memref<2x512xf32, #tpu.memory_space<vmem>>, vector<1x16xf32>,
      %get3A_276 = vector.shape_cast %get3A_275 : vector<1x16xf32> to vector<16xf32>
      %get3A_277 = arith.constant 0 : i32
      %get3A_278 = arith.index_cast %get3A_277 : i32 to index
      %get3A_279 = arith.constant 208 : index
      %get3A_280 = tpu.vector_load %arg13[%get3A_278, %get3A_279] {strides = array<i32>} : memref<2x512xf32, #tpu.memory_space<vmem>>, vector<1x16xf32>,
      %get3A_281 = vector.shape_cast %get3A_280 : vector<1x16xf32> to vector<16xf32>
      %get3A_282 = arith.constant 1 : i32
      %get3A_283 = arith.index_cast %get3A_282 : i32 to index
      %get3A_284 = arith.constant 208 : index
      %get3A_285 = tpu.vector_load %arg13[%get3A_283, %get3A_284] {strides = array<i32>} : memref<2x512xf32, #tpu.memory_space<vmem>>, vector<1x16xf32>,
      %get3A_286 = vector.shape_cast %get3A_285 : vector<1x16xf32> to vector<16xf32>
      %get3A_287 = arith.constant 0 : i32
      %get3A_288 = arith.index_cast %get3A_287 : i32 to index
      %get3A_289 = arith.constant 224 : index
      %get3A_290 = tpu.vector_load %arg13[%get3A_288, %get3A_289] {strides = array<i32>} : memref<2x512xf32, #tpu.memory_space<vmem>>, vector<1x16xf32>,
      %get3A_291 = vector.shape_cast %get3A_290 : vector<1x16xf32> to vector<16xf32>
      %get3A_292 = arith.constant 1 : i32
      %get3A_293 = arith.index_cast %get3A_292 : i32 to index
      %get3A_294 = arith.constant 224 : index
      %get3A_295 = tpu.vector_load %arg13[%get3A_293, %get3A_294] {strides = array<i32>} : memref<2x512xf32, #tpu.memory_space<vmem>>, vector<1x16xf32>,
      %get3A_296 = vector.shape_cast %get3A_295 : vector<1x16xf32> to vector<16xf32>
      %get3A_297 = arith.constant 0 : i32
      %get3A_298 = arith.index_cast %get3A_297 : i32 to index
      %get3A_299 = arith.constant 240 : index
      %get3A_300 = tpu.vector_load %arg13[%get3A_298, %get3A_299] {strides = array<i32>} : memref<2x512xf32, #tpu.memory_space<vmem>>, vector<1x16xf32>,
      %get3A_301 = vector.shape_cast %get3A_300 : vector<1x16xf32> to vector<16xf32>
      %get3A_302 = arith.constant 1 : i32
      %get3A_303 = arith.index_cast %get3A_302 : i32 to index
      %get3A_304 = arith.constant 240 : index
      %get3A_305 = tpu.vector_load %arg13[%get3A_303, %get3A_304] {strides = array<i32>} : memref<2x512xf32, #tpu.memory_space<vmem>>, vector<1x16xf32>,
      %get3A_306 = vector.shape_cast %get3A_305 : vector<1x16xf32> to vector<16xf32>
      %parallel_loop3A = arith.constant 0 : i32
      %parallel_loop3A_307 = arith.constant 32 : i32
      %parallel_loop3A_308 = arith.constant 1 : i32
      scf.for %parallel_loop3A_877 = %parallel_loop3A to %parallel_loop3A_307 step %parallel_loop3A_308  : i32 {
        %parallel_loop3A_878 = arith.index_cast %parallel_loop3A_877 : i32 to index
        %parallel_loop3A_879 = arith.constant 0 : index
        %parallel_loop3A_880 = tpu.vector_load %arg7[%parallel_loop3A_878, %parallel_loop3A_879] {strides = array<i32>} : memref<32x512xf32, #tpu.memory_space<vmem>>, vector<1x16xf32>,
        %parallel_loop3A_881 = vector.shape_cast %parallel_loop3A_880 : vector<1x16xf32> to vector<16xf32>
        %parallel_loop3A_882 = arith.index_cast %parallel_loop3A_877 : i32 to index
        %parallel_loop3A_883 = arith.constant 0 : index
        %parallel_loop3A_884 = tpu.vector_load %arg8[%parallel_loop3A_882, %parallel_loop3A_883] {strides = array<i32>} : memref<32x512xf32, #tpu.memory_space<vmem>>, vector<1x16xf32>,
        %parallel_loop3A_885 = vector.shape_cast %parallel_loop3A_884 : vector<1x16xf32> to vector<16xf32>
        %parallel_loop3A_886 = arith.mulf %parallel_loop3A_881, %get3A_151 : vector<16xf32>
        %parallel_loop3A_887 = arith.mulf %parallel_loop3A_885, %get3A_156 : vector<16xf32>
        %parallel_loop3A_888 = arith.addf %parallel_loop3A_886, %parallel_loop3A_887 : vector<16xf32>
        %parallel_loop3A_889 = arith.constant 0.000000e+00 : f32
        %parallel_loop3A_890 = vector.broadcast %parallel_loop3A_889 : f32 to vector<16xf32>
        %parallel_loop3A_891 = arith.maximumf %parallel_loop3A_888, %parallel_loop3A_890 : vector<16xf32>
        %parallel_loop3A_892 = arith.index_cast %parallel_loop3A_877 : i32 to index
        %parallel_loop3A_893 = arith.constant 0 : index
        %parallel_loop3A_894 = tpu.vector_load %arg11[%parallel_loop3A_892, %parallel_loop3A_893] {strides = array<i32>} : memref<32x512xf32, #tpu.memory_space<vmem>>, vector<1x16xf32>,
        %parallel_loop3A_895 = vector.shape_cast %parallel_loop3A_894 : vector<1x16xf32> to vector<16xf32>
        %parallel_loop3A_896 = vector.shape_cast %parallel_loop3A_891 : vector<16xf32> to vector<1x16xf32>
        tpu.vector_store %arg11[%parallel_loop3A_892, %parallel_loop3A_893], %parallel_loop3A_896 {strides = array<i32>} : memref<32x512xf32, #tpu.memory_space<vmem>>, vector<1x16xf32>,
        %parallel_loop3A_897 = arith.index_cast %parallel_loop3A_877 : i32 to index
        %parallel_loop3A_898 = arith.constant 16 : index
        %parallel_loop3A_899 = tpu.vector_load %arg7[%parallel_loop3A_897, %parallel_loop3A_898] {strides = array<i32>} : memref<32x512xf32, #tpu.memory_space<vmem>>, vector<1x16xf32>,
        %parallel_loop3A_900 = vector.shape_cast %parallel_loop3A_899 : vector<1x16xf32> to vector<16xf32>
        %parallel_loop3A_901 = arith.index_cast %parallel_loop3A_877 : i32 to index
        %parallel_loop3A_902 = arith.constant 16 : index
        %parallel_loop3A_903 = tpu.vector_load %arg8[%parallel_loop3A_901, %parallel_loop3A_902] {strides = array<i32>} : memref<32x512xf32, #tpu.memory_space<vmem>>, vector<1x16xf32>,
        %parallel_loop3A_904 = vector.shape_cast %parallel_loop3A_903 : vector<1x16xf32> to vector<16xf32>
        %parallel_loop3A_905 = arith.mulf %parallel_loop3A_900, %get3A_161 : vector<16xf32>
        %parallel_loop3A_906 = arith.mulf %parallel_loop3A_904, %get3A_166 : vector<16xf32>
        %parallel_loop3A_907 = arith.addf %parallel_loop3A_905, %parallel_loop3A_906 : vector<16xf32>
        %parallel_loop3A_908 = arith.constant 0.000000e+00 : f32
        %parallel_loop3A_909 = vector.broadcast %parallel_loop3A_908 : f32 to vector<16xf32>
        %parallel_loop3A_910 = arith.maximumf %parallel_loop3A_907, %parallel_loop3A_909 : vector<16xf32>
        %parallel_loop3A_911 = arith.index_cast %parallel_loop3A_877 : i32 to index
        %parallel_loop3A_912 = arith.constant 16 : index
        %parallel_loop3A_913 = tpu.vector_load %arg11[%parallel_loop3A_911, %parallel_loop3A_912] {strides = array<i32>} : memref<32x512xf32, #tpu.memory_space<vmem>>, vector<1x16xf32>,
        %parallel_loop3A_914 = vector.shape_cast %parallel_loop3A_913 : vector<1x16xf32> to vector<16xf32>
        %parallel_loop3A_915 = vector.shape_cast %parallel_loop3A_910 : vector<16xf32> to vector<1x16xf32>
        tpu.vector_store %arg11[%parallel_loop3A_911, %parallel_loop3A_912], %parallel_loop3A_915 {strides = array<i32>} : memref<32x512xf32, #tpu.memory_space<vmem>>, vector<1x16xf32>,
        %parallel_loop3A_916 = arith.index_cast %parallel_loop3A_877 : i32 to index
        %parallel_loop3A_917 = arith.constant 32 : index
        %parallel_loop3A_918 = tpu.vector_load %arg7[%parallel_loop3A_916, %parallel_loop3A_917] {strides = array<i32>} : memref<32x512xf32, #tpu.memory_space<vmem>>, vector<1x16xf32>,
        %parallel_loop3A_919 = vector.shape_cast %parallel_loop3A_918 : vector<1x16xf32> to vector<16xf32>
        %parallel_loop3A_920 = arith.index_cast %parallel_loop3A_877 : i32 to index
        %parallel_loop3A_921 = arith.constant 32 : index
        %parallel_loop3A_922 = tpu.vector_load %arg8[%parallel_loop3A_920, %parallel_loop3A_921] {strides = array<i32>} : memref<32x512xf32, #tpu.memory_space<vmem>>, vector<1x16xf32>,
        %parallel_loop3A_923 = vector.shape_cast %parallel_loop3A_922 : vector<1x16xf32> to vector<16xf32>
        %parallel_loop3A_924 = arith.mulf %parallel_loop3A_919, %get3A_171 : vector<16xf32>
        %parallel_loop3A_925 = arith.mulf %parallel_loop3A_923, %get3A_176 : vector<16xf32>
        %parallel_loop3A_926 = arith.addf %parallel_loop3A_924, %parallel_loop3A_925 : vector<16xf32>
        %parallel_loop3A_927 = arith.constant 0.000000e+00 : f32
        %parallel_loop3A_928 = vector.broadcast %parallel_loop3A_927 : f32 to vector<16xf32>
        %parallel_loop3A_929 = arith.maximumf %parallel_loop3A_926, %parallel_loop3A_928 : vector<16xf32>
        %parallel_loop3A_930 = arith.index_cast %parallel_loop3A_877 : i32 to index
        %parallel_loop3A_931 = arith.constant 32 : index
        %parallel_loop3A_932 = tpu.vector_load %arg11[%parallel_loop3A_930, %parallel_loop3A_931] {strides = array<i32>} : memref<32x512xf32, #tpu.memory_space<vmem>>, vector<1x16xf32>,
        %parallel_loop3A_933 = vector.shape_cast %parallel_loop3A_932 : vector<1x16xf32> to vector<16xf32>
        %parallel_loop3A_934 = vector.shape_cast %parallel_loop3A_929 : vector<16xf32> to vector<1x16xf32>
        tpu.vector_store %arg11[%parallel_loop3A_930, %parallel_loop3A_931], %parallel_loop3A_934 {strides = array<i32>} : memref<32x512xf32, #tpu.memory_space<vmem>>, vector<1x16xf32>,
        %parallel_loop3A_935 = arith.index_cast %parallel_loop3A_877 : i32 to index
        %parallel_loop3A_936 = arith.constant 48 : index
        %parallel_loop3A_937 = tpu.vector_load %arg7[%parallel_loop3A_935, %parallel_loop3A_936] {strides = array<i32>} : memref<32x512xf32, #tpu.memory_space<vmem>>, vector<1x16xf32>,
        %parallel_loop3A_938 = vector.shape_cast %parallel_loop3A_937 : vector<1x16xf32> to vector<16xf32>
        %parallel_loop3A_939 = arith.index_cast %parallel_loop3A_877 : i32 to index
        %parallel_loop3A_940 = arith.constant 48 : index
        %parallel_loop3A_941 = tpu.vector_load %arg8[%parallel_loop3A_939, %parallel_loop3A_940] {strides = array<i32>} : memref<32x512xf32, #tpu.memory_space<vmem>>, vector<1x16xf32>,
        %parallel_loop3A_942 = vector.shape_cast %parallel_loop3A_941 : vector<1x16xf32> to vector<16xf32>
        %parallel_loop3A_943 = arith.mulf %parallel_loop3A_938, %get3A_181 : vector<16xf32>
        %parallel_loop3A_944 = arith.mulf %parallel_loop3A_942, %get3A_186 : vector<16xf32>
        %parallel_loop3A_945 = arith.addf %parallel_loop3A_943, %parallel_loop3A_944 : vector<16xf32>
        %parallel_loop3A_946 = arith.constant 0.000000e+00 : f32
        %parallel_loop3A_947 = vector.broadcast %parallel_loop3A_946 : f32 to vector<16xf32>
        %parallel_loop3A_948 = arith.maximumf %parallel_loop3A_945, %parallel_loop3A_947 : vector<16xf32>
        %parallel_loop3A_949 = arith.index_cast %parallel_loop3A_877 : i32 to index
        %parallel_loop3A_950 = arith.constant 48 : index
        %parallel_loop3A_951 = tpu.vector_load %arg11[%parallel_loop3A_949, %parallel_loop3A_950] {strides = array<i32>} : memref<32x512xf32, #tpu.memory_space<vmem>>, vector<1x16xf32>,
        %parallel_loop3A_952 = vector.shape_cast %parallel_loop3A_951 : vector<1x16xf32> to vector<16xf32>
        %parallel_loop3A_953 = vector.shape_cast %parallel_loop3A_948 : vector<16xf32> to vector<1x16xf32>
        tpu.vector_store %arg11[%parallel_loop3A_949, %parallel_loop3A_950], %parallel_loop3A_953 {strides = array<i32>} : memref<32x512xf32, #tpu.memory_space<vmem>>, vector<1x16xf32>,
        %parallel_loop3A_954 = arith.index_cast %parallel_loop3A_877 : i32 to index
        %parallel_loop3A_955 = arith.constant 64 : index
        %parallel_loop3A_956 = tpu.vector_load %arg7[%parallel_loop3A_954, %parallel_loop3A_955] {strides = array<i32>} : memref<32x512xf32, #tpu.memory_space<vmem>>, vector<1x16xf32>,
        %parallel_loop3A_957 = vector.shape_cast %parallel_loop3A_956 : vector<1x16xf32> to vector<16xf32>
        %parallel_loop3A_958 = arith.index_cast %parallel_loop3A_877 : i32 to index
        %parallel_loop3A_959 = arith.constant 64 : index
        %parallel_loop3A_960 = tpu.vector_load %arg8[%parallel_loop3A_958, %parallel_loop3A_959] {strides = array<i32>} : memref<32x512xf32, #tpu.memory_space<vmem>>, vector<1x16xf32>,
        %parallel_loop3A_961 = vector.shape_cast %parallel_loop3A_960 : vector<1x16xf32> to vector<16xf32>
        %parallel_loop3A_962 = arith.mulf %parallel_loop3A_957, %get3A_191 : vector<16xf32>
        %parallel_loop3A_963 = arith.mulf %parallel_loop3A_961, %get3A_196 : vector<16xf32>
        %parallel_loop3A_964 = arith.addf %parallel_loop3A_962, %parallel_loop3A_963 : vector<16xf32>
        %parallel_loop3A_965 = arith.constant 0.000000e+00 : f32
        %parallel_loop3A_966 = vector.broadcast %parallel_loop3A_965 : f32 to vector<16xf32>
        %parallel_loop3A_967 = arith.maximumf %parallel_loop3A_964, %parallel_loop3A_966 : vector<16xf32>
        %parallel_loop3A_968 = arith.index_cast %parallel_loop3A_877 : i32 to index
        %parallel_loop3A_969 = arith.constant 64 : index
        %parallel_loop3A_970 = tpu.vector_load %arg11[%parallel_loop3A_968, %parallel_loop3A_969] {strides = array<i32>} : memref<32x512xf32, #tpu.memory_space<vmem>>, vector<1x16xf32>,
        %parallel_loop3A_971 = vector.shape_cast %parallel_loop3A_970 : vector<1x16xf32> to vector<16xf32>
        %parallel_loop3A_972 = vector.shape_cast %parallel_loop3A_967 : vector<16xf32> to vector<1x16xf32>
        tpu.vector_store %arg11[%parallel_loop3A_968, %parallel_loop3A_969], %parallel_loop3A_972 {strides = array<i32>} : memref<32x512xf32, #tpu.memory_space<vmem>>, vector<1x16xf32>,
        %parallel_loop3A_973 = arith.index_cast %parallel_loop3A_877 : i32 to index
        %parallel_loop3A_974 = arith.constant 80 : index
        %parallel_loop3A_975 = tpu.vector_load %arg7[%parallel_loop3A_973, %parallel_loop3A_974] {strides = array<i32>} : memref<32x512xf32, #tpu.memory_space<vmem>>, vector<1x16xf32>,
        %parallel_loop3A_976 = vector.shape_cast %parallel_loop3A_975 : vector<1x16xf32> to vector<16xf32>
        %parallel_loop3A_977 = arith.index_cast %parallel_loop3A_877 : i32 to index
        %parallel_loop3A_978 = arith.constant 80 : index
        %parallel_loop3A_979 = tpu.vector_load %arg8[%parallel_loop3A_977, %parallel_loop3A_978] {strides = array<i32>} : memref<32x512xf32, #tpu.memory_space<vmem>>, vector<1x16xf32>,
        %parallel_loop3A_980 = vector.shape_cast %parallel_loop3A_979 : vector<1x16xf32> to vector<16xf32>
        %parallel_loop3A_981 = arith.mulf %parallel_loop3A_976, %get3A_201 : vector<16xf32>
        %parallel_loop3A_982 = arith.mulf %parallel_loop3A_980, %get3A_206 : vector<16xf32>
        %parallel_loop3A_983 = arith.addf %parallel_loop3A_981, %parallel_loop3A_982 : vector<16xf32>
        %parallel_loop3A_984 = arith.constant 0.000000e+00 : f32
        %parallel_loop3A_985 = vector.broadcast %parallel_loop3A_984 : f32 to vector<16xf32>
        %parallel_loop3A_986 = arith.maximumf %parallel_loop3A_983, %parallel_loop3A_985 : vector<16xf32>
        %parallel_loop3A_987 = arith.index_cast %parallel_loop3A_877 : i32 to index
        %parallel_loop3A_988 = arith.constant 80 : index
        %parallel_loop3A_989 = tpu.vector_load %arg11[%parallel_loop3A_987, %parallel_loop3A_988] {strides = array<i32>} : memref<32x512xf32, #tpu.memory_space<vmem>>, vector<1x16xf32>,
        %parallel_loop3A_990 = vector.shape_cast %parallel_loop3A_989 : vector<1x16xf32> to vector<16xf32>
        %parallel_loop3A_991 = vector.shape_cast %parallel_loop3A_986 : vector<16xf32> to vector<1x16xf32>
        tpu.vector_store %arg11[%parallel_loop3A_987, %parallel_loop3A_988], %parallel_loop3A_991 {strides = array<i32>} : memref<32x512xf32, #tpu.memory_space<vmem>>, vector<1x16xf32>,
        %parallel_loop3A_992 = arith.index_cast %parallel_loop3A_877 : i32 to index
        %parallel_loop3A_993 = arith.constant 96 : index
        %parallel_loop3A_994 = tpu.vector_load %arg7[%parallel_loop3A_992, %parallel_loop3A_993] {strides = array<i32>} : memref<32x512xf32, #tpu.memory_space<vmem>>, vector<1x16xf32>,
        %parallel_loop3A_995 = vector.shape_cast %parallel_loop3A_994 : vector<1x16xf32> to vector<16xf32>
        %parallel_loop3A_996 = arith.index_cast %parallel_loop3A_877 : i32 to index
        %parallel_loop3A_997 = arith.constant 96 : index
        %parallel_loop3A_998 = tpu.vector_load %arg8[%parallel_loop3A_996, %parallel_loop3A_997] {strides = array<i32>} : memref<32x512xf32, #tpu.memory_space<vmem>>, vector<1x16xf32>,
        %parallel_loop3A_999 = vector.shape_cast %parallel_loop3A_998 : vector<1x16xf32> to vector<16xf32>
        %parallel_loop3A_1000 = arith.mulf %parallel_loop3A_995, %get3A_211 : vector<16xf32>
        %parallel_loop3A_1001 = arith.mulf %parallel_loop3A_999, %get3A_216 : vector<16xf32>
        %parallel_loop3A_1002 = arith.addf %parallel_loop3A_1000, %parallel_loop3A_1001 : vector<16xf32>
        %parallel_loop3A_1003 = arith.constant 0.000000e+00 : f32
        %parallel_loop3A_1004 = vector.broadcast %parallel_loop3A_1003 : f32 to vector<16xf32>
        %parallel_loop3A_1005 = arith.maximumf %parallel_loop3A_1002, %parallel_loop3A_1004 : vector<16xf32>
        %parallel_loop3A_1006 = arith.index_cast %parallel_loop3A_877 : i32 to index
        %parallel_loop3A_1007 = arith.constant 96 : index
        %parallel_loop3A_1008 = tpu.vector_load %arg11[%parallel_loop3A_1006, %parallel_loop3A_1007] {strides = array<i32>} : memref<32x512xf32, #tpu.memory_space<vmem>>, vector<1x16xf32>,
        %parallel_loop3A_1009 = vector.shape_cast %parallel_loop3A_1008 : vector<1x16xf32> to vector<16xf32>
        %parallel_loop3A_1010 = vector.shape_cast %parallel_loop3A_1005 : vector<16xf32> to vector<1x16xf32>
        tpu.vector_store %arg11[%parallel_loop3A_1006, %parallel_loop3A_1007], %parallel_loop3A_1010 {strides = array<i32>} : memref<32x512xf32, #tpu.memory_space<vmem>>, vector<1x16xf32>,
        %parallel_loop3A_1011 = arith.index_cast %parallel_loop3A_877 : i32 to index
        %parallel_loop3A_1012 = arith.constant 112 : index
        %parallel_loop3A_1013 = tpu.vector_load %arg7[%parallel_loop3A_1011, %parallel_loop3A_1012] {strides = array<i32>} : memref<32x512xf32, #tpu.memory_space<vmem>>, vector<1x16xf32>,
        %parallel_loop3A_1014 = vector.shape_cast %parallel_loop3A_1013 : vector<1x16xf32> to vector<16xf32>
        %parallel_loop3A_1015 = arith.index_cast %parallel_loop3A_877 : i32 to index
        %parallel_loop3A_1016 = arith.constant 112 : index
        %parallel_loop3A_1017 = tpu.vector_load %arg8[%parallel_loop3A_1015, %parallel_loop3A_1016] {strides = array<i32>} : memref<32x512xf32, #tpu.memory_space<vmem>>, vector<1x16xf32>,
        %parallel_loop3A_1018 = vector.shape_cast %parallel_loop3A_1017 : vector<1x16xf32> to vector<16xf32>
        %parallel_loop3A_1019 = arith.mulf %parallel_loop3A_1014, %get3A_221 : vector<16xf32>
        %parallel_loop3A_1020 = arith.mulf %parallel_loop3A_1018, %get3A_226 : vector<16xf32>
        %parallel_loop3A_1021 = arith.addf %parallel_loop3A_1019, %parallel_loop3A_1020 : vector<16xf32>
        %parallel_loop3A_1022 = arith.constant 0.000000e+00 : f32
        %parallel_loop3A_1023 = vector.broadcast %parallel_loop3A_1022 : f32 to vector<16xf32>
        %parallel_loop3A_1024 = arith.maximumf %parallel_loop3A_1021, %parallel_loop3A_1023 : vector<16xf32>
        %parallel_loop3A_1025 = arith.index_cast %parallel_loop3A_877 : i32 to index
        %parallel_loop3A_1026 = arith.constant 112 : index
        %parallel_loop3A_1027 = tpu.vector_load %arg11[%parallel_loop3A_1025, %parallel_loop3A_1026] {strides = array<i32>} : memref<32x512xf32, #tpu.memory_space<vmem>>, vector<1x16xf32>,
        %parallel_loop3A_1028 = vector.shape_cast %parallel_loop3A_1027 : vector<1x16xf32> to vector<16xf32>
        %parallel_loop3A_1029 = vector.shape_cast %parallel_loop3A_1024 : vector<16xf32> to vector<1x16xf32>
        tpu.vector_store %arg11[%parallel_loop3A_1025, %parallel_loop3A_1026], %parallel_loop3A_1029 {strides = array<i32>} : memref<32x512xf32, #tpu.memory_space<vmem>>, vector<1x16xf32>,
        %parallel_loop3A_1030 = arith.index_cast %parallel_loop3A_877 : i32 to index
        %parallel_loop3A_1031 = arith.constant 128 : index
        %parallel_loop3A_1032 = tpu.vector_load %arg7[%parallel_loop3A_1030, %parallel_loop3A_1031] {strides = array<i32>} : memref<32x512xf32, #tpu.memory_space<vmem>>, vector<1x16xf32>,
        %parallel_loop3A_1033 = vector.shape_cast %parallel_loop3A_1032 : vector<1x16xf32> to vector<16xf32>
        %parallel_loop3A_1034 = arith.index_cast %parallel_loop3A_877 : i32 to index
        %parallel_loop3A_1035 = arith.constant 128 : index
        %parallel_loop3A_1036 = tpu.vector_load %arg8[%parallel_loop3A_1034, %parallel_loop3A_1035] {strides = array<i32>} : memref<32x512xf32, #tpu.memory_space<vmem>>, vector<1x16xf32>,
        %parallel_loop3A_1037 = vector.shape_cast %parallel_loop3A_1036 : vector<1x16xf32> to vector<16xf32>
        %parallel_loop3A_1038 = arith.mulf %parallel_loop3A_1033, %get3A_231 : vector<16xf32>
        %parallel_loop3A_1039 = arith.mulf %parallel_loop3A_1037, %get3A_236 : vector<16xf32>
        %parallel_loop3A_1040 = arith.addf %parallel_loop3A_1038, %parallel_loop3A_1039 : vector<16xf32>
        %parallel_loop3A_1041 = arith.constant 0.000000e+00 : f32
        %parallel_loop3A_1042 = vector.broadcast %parallel_loop3A_1041 : f32 to vector<16xf32>
        %parallel_loop3A_1043 = arith.maximumf %parallel_loop3A_1040, %parallel_loop3A_1042 : vector<16xf32>
        %parallel_loop3A_1044 = arith.index_cast %parallel_loop3A_877 : i32 to index
        %parallel_loop3A_1045 = arith.constant 128 : index
        %parallel_loop3A_1046 = tpu.vector_load %arg11[%parallel_loop3A_1044, %parallel_loop3A_1045] {strides = array<i32>} : memref<32x512xf32, #tpu.memory_space<vmem>>, vector<1x16xf32>,
        %parallel_loop3A_1047 = vector.shape_cast %parallel_loop3A_1046 : vector<1x16xf32> to vector<16xf32>
        %parallel_loop3A_1048 = vector.shape_cast %parallel_loop3A_1043 : vector<16xf32> to vector<1x16xf32>
        tpu.vector_store %arg11[%parallel_loop3A_1044, %parallel_loop3A_1045], %parallel_loop3A_1048 {strides = array<i32>} : memref<32x512xf32, #tpu.memory_space<vmem>>, vector<1x16xf32>,
        %parallel_loop3A_1049 = arith.index_cast %parallel_loop3A_877 : i32 to index
        %parallel_loop3A_1050 = arith.constant 144 : index
        %parallel_loop3A_1051 = tpu.vector_load %arg7[%parallel_loop3A_1049, %parallel_loop3A_1050] {strides = array<i32>} : memref<32x512xf32, #tpu.memory_space<vmem>>, vector<1x16xf32>,
        %parallel_loop3A_1052 = vector.shape_cast %parallel_loop3A_1051 : vector<1x16xf32> to vector<16xf32>
        %parallel_loop3A_1053 = arith.index_cast %parallel_loop3A_877 : i32 to index
        %parallel_loop3A_1054 = arith.constant 144 : index
        %parallel_loop3A_1055 = tpu.vector_load %arg8[%parallel_loop3A_1053, %parallel_loop3A_1054] {strides = array<i32>} : memref<32x512xf32, #tpu.memory_space<vmem>>, vector<1x16xf32>,
        %parallel_loop3A_1056 = vector.shape_cast %parallel_loop3A_1055 : vector<1x16xf32> to vector<16xf32>
        %parallel_loop3A_1057 = arith.mulf %parallel_loop3A_1052, %get3A_241 : vector<16xf32>
        %parallel_loop3A_1058 = arith.mulf %parallel_loop3A_1056, %get3A_246 : vector<16xf32>
        %parallel_loop3A_1059 = arith.addf %parallel_loop3A_1057, %parallel_loop3A_1058 : vector<16xf32>
        %parallel_loop3A_1060 = arith.constant 0.000000e+00 : f32
        %parallel_loop3A_1061 = vector.broadcast %parallel_loop3A_1060 : f32 to vector<16xf32>
        %parallel_loop3A_1062 = arith.maximumf %parallel_loop3A_1059, %parallel_loop3A_1061 : vector<16xf32>
        %parallel_loop3A_1063 = arith.index_cast %parallel_loop3A_877 : i32 to index
        %parallel_loop3A_1064 = arith.constant 144 : index
        %parallel_loop3A_1065 = tpu.vector_load %arg11[%parallel_loop3A_1063, %parallel_loop3A_1064] {strides = array<i32>} : memref<32x512xf32, #tpu.memory_space<vmem>>, vector<1x16xf32>,
        %parallel_loop3A_1066 = vector.shape_cast %parallel_loop3A_1065 : vector<1x16xf32> to vector<16xf32>
        %parallel_loop3A_1067 = vector.shape_cast %parallel_loop3A_1062 : vector<16xf32> to vector<1x16xf32>
        tpu.vector_store %arg11[%parallel_loop3A_1063, %parallel_loop3A_1064], %parallel_loop3A_1067 {strides = array<i32>} : memref<32x512xf32, #tpu.memory_space<vmem>>, vector<1x16xf32>,
        %parallel_loop3A_1068 = arith.index_cast %parallel_loop3A_877 : i32 to index
        %parallel_loop3A_1069 = arith.constant 160 : index
        %parallel_loop3A_1070 = tpu.vector_load %arg7[%parallel_loop3A_1068, %parallel_loop3A_1069] {strides = array<i32>} : memref<32x512xf32, #tpu.memory_space<vmem>>, vector<1x16xf32>,
        %parallel_loop3A_1071 = vector.shape_cast %parallel_loop3A_1070 : vector<1x16xf32> to vector<16xf32>
        %parallel_loop3A_1072 = arith.index_cast %parallel_loop3A_877 : i32 to index
        %parallel_loop3A_1073 = arith.constant 160 : index
        %parallel_loop3A_1074 = tpu.vector_load %arg8[%parallel_loop3A_1072, %parallel_loop3A_1073] {strides = array<i32>} : memref<32x512xf32, #tpu.memory_space<vmem>>, vector<1x16xf32>,
        %parallel_loop3A_1075 = vector.shape_cast %parallel_loop3A_1074 : vector<1x16xf32> to vector<16xf32>
        %parallel_loop3A_1076 = arith.mulf %parallel_loop3A_1071, %get3A_251 : vector<16xf32>
        %parallel_loop3A_1077 = arith.mulf %parallel_loop3A_1075, %get3A_256 : vector<16xf32>
        %parallel_loop3A_1078 = arith.addf %parallel_loop3A_1076, %parallel_loop3A_1077 : vector<16xf32>
        %parallel_loop3A_1079 = arith.constant 0.000000e+00 : f32
        %parallel_loop3A_1080 = vector.broadcast %parallel_loop3A_1079 : f32 to vector<16xf32>
        %parallel_loop3A_1081 = arith.maximumf %parallel_loop3A_1078, %parallel_loop3A_1080 : vector<16xf32>
        %parallel_loop3A_1082 = arith.index_cast %parallel_loop3A_877 : i32 to index
        %parallel_loop3A_1083 = arith.constant 160 : index
        %parallel_loop3A_1084 = tpu.vector_load %arg11[%parallel_loop3A_1082, %parallel_loop3A_1083] {strides = array<i32>} : memref<32x512xf32, #tpu.memory_space<vmem>>, vector<1x16xf32>,
        %parallel_loop3A_1085 = vector.shape_cast %parallel_loop3A_1084 : vector<1x16xf32> to vector<16xf32>
        %parallel_loop3A_1086 = vector.shape_cast %parallel_loop3A_1081 : vector<16xf32> to vector<1x16xf32>
        tpu.vector_store %arg11[%parallel_loop3A_1082, %parallel_loop3A_1083], %parallel_loop3A_1086 {strides = array<i32>} : memref<32x512xf32, #tpu.memory_space<vmem>>, vector<1x16xf32>,
        %parallel_loop3A_1087 = arith.index_cast %parallel_loop3A_877 : i32 to index
        %parallel_loop3A_1088 = arith.constant 176 : index
        %parallel_loop3A_1089 = tpu.vector_load %arg7[%parallel_loop3A_1087, %parallel_loop3A_1088] {strides = array<i32>} : memref<32x512xf32, #tpu.memory_space<vmem>>, vector<1x16xf32>,
        %parallel_loop3A_1090 = vector.shape_cast %parallel_loop3A_1089 : vector<1x16xf32> to vector<16xf32>
        %parallel_loop3A_1091 = arith.index_cast %parallel_loop3A_877 : i32 to index
        %parallel_loop3A_1092 = arith.constant 176 : index
        %parallel_loop3A_1093 = tpu.vector_load %arg8[%parallel_loop3A_1091, %parallel_loop3A_1092] {strides = array<i32>} : memref<32x512xf32, #tpu.memory_space<vmem>>, vector<1x16xf32>,
        %parallel_loop3A_1094 = vector.shape_cast %parallel_loop3A_1093 : vector<1x16xf32> to vector<16xf32>
        %parallel_loop3A_1095 = arith.mulf %parallel_loop3A_1090, %get3A_261 : vector<16xf32>
        %parallel_loop3A_1096 = arith.mulf %parallel_loop3A_1094, %get3A_266 : vector<16xf32>
        %parallel_loop3A_1097 = arith.addf %parallel_loop3A_1095, %parallel_loop3A_1096 : vector<16xf32>
        %parallel_loop3A_1098 = arith.constant 0.000000e+00 : f32
        %parallel_loop3A_1099 = vector.broadcast %parallel_loop3A_1098 : f32 to vector<16xf32>
        %parallel_loop3A_1100 = arith.maximumf %parallel_loop3A_1097, %parallel_loop3A_1099 : vector<16xf32>
        %parallel_loop3A_1101 = arith.index_cast %parallel_loop3A_877 : i32 to index
        %parallel_loop3A_1102 = arith.constant 176 : index
        %parallel_loop3A_1103 = tpu.vector_load %arg11[%parallel_loop3A_1101, %parallel_loop3A_1102] {strides = array<i32>} : memref<32x512xf32, #tpu.memory_space<vmem>>, vector<1x16xf32>,
        %parallel_loop3A_1104 = vector.shape_cast %parallel_loop3A_1103 : vector<1x16xf32> to vector<16xf32>
        %parallel_loop3A_1105 = vector.shape_cast %parallel_loop3A_1100 : vector<16xf32> to vector<1x16xf32>
        tpu.vector_store %arg11[%parallel_loop3A_1101, %parallel_loop3A_1102], %parallel_loop3A_1105 {strides = array<i32>} : memref<32x512xf32, #tpu.memory_space<vmem>>, vector<1x16xf32>,
        %parallel_loop3A_1106 = arith.index_cast %parallel_loop3A_877 : i32 to index
        %parallel_loop3A_1107 = arith.constant 192 : index
        %parallel_loop3A_1108 = tpu.vector_load %arg7[%parallel_loop3A_1106, %parallel_loop3A_1107] {strides = array<i32>} : memref<32x512xf32, #tpu.memory_space<vmem>>, vector<1x16xf32>,
        %parallel_loop3A_1109 = vector.shape_cast %parallel_loop3A_1108 : vector<1x16xf32> to vector<16xf32>
        %parallel_loop3A_1110 = arith.index_cast %parallel_loop3A_877 : i32 to index
        %parallel_loop3A_1111 = arith.constant 192 : index
        %parallel_loop3A_1112 = tpu.vector_load %arg8[%parallel_loop3A_1110, %parallel_loop3A_1111] {strides = array<i32>} : memref<32x512xf32, #tpu.memory_space<vmem>>, vector<1x16xf32>,
        %parallel_loop3A_1113 = vector.shape_cast %parallel_loop3A_1112 : vector<1x16xf32> to vector<16xf32>
        %parallel_loop3A_1114 = arith.mulf %parallel_loop3A_1109, %get3A_271 : vector<16xf32>
        %parallel_loop3A_1115 = arith.mulf %parallel_loop3A_1113, %get3A_276 : vector<16xf32>
        %parallel_loop3A_1116 = arith.addf %parallel_loop3A_1114, %parallel_loop3A_1115 : vector<16xf32>
        %parallel_loop3A_1117 = arith.constant 0.000000e+00 : f32
        %parallel_loop3A_1118 = vector.broadcast %parallel_loop3A_1117 : f32 to vector<16xf32>
        %parallel_loop3A_1119 = arith.maximumf %parallel_loop3A_1116, %parallel_loop3A_1118 : vector<16xf32>
        %parallel_loop3A_1120 = arith.index_cast %parallel_loop3A_877 : i32 to index
        %parallel_loop3A_1121 = arith.constant 192 : index
        %parallel_loop3A_1122 = tpu.vector_load %arg11[%parallel_loop3A_1120, %parallel_loop3A_1121] {strides = array<i32>} : memref<32x512xf32, #tpu.memory_space<vmem>>, vector<1x16xf32>,
        %parallel_loop3A_1123 = vector.shape_cast %parallel_loop3A_1122 : vector<1x16xf32> to vector<16xf32>
        %parallel_loop3A_1124 = vector.shape_cast %parallel_loop3A_1119 : vector<16xf32> to vector<1x16xf32>
        tpu.vector_store %arg11[%parallel_loop3A_1120, %parallel_loop3A_1121], %parallel_loop3A_1124 {strides = array<i32>} : memref<32x512xf32, #tpu.memory_space<vmem>>, vector<1x16xf32>,
        %parallel_loop3A_1125 = arith.index_cast %parallel_loop3A_877 : i32 to index
        %parallel_loop3A_1126 = arith.constant 208 : index
        %parallel_loop3A_1127 = tpu.vector_load %arg7[%parallel_loop3A_1125, %parallel_loop3A_1126] {strides = array<i32>} : memref<32x512xf32, #tpu.memory_space<vmem>>, vector<1x16xf32>,
        %parallel_loop3A_1128 = vector.shape_cast %parallel_loop3A_1127 : vector<1x16xf32> to vector<16xf32>
        %parallel_loop3A_1129 = arith.index_cast %parallel_loop3A_877 : i32 to index
        %parallel_loop3A_1130 = arith.constant 208 : index
        %parallel_loop3A_1131 = tpu.vector_load %arg8[%parallel_loop3A_1129, %parallel_loop3A_1130] {strides = array<i32>} : memref<32x512xf32, #tpu.memory_space<vmem>>, vector<1x16xf32>,
        %parallel_loop3A_1132 = vector.shape_cast %parallel_loop3A_1131 : vector<1x16xf32> to vector<16xf32>
        %parallel_loop3A_1133 = arith.mulf %parallel_loop3A_1128, %get3A_281 : vector<16xf32>
        %parallel_loop3A_1134 = arith.mulf %parallel_loop3A_1132, %get3A_286 : vector<16xf32>
        %parallel_loop3A_1135 = arith.addf %parallel_loop3A_1133, %parallel_loop3A_1134 : vector<16xf32>
        %parallel_loop3A_1136 = arith.constant 0.000000e+00 : f32
        %parallel_loop3A_1137 = vector.broadcast %parallel_loop3A_1136 : f32 to vector<16xf32>
        %parallel_loop3A_1138 = arith.maximumf %parallel_loop3A_1135, %parallel_loop3A_1137 : vector<16xf32>
        %parallel_loop3A_1139 = arith.index_cast %parallel_loop3A_877 : i32 to index
        %parallel_loop3A_1140 = arith.constant 208 : index
        %parallel_loop3A_1141 = tpu.vector_load %arg11[%parallel_loop3A_1139, %parallel_loop3A_1140] {strides = array<i32>} : memref<32x512xf32, #tpu.memory_space<vmem>>, vector<1x16xf32>,
        %parallel_loop3A_1142 = vector.shape_cast %parallel_loop3A_1141 : vector<1x16xf32> to vector<16xf32>
        %parallel_loop3A_1143 = vector.shape_cast %parallel_loop3A_1138 : vector<16xf32> to vector<1x16xf32>
        tpu.vector_store %arg11[%parallel_loop3A_1139, %parallel_loop3A_1140], %parallel_loop3A_1143 {strides = array<i32>} : memref<32x512xf32, #tpu.memory_space<vmem>>, vector<1x16xf32>,
        %parallel_loop3A_1144 = arith.index_cast %parallel_loop3A_877 : i32 to index
        %parallel_loop3A_1145 = arith.constant 224 : index
        %parallel_loop3A_1146 = tpu.vector_load %arg7[%parallel_loop3A_1144, %parallel_loop3A_1145] {strides = array<i32>} : memref<32x512xf32, #tpu.memory_space<vmem>>, vector<1x16xf32>,
        %parallel_loop3A_1147 = vector.shape_cast %parallel_loop3A_1146 : vector<1x16xf32> to vector<16xf32>
        %parallel_loop3A_1148 = arith.index_cast %parallel_loop3A_877 : i32 to index
        %parallel_loop3A_1149 = arith.constant 224 : index
        %parallel_loop3A_1150 = tpu.vector_load %arg8[%parallel_loop3A_1148, %parallel_loop3A_1149] {strides = array<i32>} : memref<32x512xf32, #tpu.memory_space<vmem>>, vector<1x16xf32>,
        %parallel_loop3A_1151 = vector.shape_cast %parallel_loop3A_1150 : vector<1x16xf32> to vector<16xf32>
        %parallel_loop3A_1152 = arith.mulf %parallel_loop3A_1147, %get3A_291 : vector<16xf32>
        %parallel_loop3A_1153 = arith.mulf %parallel_loop3A_1151, %get3A_296 : vector<16xf32>
        %parallel_loop3A_1154 = arith.addf %parallel_loop3A_1152, %parallel_loop3A_1153 : vector<16xf32>
        %parallel_loop3A_1155 = arith.constant 0.000000e+00 : f32
        %parallel_loop3A_1156 = vector.broadcast %parallel_loop3A_1155 : f32 to vector<16xf32>
        %parallel_loop3A_1157 = arith.maximumf %parallel_loop3A_1154, %parallel_loop3A_1156 : vector<16xf32>
        %parallel_loop3A_1158 = arith.index_cast %parallel_loop3A_877 : i32 to index
        %parallel_loop3A_1159 = arith.constant 224 : index
        %parallel_loop3A_1160 = tpu.vector_load %arg11[%parallel_loop3A_1158, %parallel_loop3A_1159] {strides = array<i32>} : memref<32x512xf32, #tpu.memory_space<vmem>>, vector<1x16xf32>,
        %parallel_loop3A_1161 = vector.shape_cast %parallel_loop3A_1160 : vector<1x16xf32> to vector<16xf32>
        %parallel_loop3A_1162 = vector.shape_cast %parallel_loop3A_1157 : vector<16xf32> to vector<1x16xf32>
        tpu.vector_store %arg11[%parallel_loop3A_1158, %parallel_loop3A_1159], %parallel_loop3A_1162 {strides = array<i32>} : memref<32x512xf32, #tpu.memory_space<vmem>>, vector<1x16xf32>,
        %parallel_loop3A_1163 = arith.index_cast %parallel_loop3A_877 : i32 to index
        %parallel_loop3A_1164 = arith.constant 240 : index
        %parallel_loop3A_1165 = tpu.vector_load %arg7[%parallel_loop3A_1163, %parallel_loop3A_1164] {strides = array<i32>} : memref<32x512xf32, #tpu.memory_space<vmem>>, vector<1x16xf32>,
        %parallel_loop3A_1166 = vector.shape_cast %parallel_loop3A_1165 : vector<1x16xf32> to vector<16xf32>
        %parallel_loop3A_1167 = arith.index_cast %parallel_loop3A_877 : i32 to index
        %parallel_loop3A_1168 = arith.constant 240 : index
        %parallel_loop3A_1169 = tpu.vector_load %arg8[%parallel_loop3A_1167, %parallel_loop3A_1168] {strides = array<i32>} : memref<32x512xf32, #tpu.memory_space<vmem>>, vector<1x16xf32>,
        %parallel_loop3A_1170 = vector.shape_cast %parallel_loop3A_1169 : vector<1x16xf32> to vector<16xf32>
        %parallel_loop3A_1171 = arith.mulf %parallel_loop3A_1166, %get3A_301 : vector<16xf32>
        %parallel_loop3A_1172 = arith.mulf %parallel_loop3A_1170, %get3A_306 : vector<16xf32>
        %parallel_loop3A_1173 = arith.addf %parallel_loop3A_1171, %parallel_loop3A_1172 : vector<16xf32>
        %parallel_loop3A_1174 = arith.constant 0.000000e+00 : f32
        %parallel_loop3A_1175 = vector.broadcast %parallel_loop3A_1174 : f32 to vector<16xf32>
        %parallel_loop3A_1176 = arith.maximumf %parallel_loop3A_1173, %parallel_loop3A_1175 : vector<16xf32>
        %parallel_loop3A_1177 = arith.index_cast %parallel_loop3A_877 : i32 to index
        %parallel_loop3A_1178 = arith.constant 240 : index
        %parallel_loop3A_1179 = tpu.vector_load %arg11[%parallel_loop3A_1177, %parallel_loop3A_1178] {strides = array<i32>} : memref<32x512xf32, #tpu.memory_space<vmem>>, vector<1x16xf32>,
        %parallel_loop3A_1180 = vector.shape_cast %parallel_loop3A_1179 : vector<1x16xf32> to vector<16xf32>
        %parallel_loop3A_1181 = vector.shape_cast %parallel_loop3A_1176 : vector<16xf32> to vector<1x16xf32>
        tpu.vector_store %arg11[%parallel_loop3A_1177, %parallel_loop3A_1178], %parallel_loop3A_1181 {strides = array<i32>} : memref<32x512xf32, #tpu.memory_space<vmem>>, vector<1x16xf32>,
      } {sc.loop_unroll_factor = 1 : i64, sc.parallel_access}
      %get3A_309 = arith.constant 0 : i32
      %get3A_310 = arith.index_cast %get3A_309 : i32 to index
      %get3A_311 = arith.constant 256 : index
      %get3A_312 = tpu.vector_load %arg13[%get3A_310, %get3A_311] {strides = array<i32>} : memref<2x512xf32, #tpu.memory_space<vmem>>, vector<1x16xf32>,
      %get3A_313 = vector.shape_cast %get3A_312 : vector<1x16xf32> to vector<16xf32>
      %get3A_314 = arith.constant 1 : i32
      %get3A_315 = arith.index_cast %get3A_314 : i32 to index
      %get3A_316 = arith.constant 256 : index
      %get3A_317 = tpu.vector_load %arg13[%get3A_315, %get3A_316] {strides = array<i32>} : memref<2x512xf32, #tpu.memory_space<vmem>>, vector<1x16xf32>,
      %get3A_318 = vector.shape_cast %get3A_317 : vector<1x16xf32> to vector<16xf32>
      %get3A_319 = arith.constant 0 : i32
      %get3A_320 = arith.index_cast %get3A_319 : i32 to index
      %get3A_321 = arith.constant 272 : index
      %get3A_322 = tpu.vector_load %arg13[%get3A_320, %get3A_321] {strides = array<i32>} : memref<2x512xf32, #tpu.memory_space<vmem>>, vector<1x16xf32>,
      %get3A_323 = vector.shape_cast %get3A_322 : vector<1x16xf32> to vector<16xf32>
      %get3A_324 = arith.constant 1 : i32
      %get3A_325 = arith.index_cast %get3A_324 : i32 to index
      %get3A_326 = arith.constant 272 : index
      %get3A_327 = tpu.vector_load %arg13[%get3A_325, %get3A_326] {strides = array<i32>} : memref<2x512xf32, #tpu.memory_space<vmem>>, vector<1x16xf32>,
      %get3A_328 = vector.shape_cast %get3A_327 : vector<1x16xf32> to vector<16xf32>
      %get3A_329 = arith.constant 0 : i32
      %get3A_330 = arith.index_cast %get3A_329 : i32 to index
      %get3A_331 = arith.constant 288 : index
      %get3A_332 = tpu.vector_load %arg13[%get3A_330, %get3A_331] {strides = array<i32>} : memref<2x512xf32, #tpu.memory_space<vmem>>, vector<1x16xf32>,
      %get3A_333 = vector.shape_cast %get3A_332 : vector<1x16xf32> to vector<16xf32>
      %get3A_334 = arith.constant 1 : i32
      %get3A_335 = arith.index_cast %get3A_334 : i32 to index
      %get3A_336 = arith.constant 288 : index
      %get3A_337 = tpu.vector_load %arg13[%get3A_335, %get3A_336] {strides = array<i32>} : memref<2x512xf32, #tpu.memory_space<vmem>>, vector<1x16xf32>,
      %get3A_338 = vector.shape_cast %get3A_337 : vector<1x16xf32> to vector<16xf32>
      %get3A_339 = arith.constant 0 : i32
      %get3A_340 = arith.index_cast %get3A_339 : i32 to index
      %get3A_341 = arith.constant 304 : index
      %get3A_342 = tpu.vector_load %arg13[%get3A_340, %get3A_341] {strides = array<i32>} : memref<2x512xf32, #tpu.memory_space<vmem>>, vector<1x16xf32>,
      %get3A_343 = vector.shape_cast %get3A_342 : vector<1x16xf32> to vector<16xf32>
      %get3A_344 = arith.constant 1 : i32
      %get3A_345 = arith.index_cast %get3A_344 : i32 to index
      %get3A_346 = arith.constant 304 : index
      %get3A_347 = tpu.vector_load %arg13[%get3A_345, %get3A_346] {strides = array<i32>} : memref<2x512xf32, #tpu.memory_space<vmem>>, vector<1x16xf32>,
      %get3A_348 = vector.shape_cast %get3A_347 : vector<1x16xf32> to vector<16xf32>
      %get3A_349 = arith.constant 0 : i32
      %get3A_350 = arith.index_cast %get3A_349 : i32 to index
      %get3A_351 = arith.constant 320 : index
      %get3A_352 = tpu.vector_load %arg13[%get3A_350, %get3A_351] {strides = array<i32>} : memref<2x512xf32, #tpu.memory_space<vmem>>, vector<1x16xf32>,
      %get3A_353 = vector.shape_cast %get3A_352 : vector<1x16xf32> to vector<16xf32>
      %get3A_354 = arith.constant 1 : i32
      %get3A_355 = arith.index_cast %get3A_354 : i32 to index
      %get3A_356 = arith.constant 320 : index
      %get3A_357 = tpu.vector_load %arg13[%get3A_355, %get3A_356] {strides = array<i32>} : memref<2x512xf32, #tpu.memory_space<vmem>>, vector<1x16xf32>,
      %get3A_358 = vector.shape_cast %get3A_357 : vector<1x16xf32> to vector<16xf32>
      %get3A_359 = arith.constant 0 : i32
      %get3A_360 = arith.index_cast %get3A_359 : i32 to index
      %get3A_361 = arith.constant 336 : index
      %get3A_362 = tpu.vector_load %arg13[%get3A_360, %get3A_361] {strides = array<i32>} : memref<2x512xf32, #tpu.memory_space<vmem>>, vector<1x16xf32>,
      %get3A_363 = vector.shape_cast %get3A_362 : vector<1x16xf32> to vector<16xf32>
      %get3A_364 = arith.constant 1 : i32
      %get3A_365 = arith.index_cast %get3A_364 : i32 to index
      %get3A_366 = arith.constant 336 : index
      %get3A_367 = tpu.vector_load %arg13[%get3A_365, %get3A_366] {strides = array<i32>} : memref<2x512xf32, #tpu.memory_space<vmem>>, vector<1x16xf32>,
      %get3A_368 = vector.shape_cast %get3A_367 : vector<1x16xf32> to vector<16xf32>
      %get3A_369 = arith.constant 0 : i32
      %get3A_370 = arith.index_cast %get3A_369 : i32 to index
      %get3A_371 = arith.constant 352 : index
      %get3A_372 = tpu.vector_load %arg13[%get3A_370, %get3A_371] {strides = array<i32>} : memref<2x512xf32, #tpu.memory_space<vmem>>, vector<1x16xf32>,
      %get3A_373 = vector.shape_cast %get3A_372 : vector<1x16xf32> to vector<16xf32>
      %get3A_374 = arith.constant 1 : i32
      %get3A_375 = arith.index_cast %get3A_374 : i32 to index
      %get3A_376 = arith.constant 352 : index
      %get3A_377 = tpu.vector_load %arg13[%get3A_375, %get3A_376] {strides = array<i32>} : memref<2x512xf32, #tpu.memory_space<vmem>>, vector<1x16xf32>,
      %get3A_378 = vector.shape_cast %get3A_377 : vector<1x16xf32> to vector<16xf32>
      %get3A_379 = arith.constant 0 : i32
      %get3A_380 = arith.index_cast %get3A_379 : i32 to index
      %get3A_381 = arith.constant 368 : index
      %get3A_382 = tpu.vector_load %arg13[%get3A_380, %get3A_381] {strides = array<i32>} : memref<2x512xf32, #tpu.memory_space<vmem>>, vector<1x16xf32>,
      %get3A_383 = vector.shape_cast %get3A_382 : vector<1x16xf32> to vector<16xf32>
      %get3A_384 = arith.constant 1 : i32
      %get3A_385 = arith.index_cast %get3A_384 : i32 to index
      %get3A_386 = arith.constant 368 : index
      %get3A_387 = tpu.vector_load %arg13[%get3A_385, %get3A_386] {strides = array<i32>} : memref<2x512xf32, #tpu.memory_space<vmem>>, vector<1x16xf32>,
      %get3A_388 = vector.shape_cast %get3A_387 : vector<1x16xf32> to vector<16xf32>
      %get3A_389 = arith.constant 0 : i32
      %get3A_390 = arith.index_cast %get3A_389 : i32 to index
      %get3A_391 = arith.constant 384 : index
      %get3A_392 = tpu.vector_load %arg13[%get3A_390, %get3A_391] {strides = array<i32>} : memref<2x512xf32, #tpu.memory_space<vmem>>, vector<1x16xf32>,
      %get3A_393 = vector.shape_cast %get3A_392 : vector<1x16xf32> to vector<16xf32>
      %get3A_394 = arith.constant 1 : i32
      %get3A_395 = arith.index_cast %get3A_394 : i32 to index
      %get3A_396 = arith.constant 384 : index
      %get3A_397 = tpu.vector_load %arg13[%get3A_395, %get3A_396] {strides = array<i32>} : memref<2x512xf32, #tpu.memory_space<vmem>>, vector<1x16xf32>,
      %get3A_398 = vector.shape_cast %get3A_397 : vector<1x16xf32> to vector<16xf32>
      %get3A_399 = arith.constant 0 : i32
      %get3A_400 = arith.index_cast %get3A_399 : i32 to index
      %get3A_401 = arith.constant 400 : index
      %get3A_402 = tpu.vector_load %arg13[%get3A_400, %get3A_401] {strides = array<i32>} : memref<2x512xf32, #tpu.memory_space<vmem>>, vector<1x16xf32>,
      %get3A_403 = vector.shape_cast %get3A_402 : vector<1x16xf32> to vector<16xf32>
      %get3A_404 = arith.constant 1 : i32
      %get3A_405 = arith.index_cast %get3A_404 : i32 to index
      %get3A_406 = arith.constant 400 : index
      %get3A_407 = tpu.vector_load %arg13[%get3A_405, %get3A_406] {strides = array<i32>} : memref<2x512xf32, #tpu.memory_space<vmem>>, vector<1x16xf32>,
      %get3A_408 = vector.shape_cast %get3A_407 : vector<1x16xf32> to vector<16xf32>
      %get3A_409 = arith.constant 0 : i32
      %get3A_410 = arith.index_cast %get3A_409 : i32 to index
      %get3A_411 = arith.constant 416 : index
      %get3A_412 = tpu.vector_load %arg13[%get3A_410, %get3A_411] {strides = array<i32>} : memref<2x512xf32, #tpu.memory_space<vmem>>, vector<1x16xf32>,
      %get3A_413 = vector.shape_cast %get3A_412 : vector<1x16xf32> to vector<16xf32>
      %get3A_414 = arith.constant 1 : i32
      %get3A_415 = arith.index_cast %get3A_414 : i32 to index
      %get3A_416 = arith.constant 416 : index
      %get3A_417 = tpu.vector_load %arg13[%get3A_415, %get3A_416] {strides = array<i32>} : memref<2x512xf32, #tpu.memory_space<vmem>>, vector<1x16xf32>,
      %get3A_418 = vector.shape_cast %get3A_417 : vector<1x16xf32> to vector<16xf32>
      %get3A_419 = arith.constant 0 : i32
      %get3A_420 = arith.index_cast %get3A_419 : i32 to index
      %get3A_421 = arith.constant 432 : index
      %get3A_422 = tpu.vector_load %arg13[%get3A_420, %get3A_421] {strides = array<i32>} : memref<2x512xf32, #tpu.memory_space<vmem>>, vector<1x16xf32>,
      %get3A_423 = vector.shape_cast %get3A_422 : vector<1x16xf32> to vector<16xf32>
      %get3A_424 = arith.constant 1 : i32
      %get3A_425 = arith.index_cast %get3A_424 : i32 to index
      %get3A_426 = arith.constant 432 : index
      %get3A_427 = tpu.vector_load %arg13[%get3A_425, %get3A_426] {strides = array<i32>} : memref<2x512xf32, #tpu.memory_space<vmem>>, vector<1x16xf32>,
      %get3A_428 = vector.shape_cast %get3A_427 : vector<1x16xf32> to vector<16xf32>
      %get3A_429 = arith.constant 0 : i32
      %get3A_430 = arith.index_cast %get3A_429 : i32 to index
      %get3A_431 = arith.constant 448 : index
      %get3A_432 = tpu.vector_load %arg13[%get3A_430, %get3A_431] {strides = array<i32>} : memref<2x512xf32, #tpu.memory_space<vmem>>, vector<1x16xf32>,
      %get3A_433 = vector.shape_cast %get3A_432 : vector<1x16xf32> to vector<16xf32>
      %get3A_434 = arith.constant 1 : i32
      %get3A_435 = arith.index_cast %get3A_434 : i32 to index
      %get3A_436 = arith.constant 448 : index
      %get3A_437 = tpu.vector_load %arg13[%get3A_435, %get3A_436] {strides = array<i32>} : memref<2x512xf32, #tpu.memory_space<vmem>>, vector<1x16xf32>,
      %get3A_438 = vector.shape_cast %get3A_437 : vector<1x16xf32> to vector<16xf32>
      %get3A_439 = arith.constant 0 : i32
      %get3A_440 = arith.index_cast %get3A_439 : i32 to index
      %get3A_441 = arith.constant 464 : index
      %get3A_442 = tpu.vector_load %arg13[%get3A_440, %get3A_441] {strides = array<i32>} : memref<2x512xf32, #tpu.memory_space<vmem>>, vector<1x16xf32>,
      %get3A_443 = vector.shape_cast %get3A_442 : vector<1x16xf32> to vector<16xf32>
      %get3A_444 = arith.constant 1 : i32
      %get3A_445 = arith.index_cast %get3A_444 : i32 to index
      %get3A_446 = arith.constant 464 : index
      %get3A_447 = tpu.vector_load %arg13[%get3A_445, %get3A_446] {strides = array<i32>} : memref<2x512xf32, #tpu.memory_space<vmem>>, vector<1x16xf32>,
      %get3A_448 = vector.shape_cast %get3A_447 : vector<1x16xf32> to vector<16xf32>
      %get3A_449 = arith.constant 0 : i32
      %get3A_450 = arith.index_cast %get3A_449 : i32 to index
      %get3A_451 = arith.constant 480 : index
      %get3A_452 = tpu.vector_load %arg13[%get3A_450, %get3A_451] {strides = array<i32>} : memref<2x512xf32, #tpu.memory_space<vmem>>, vector<1x16xf32>,
      %get3A_453 = vector.shape_cast %get3A_452 : vector<1x16xf32> to vector<16xf32>
      %get3A_454 = arith.constant 1 : i32
      %get3A_455 = arith.index_cast %get3A_454 : i32 to index
      %get3A_456 = arith.constant 480 : index
      %get3A_457 = tpu.vector_load %arg13[%get3A_455, %get3A_456] {strides = array<i32>} : memref<2x512xf32, #tpu.memory_space<vmem>>, vector<1x16xf32>,
      %get3A_458 = vector.shape_cast %get3A_457 : vector<1x16xf32> to vector<16xf32>
      %get3A_459 = arith.constant 0 : i32
      %get3A_460 = arith.index_cast %get3A_459 : i32 to index
      %get3A_461 = arith.constant 496 : index
      %get3A_462 = tpu.vector_load %arg13[%get3A_460, %get3A_461] {strides = array<i32>} : memref<2x512xf32, #tpu.memory_space<vmem>>, vector<1x16xf32>,
      %get3A_463 = vector.shape_cast %get3A_462 : vector<1x16xf32> to vector<16xf32>
      %get3A_464 = arith.constant 1 : i32
      %get3A_465 = arith.index_cast %get3A_464 : i32 to index
      %get3A_466 = arith.constant 496 : index
      %get3A_467 = tpu.vector_load %arg13[%get3A_465, %get3A_466] {strides = array<i32>} : memref<2x512xf32, #tpu.memory_space<vmem>>, vector<1x16xf32>,
      %get3A_468 = vector.shape_cast %get3A_467 : vector<1x16xf32> to vector<16xf32>
      %parallel_loop3A_469 = arith.constant 0 : i32
      %parallel_loop3A_470 = arith.constant 32 : i32
      %parallel_loop3A_471 = arith.constant 1 : i32
      scf.for %parallel_loop3A_877 = %parallel_loop3A_469 to %parallel_loop3A_470 step %parallel_loop3A_471  : i32 {
        %parallel_loop3A_878 = arith.index_cast %parallel_loop3A_877 : i32 to index
        %parallel_loop3A_879 = arith.constant 256 : index
        %parallel_loop3A_880 = tpu.vector_load %arg7[%parallel_loop3A_878, %parallel_loop3A_879] {strides = array<i32>} : memref<32x512xf32, #tpu.memory_space<vmem>>, vector<1x16xf32>,
        %parallel_loop3A_881 = vector.shape_cast %parallel_loop3A_880 : vector<1x16xf32> to vector<16xf32>
        %parallel_loop3A_882 = arith.index_cast %parallel_loop3A_877 : i32 to index
        %parallel_loop3A_883 = arith.constant 256 : index
        %parallel_loop3A_884 = tpu.vector_load %arg8[%parallel_loop3A_882, %parallel_loop3A_883] {strides = array<i32>} : memref<32x512xf32, #tpu.memory_space<vmem>>, vector<1x16xf32>,
        %parallel_loop3A_885 = vector.shape_cast %parallel_loop3A_884 : vector<1x16xf32> to vector<16xf32>
        %parallel_loop3A_886 = arith.mulf %parallel_loop3A_881, %get3A_313 : vector<16xf32>
        %parallel_loop3A_887 = arith.mulf %parallel_loop3A_885, %get3A_318 : vector<16xf32>
        %parallel_loop3A_888 = arith.addf %parallel_loop3A_886, %parallel_loop3A_887 : vector<16xf32>
        %parallel_loop3A_889 = arith.constant 0.000000e+00 : f32
        %parallel_loop3A_890 = vector.broadcast %parallel_loop3A_889 : f32 to vector<16xf32>
        %parallel_loop3A_891 = arith.maximumf %parallel_loop3A_888, %parallel_loop3A_890 : vector<16xf32>
        %parallel_loop3A_892 = arith.index_cast %parallel_loop3A_877 : i32 to index
        %parallel_loop3A_893 = arith.constant 256 : index
        %parallel_loop3A_894 = tpu.vector_load %arg11[%parallel_loop3A_892, %parallel_loop3A_893] {strides = array<i32>} : memref<32x512xf32, #tpu.memory_space<vmem>>, vector<1x16xf32>,
        %parallel_loop3A_895 = vector.shape_cast %parallel_loop3A_894 : vector<1x16xf32> to vector<16xf32>
        %parallel_loop3A_896 = vector.shape_cast %parallel_loop3A_891 : vector<16xf32> to vector<1x16xf32>
        tpu.vector_store %arg11[%parallel_loop3A_892, %parallel_loop3A_893], %parallel_loop3A_896 {strides = array<i32>} : memref<32x512xf32, #tpu.memory_space<vmem>>, vector<1x16xf32>,
        %parallel_loop3A_897 = arith.index_cast %parallel_loop3A_877 : i32 to index
        %parallel_loop3A_898 = arith.constant 272 : index
        %parallel_loop3A_899 = tpu.vector_load %arg7[%parallel_loop3A_897, %parallel_loop3A_898] {strides = array<i32>} : memref<32x512xf32, #tpu.memory_space<vmem>>, vector<1x16xf32>,
        %parallel_loop3A_900 = vector.shape_cast %parallel_loop3A_899 : vector<1x16xf32> to vector<16xf32>
        %parallel_loop3A_901 = arith.index_cast %parallel_loop3A_877 : i32 to index
        %parallel_loop3A_902 = arith.constant 272 : index
        %parallel_loop3A_903 = tpu.vector_load %arg8[%parallel_loop3A_901, %parallel_loop3A_902] {strides = array<i32>} : memref<32x512xf32, #tpu.memory_space<vmem>>, vector<1x16xf32>,
        %parallel_loop3A_904 = vector.shape_cast %parallel_loop3A_903 : vector<1x16xf32> to vector<16xf32>
        %parallel_loop3A_905 = arith.mulf %parallel_loop3A_900, %get3A_323 : vector<16xf32>
        %parallel_loop3A_906 = arith.mulf %parallel_loop3A_904, %get3A_328 : vector<16xf32>
        %parallel_loop3A_907 = arith.addf %parallel_loop3A_905, %parallel_loop3A_906 : vector<16xf32>
        %parallel_loop3A_908 = arith.constant 0.000000e+00 : f32
        %parallel_loop3A_909 = vector.broadcast %parallel_loop3A_908 : f32 to vector<16xf32>
        %parallel_loop3A_910 = arith.maximumf %parallel_loop3A_907, %parallel_loop3A_909 : vector<16xf32>
        %parallel_loop3A_911 = arith.index_cast %parallel_loop3A_877 : i32 to index
        %parallel_loop3A_912 = arith.constant 272 : index
        %parallel_loop3A_913 = tpu.vector_load %arg11[%parallel_loop3A_911, %parallel_loop3A_912] {strides = array<i32>} : memref<32x512xf32, #tpu.memory_space<vmem>>, vector<1x16xf32>,
        %parallel_loop3A_914 = vector.shape_cast %parallel_loop3A_913 : vector<1x16xf32> to vector<16xf32>
        %parallel_loop3A_915 = vector.shape_cast %parallel_loop3A_910 : vector<16xf32> to vector<1x16xf32>
        tpu.vector_store %arg11[%parallel_loop3A_911, %parallel_loop3A_912], %parallel_loop3A_915 {strides = array<i32>} : memref<32x512xf32, #tpu.memory_space<vmem>>, vector<1x16xf32>,
        %parallel_loop3A_916 = arith.index_cast %parallel_loop3A_877 : i32 to index
        %parallel_loop3A_917 = arith.constant 288 : index
        %parallel_loop3A_918 = tpu.vector_load %arg7[%parallel_loop3A_916, %parallel_loop3A_917] {strides = array<i32>} : memref<32x512xf32, #tpu.memory_space<vmem>>, vector<1x16xf32>,
        %parallel_loop3A_919 = vector.shape_cast %parallel_loop3A_918 : vector<1x16xf32> to vector<16xf32>
        %parallel_loop3A_920 = arith.index_cast %parallel_loop3A_877 : i32 to index
        %parallel_loop3A_921 = arith.constant 288 : index
        %parallel_loop3A_922 = tpu.vector_load %arg8[%parallel_loop3A_920, %parallel_loop3A_921] {strides = array<i32>} : memref<32x512xf32, #tpu.memory_space<vmem>>, vector<1x16xf32>,
        %parallel_loop3A_923 = vector.shape_cast %parallel_loop3A_922 : vector<1x16xf32> to vector<16xf32>
        %parallel_loop3A_924 = arith.mulf %parallel_loop3A_919, %get3A_333 : vector<16xf32>
        %parallel_loop3A_925 = arith.mulf %parallel_loop3A_923, %get3A_338 : vector<16xf32>
        %parallel_loop3A_926 = arith.addf %parallel_loop3A_924, %parallel_loop3A_925 : vector<16xf32>
        %parallel_loop3A_927 = arith.constant 0.000000e+00 : f32
        %parallel_loop3A_928 = vector.broadcast %parallel_loop3A_927 : f32 to vector<16xf32>
        %parallel_loop3A_929 = arith.maximumf %parallel_loop3A_926, %parallel_loop3A_928 : vector<16xf32>
        %parallel_loop3A_930 = arith.index_cast %parallel_loop3A_877 : i32 to index
        %parallel_loop3A_931 = arith.constant 288 : index
        %parallel_loop3A_932 = tpu.vector_load %arg11[%parallel_loop3A_930, %parallel_loop3A_931] {strides = array<i32>} : memref<32x512xf32, #tpu.memory_space<vmem>>, vector<1x16xf32>,
        %parallel_loop3A_933 = vector.shape_cast %parallel_loop3A_932 : vector<1x16xf32> to vector<16xf32>
        %parallel_loop3A_934 = vector.shape_cast %parallel_loop3A_929 : vector<16xf32> to vector<1x16xf32>
        tpu.vector_store %arg11[%parallel_loop3A_930, %parallel_loop3A_931], %parallel_loop3A_934 {strides = array<i32>} : memref<32x512xf32, #tpu.memory_space<vmem>>, vector<1x16xf32>,
        %parallel_loop3A_935 = arith.index_cast %parallel_loop3A_877 : i32 to index
        %parallel_loop3A_936 = arith.constant 304 : index
        %parallel_loop3A_937 = tpu.vector_load %arg7[%parallel_loop3A_935, %parallel_loop3A_936] {strides = array<i32>} : memref<32x512xf32, #tpu.memory_space<vmem>>, vector<1x16xf32>,
        %parallel_loop3A_938 = vector.shape_cast %parallel_loop3A_937 : vector<1x16xf32> to vector<16xf32>
        %parallel_loop3A_939 = arith.index_cast %parallel_loop3A_877 : i32 to index
        %parallel_loop3A_940 = arith.constant 304 : index
        %parallel_loop3A_941 = tpu.vector_load %arg8[%parallel_loop3A_939, %parallel_loop3A_940] {strides = array<i32>} : memref<32x512xf32, #tpu.memory_space<vmem>>, vector<1x16xf32>,
        %parallel_loop3A_942 = vector.shape_cast %parallel_loop3A_941 : vector<1x16xf32> to vector<16xf32>
        %parallel_loop3A_943 = arith.mulf %parallel_loop3A_938, %get3A_343 : vector<16xf32>
        %parallel_loop3A_944 = arith.mulf %parallel_loop3A_942, %get3A_348 : vector<16xf32>
        %parallel_loop3A_945 = arith.addf %parallel_loop3A_943, %parallel_loop3A_944 : vector<16xf32>
        %parallel_loop3A_946 = arith.constant 0.000000e+00 : f32
        %parallel_loop3A_947 = vector.broadcast %parallel_loop3A_946 : f32 to vector<16xf32>
        %parallel_loop3A_948 = arith.maximumf %parallel_loop3A_945, %parallel_loop3A_947 : vector<16xf32>
        %parallel_loop3A_949 = arith.index_cast %parallel_loop3A_877 : i32 to index
        %parallel_loop3A_950 = arith.constant 304 : index
        %parallel_loop3A_951 = tpu.vector_load %arg11[%parallel_loop3A_949, %parallel_loop3A_950] {strides = array<i32>} : memref<32x512xf32, #tpu.memory_space<vmem>>, vector<1x16xf32>,
        %parallel_loop3A_952 = vector.shape_cast %parallel_loop3A_951 : vector<1x16xf32> to vector<16xf32>
        %parallel_loop3A_953 = vector.shape_cast %parallel_loop3A_948 : vector<16xf32> to vector<1x16xf32>
        tpu.vector_store %arg11[%parallel_loop3A_949, %parallel_loop3A_950], %parallel_loop3A_953 {strides = array<i32>} : memref<32x512xf32, #tpu.memory_space<vmem>>, vector<1x16xf32>,
        %parallel_loop3A_954 = arith.index_cast %parallel_loop3A_877 : i32 to index
        %parallel_loop3A_955 = arith.constant 320 : index
        %parallel_loop3A_956 = tpu.vector_load %arg7[%parallel_loop3A_954, %parallel_loop3A_955] {strides = array<i32>} : memref<32x512xf32, #tpu.memory_space<vmem>>, vector<1x16xf32>,
        %parallel_loop3A_957 = vector.shape_cast %parallel_loop3A_956 : vector<1x16xf32> to vector<16xf32>
        %parallel_loop3A_958 = arith.index_cast %parallel_loop3A_877 : i32 to index
        %parallel_loop3A_959 = arith.constant 320 : index
        %parallel_loop3A_960 = tpu.vector_load %arg8[%parallel_loop3A_958, %parallel_loop3A_959] {strides = array<i32>} : memref<32x512xf32, #tpu.memory_space<vmem>>, vector<1x16xf32>,
        %parallel_loop3A_961 = vector.shape_cast %parallel_loop3A_960 : vector<1x16xf32> to vector<16xf32>
        %parallel_loop3A_962 = arith.mulf %parallel_loop3A_957, %get3A_353 : vector<16xf32>
        %parallel_loop3A_963 = arith.mulf %parallel_loop3A_961, %get3A_358 : vector<16xf32>
        %parallel_loop3A_964 = arith.addf %parallel_loop3A_962, %parallel_loop3A_963 : vector<16xf32>
        %parallel_loop3A_965 = arith.constant 0.000000e+00 : f32
        %parallel_loop3A_966 = vector.broadcast %parallel_loop3A_965 : f32 to vector<16xf32>
        %parallel_loop3A_967 = arith.maximumf %parallel_loop3A_964, %parallel_loop3A_966 : vector<16xf32>
        %parallel_loop3A_968 = arith.index_cast %parallel_loop3A_877 : i32 to index
        %parallel_loop3A_969 = arith.constant 320 : index
        %parallel_loop3A_970 = tpu.vector_load %arg11[%parallel_loop3A_968, %parallel_loop3A_969] {strides = array<i32>} : memref<32x512xf32, #tpu.memory_space<vmem>>, vector<1x16xf32>,
        %parallel_loop3A_971 = vector.shape_cast %parallel_loop3A_970 : vector<1x16xf32> to vector<16xf32>
        %parallel_loop3A_972 = vector.shape_cast %parallel_loop3A_967 : vector<16xf32> to vector<1x16xf32>
        tpu.vector_store %arg11[%parallel_loop3A_968, %parallel_loop3A_969], %parallel_loop3A_972 {strides = array<i32>} : memref<32x512xf32, #tpu.memory_space<vmem>>, vector<1x16xf32>,
        %parallel_loop3A_973 = arith.index_cast %parallel_loop3A_877 : i32 to index
        %parallel_loop3A_974 = arith.constant 336 : index
        %parallel_loop3A_975 = tpu.vector_load %arg7[%parallel_loop3A_973, %parallel_loop3A_974] {strides = array<i32>} : memref<32x512xf32, #tpu.memory_space<vmem>>, vector<1x16xf32>,
        %parallel_loop3A_976 = vector.shape_cast %parallel_loop3A_975 : vector<1x16xf32> to vector<16xf32>
        %parallel_loop3A_977 = arith.index_cast %parallel_loop3A_877 : i32 to index
        %parallel_loop3A_978 = arith.constant 336 : index
        %parallel_loop3A_979 = tpu.vector_load %arg8[%parallel_loop3A_977, %parallel_loop3A_978] {strides = array<i32>} : memref<32x512xf32, #tpu.memory_space<vmem>>, vector<1x16xf32>,
        %parallel_loop3A_980 = vector.shape_cast %parallel_loop3A_979 : vector<1x16xf32> to vector<16xf32>
        %parallel_loop3A_981 = arith.mulf %parallel_loop3A_976, %get3A_363 : vector<16xf32>
        %parallel_loop3A_982 = arith.mulf %parallel_loop3A_980, %get3A_368 : vector<16xf32>
        %parallel_loop3A_983 = arith.addf %parallel_loop3A_981, %parallel_loop3A_982 : vector<16xf32>
        %parallel_loop3A_984 = arith.constant 0.000000e+00 : f32
        %parallel_loop3A_985 = vector.broadcast %parallel_loop3A_984 : f32 to vector<16xf32>
        %parallel_loop3A_986 = arith.maximumf %parallel_loop3A_983, %parallel_loop3A_985 : vector<16xf32>
        %parallel_loop3A_987 = arith.index_cast %parallel_loop3A_877 : i32 to index
        %parallel_loop3A_988 = arith.constant 336 : index
        %parallel_loop3A_989 = tpu.vector_load %arg11[%parallel_loop3A_987, %parallel_loop3A_988] {strides = array<i32>} : memref<32x512xf32, #tpu.memory_space<vmem>>, vector<1x16xf32>,
        %parallel_loop3A_990 = vector.shape_cast %parallel_loop3A_989 : vector<1x16xf32> to vector<16xf32>
        %parallel_loop3A_991 = vector.shape_cast %parallel_loop3A_986 : vector<16xf32> to vector<1x16xf32>
        tpu.vector_store %arg11[%parallel_loop3A_987, %parallel_loop3A_988], %parallel_loop3A_991 {strides = array<i32>} : memref<32x512xf32, #tpu.memory_space<vmem>>, vector<1x16xf32>,
        %parallel_loop3A_992 = arith.index_cast %parallel_loop3A_877 : i32 to index
        %parallel_loop3A_993 = arith.constant 352 : index
        %parallel_loop3A_994 = tpu.vector_load %arg7[%parallel_loop3A_992, %parallel_loop3A_993] {strides = array<i32>} : memref<32x512xf32, #tpu.memory_space<vmem>>, vector<1x16xf32>,
        %parallel_loop3A_995 = vector.shape_cast %parallel_loop3A_994 : vector<1x16xf32> to vector<16xf32>
        %parallel_loop3A_996 = arith.index_cast %parallel_loop3A_877 : i32 to index
        %parallel_loop3A_997 = arith.constant 352 : index
        %parallel_loop3A_998 = tpu.vector_load %arg8[%parallel_loop3A_996, %parallel_loop3A_997] {strides = array<i32>} : memref<32x512xf32, #tpu.memory_space<vmem>>, vector<1x16xf32>,
        %parallel_loop3A_999 = vector.shape_cast %parallel_loop3A_998 : vector<1x16xf32> to vector<16xf32>
        %parallel_loop3A_1000 = arith.mulf %parallel_loop3A_995, %get3A_373 : vector<16xf32>
        %parallel_loop3A_1001 = arith.mulf %parallel_loop3A_999, %get3A_378 : vector<16xf32>
        %parallel_loop3A_1002 = arith.addf %parallel_loop3A_1000, %parallel_loop3A_1001 : vector<16xf32>
        %parallel_loop3A_1003 = arith.constant 0.000000e+00 : f32
        %parallel_loop3A_1004 = vector.broadcast %parallel_loop3A_1003 : f32 to vector<16xf32>
        %parallel_loop3A_1005 = arith.maximumf %parallel_loop3A_1002, %parallel_loop3A_1004 : vector<16xf32>
        %parallel_loop3A_1006 = arith.index_cast %parallel_loop3A_877 : i32 to index
        %parallel_loop3A_1007 = arith.constant 352 : index
        %parallel_loop3A_1008 = tpu.vector_load %arg11[%parallel_loop3A_1006, %parallel_loop3A_1007] {strides = array<i32>} : memref<32x512xf32, #tpu.memory_space<vmem>>, vector<1x16xf32>,
        %parallel_loop3A_1009 = vector.shape_cast %parallel_loop3A_1008 : vector<1x16xf32> to vector<16xf32>
        %parallel_loop3A_1010 = vector.shape_cast %parallel_loop3A_1005 : vector<16xf32> to vector<1x16xf32>
        tpu.vector_store %arg11[%parallel_loop3A_1006, %parallel_loop3A_1007], %parallel_loop3A_1010 {strides = array<i32>} : memref<32x512xf32, #tpu.memory_space<vmem>>, vector<1x16xf32>,
        %parallel_loop3A_1011 = arith.index_cast %parallel_loop3A_877 : i32 to index
        %parallel_loop3A_1012 = arith.constant 368 : index
        %parallel_loop3A_1013 = tpu.vector_load %arg7[%parallel_loop3A_1011, %parallel_loop3A_1012] {strides = array<i32>} : memref<32x512xf32, #tpu.memory_space<vmem>>, vector<1x16xf32>,
        %parallel_loop3A_1014 = vector.shape_cast %parallel_loop3A_1013 : vector<1x16xf32> to vector<16xf32>
        %parallel_loop3A_1015 = arith.index_cast %parallel_loop3A_877 : i32 to index
        %parallel_loop3A_1016 = arith.constant 368 : index
        %parallel_loop3A_1017 = tpu.vector_load %arg8[%parallel_loop3A_1015, %parallel_loop3A_1016] {strides = array<i32>} : memref<32x512xf32, #tpu.memory_space<vmem>>, vector<1x16xf32>,
        %parallel_loop3A_1018 = vector.shape_cast %parallel_loop3A_1017 : vector<1x16xf32> to vector<16xf32>
        %parallel_loop3A_1019 = arith.mulf %parallel_loop3A_1014, %get3A_383 : vector<16xf32>
        %parallel_loop3A_1020 = arith.mulf %parallel_loop3A_1018, %get3A_388 : vector<16xf32>
        %parallel_loop3A_1021 = arith.addf %parallel_loop3A_1019, %parallel_loop3A_1020 : vector<16xf32>
        %parallel_loop3A_1022 = arith.constant 0.000000e+00 : f32
        %parallel_loop3A_1023 = vector.broadcast %parallel_loop3A_1022 : f32 to vector<16xf32>
        %parallel_loop3A_1024 = arith.maximumf %parallel_loop3A_1021, %parallel_loop3A_1023 : vector<16xf32>
        %parallel_loop3A_1025 = arith.index_cast %parallel_loop3A_877 : i32 to index
        %parallel_loop3A_1026 = arith.constant 368 : index
        %parallel_loop3A_1027 = tpu.vector_load %arg11[%parallel_loop3A_1025, %parallel_loop3A_1026] {strides = array<i32>} : memref<32x512xf32, #tpu.memory_space<vmem>>, vector<1x16xf32>,
        %parallel_loop3A_1028 = vector.shape_cast %parallel_loop3A_1027 : vector<1x16xf32> to vector<16xf32>
        %parallel_loop3A_1029 = vector.shape_cast %parallel_loop3A_1024 : vector<16xf32> to vector<1x16xf32>
        tpu.vector_store %arg11[%parallel_loop3A_1025, %parallel_loop3A_1026], %parallel_loop3A_1029 {strides = array<i32>} : memref<32x512xf32, #tpu.memory_space<vmem>>, vector<1x16xf32>,
        %parallel_loop3A_1030 = arith.index_cast %parallel_loop3A_877 : i32 to index
        %parallel_loop3A_1031 = arith.constant 384 : index
        %parallel_loop3A_1032 = tpu.vector_load %arg7[%parallel_loop3A_1030, %parallel_loop3A_1031] {strides = array<i32>} : memref<32x512xf32, #tpu.memory_space<vmem>>, vector<1x16xf32>,
        %parallel_loop3A_1033 = vector.shape_cast %parallel_loop3A_1032 : vector<1x16xf32> to vector<16xf32>
        %parallel_loop3A_1034 = arith.index_cast %parallel_loop3A_877 : i32 to index
        %parallel_loop3A_1035 = arith.constant 384 : index
        %parallel_loop3A_1036 = tpu.vector_load %arg8[%parallel_loop3A_1034, %parallel_loop3A_1035] {strides = array<i32>} : memref<32x512xf32, #tpu.memory_space<vmem>>, vector<1x16xf32>,
        %parallel_loop3A_1037 = vector.shape_cast %parallel_loop3A_1036 : vector<1x16xf32> to vector<16xf32>
        %parallel_loop3A_1038 = arith.mulf %parallel_loop3A_1033, %get3A_393 : vector<16xf32>
        %parallel_loop3A_1039 = arith.mulf %parallel_loop3A_1037, %get3A_398 : vector<16xf32>
        %parallel_loop3A_1040 = arith.addf %parallel_loop3A_1038, %parallel_loop3A_1039 : vector<16xf32>
        %parallel_loop3A_1041 = arith.constant 0.000000e+00 : f32
        %parallel_loop3A_1042 = vector.broadcast %parallel_loop3A_1041 : f32 to vector<16xf32>
        %parallel_loop3A_1043 = arith.maximumf %parallel_loop3A_1040, %parallel_loop3A_1042 : vector<16xf32>
        %parallel_loop3A_1044 = arith.index_cast %parallel_loop3A_877 : i32 to index
        %parallel_loop3A_1045 = arith.constant 384 : index
        %parallel_loop3A_1046 = tpu.vector_load %arg11[%parallel_loop3A_1044, %parallel_loop3A_1045] {strides = array<i32>} : memref<32x512xf32, #tpu.memory_space<vmem>>, vector<1x16xf32>,
        %parallel_loop3A_1047 = vector.shape_cast %parallel_loop3A_1046 : vector<1x16xf32> to vector<16xf32>
        %parallel_loop3A_1048 = vector.shape_cast %parallel_loop3A_1043 : vector<16xf32> to vector<1x16xf32>
        tpu.vector_store %arg11[%parallel_loop3A_1044, %parallel_loop3A_1045], %parallel_loop3A_1048 {strides = array<i32>} : memref<32x512xf32, #tpu.memory_space<vmem>>, vector<1x16xf32>,
        %parallel_loop3A_1049 = arith.index_cast %parallel_loop3A_877 : i32 to index
        %parallel_loop3A_1050 = arith.constant 400 : index
        %parallel_loop3A_1051 = tpu.vector_load %arg7[%parallel_loop3A_1049, %parallel_loop3A_1050] {strides = array<i32>} : memref<32x512xf32, #tpu.memory_space<vmem>>, vector<1x16xf32>,
        %parallel_loop3A_1052 = vector.shape_cast %parallel_loop3A_1051 : vector<1x16xf32> to vector<16xf32>
        %parallel_loop3A_1053 = arith.index_cast %parallel_loop3A_877 : i32 to index
        %parallel_loop3A_1054 = arith.constant 400 : index
        %parallel_loop3A_1055 = tpu.vector_load %arg8[%parallel_loop3A_1053, %parallel_loop3A_1054] {strides = array<i32>} : memref<32x512xf32, #tpu.memory_space<vmem>>, vector<1x16xf32>,
        %parallel_loop3A_1056 = vector.shape_cast %parallel_loop3A_1055 : vector<1x16xf32> to vector<16xf32>
        %parallel_loop3A_1057 = arith.mulf %parallel_loop3A_1052, %get3A_403 : vector<16xf32>
        %parallel_loop3A_1058 = arith.mulf %parallel_loop3A_1056, %get3A_408 : vector<16xf32>
        %parallel_loop3A_1059 = arith.addf %parallel_loop3A_1057, %parallel_loop3A_1058 : vector<16xf32>
        %parallel_loop3A_1060 = arith.constant 0.000000e+00 : f32
        %parallel_loop3A_1061 = vector.broadcast %parallel_loop3A_1060 : f32 to vector<16xf32>
        %parallel_loop3A_1062 = arith.maximumf %parallel_loop3A_1059, %parallel_loop3A_1061 : vector<16xf32>
        %parallel_loop3A_1063 = arith.index_cast %parallel_loop3A_877 : i32 to index
        %parallel_loop3A_1064 = arith.constant 400 : index
        %parallel_loop3A_1065 = tpu.vector_load %arg11[%parallel_loop3A_1063, %parallel_loop3A_1064] {strides = array<i32>} : memref<32x512xf32, #tpu.memory_space<vmem>>, vector<1x16xf32>,
        %parallel_loop3A_1066 = vector.shape_cast %parallel_loop3A_1065 : vector<1x16xf32> to vector<16xf32>
        %parallel_loop3A_1067 = vector.shape_cast %parallel_loop3A_1062 : vector<16xf32> to vector<1x16xf32>
        tpu.vector_store %arg11[%parallel_loop3A_1063, %parallel_loop3A_1064], %parallel_loop3A_1067 {strides = array<i32>} : memref<32x512xf32, #tpu.memory_space<vmem>>, vector<1x16xf32>,
        %parallel_loop3A_1068 = arith.index_cast %parallel_loop3A_877 : i32 to index
        %parallel_loop3A_1069 = arith.constant 416 : index
        %parallel_loop3A_1070 = tpu.vector_load %arg7[%parallel_loop3A_1068, %parallel_loop3A_1069] {strides = array<i32>} : memref<32x512xf32, #tpu.memory_space<vmem>>, vector<1x16xf32>,
        %parallel_loop3A_1071 = vector.shape_cast %parallel_loop3A_1070 : vector<1x16xf32> to vector<16xf32>
        %parallel_loop3A_1072 = arith.index_cast %parallel_loop3A_877 : i32 to index
        %parallel_loop3A_1073 = arith.constant 416 : index
        %parallel_loop3A_1074 = tpu.vector_load %arg8[%parallel_loop3A_1072, %parallel_loop3A_1073] {strides = array<i32>} : memref<32x512xf32, #tpu.memory_space<vmem>>, vector<1x16xf32>,
        %parallel_loop3A_1075 = vector.shape_cast %parallel_loop3A_1074 : vector<1x16xf32> to vector<16xf32>
        %parallel_loop3A_1076 = arith.mulf %parallel_loop3A_1071, %get3A_413 : vector<16xf32>
        %parallel_loop3A_1077 = arith.mulf %parallel_loop3A_1075, %get3A_418 : vector<16xf32>
        %parallel_loop3A_1078 = arith.addf %parallel_loop3A_1076, %parallel_loop3A_1077 : vector<16xf32>
        %parallel_loop3A_1079 = arith.constant 0.000000e+00 : f32
        %parallel_loop3A_1080 = vector.broadcast %parallel_loop3A_1079 : f32 to vector<16xf32>
        %parallel_loop3A_1081 = arith.maximumf %parallel_loop3A_1078, %parallel_loop3A_1080 : vector<16xf32>
        %parallel_loop3A_1082 = arith.index_cast %parallel_loop3A_877 : i32 to index
        %parallel_loop3A_1083 = arith.constant 416 : index
        %parallel_loop3A_1084 = tpu.vector_load %arg11[%parallel_loop3A_1082, %parallel_loop3A_1083] {strides = array<i32>} : memref<32x512xf32, #tpu.memory_space<vmem>>, vector<1x16xf32>,
        %parallel_loop3A_1085 = vector.shape_cast %parallel_loop3A_1084 : vector<1x16xf32> to vector<16xf32>
        %parallel_loop3A_1086 = vector.shape_cast %parallel_loop3A_1081 : vector<16xf32> to vector<1x16xf32>
        tpu.vector_store %arg11[%parallel_loop3A_1082, %parallel_loop3A_1083], %parallel_loop3A_1086 {strides = array<i32>} : memref<32x512xf32, #tpu.memory_space<vmem>>, vector<1x16xf32>,
        %parallel_loop3A_1087 = arith.index_cast %parallel_loop3A_877 : i32 to index
        %parallel_loop3A_1088 = arith.constant 432 : index
        %parallel_loop3A_1089 = tpu.vector_load %arg7[%parallel_loop3A_1087, %parallel_loop3A_1088] {strides = array<i32>} : memref<32x512xf32, #tpu.memory_space<vmem>>, vector<1x16xf32>,
        %parallel_loop3A_1090 = vector.shape_cast %parallel_loop3A_1089 : vector<1x16xf32> to vector<16xf32>
        %parallel_loop3A_1091 = arith.index_cast %parallel_loop3A_877 : i32 to index
        %parallel_loop3A_1092 = arith.constant 432 : index
        %parallel_loop3A_1093 = tpu.vector_load %arg8[%parallel_loop3A_1091, %parallel_loop3A_1092] {strides = array<i32>} : memref<32x512xf32, #tpu.memory_space<vmem>>, vector<1x16xf32>,
        %parallel_loop3A_1094 = vector.shape_cast %parallel_loop3A_1093 : vector<1x16xf32> to vector<16xf32>
        %parallel_loop3A_1095 = arith.mulf %parallel_loop3A_1090, %get3A_423 : vector<16xf32>
        %parallel_loop3A_1096 = arith.mulf %parallel_loop3A_1094, %get3A_428 : vector<16xf32>
        %parallel_loop3A_1097 = arith.addf %parallel_loop3A_1095, %parallel_loop3A_1096 : vector<16xf32>
        %parallel_loop3A_1098 = arith.constant 0.000000e+00 : f32
        %parallel_loop3A_1099 = vector.broadcast %parallel_loop3A_1098 : f32 to vector<16xf32>
        %parallel_loop3A_1100 = arith.maximumf %parallel_loop3A_1097, %parallel_loop3A_1099 : vector<16xf32>
        %parallel_loop3A_1101 = arith.index_cast %parallel_loop3A_877 : i32 to index
        %parallel_loop3A_1102 = arith.constant 432 : index
        %parallel_loop3A_1103 = tpu.vector_load %arg11[%parallel_loop3A_1101, %parallel_loop3A_1102] {strides = array<i32>} : memref<32x512xf32, #tpu.memory_space<vmem>>, vector<1x16xf32>,
        %parallel_loop3A_1104 = vector.shape_cast %parallel_loop3A_1103 : vector<1x16xf32> to vector<16xf32>
        %parallel_loop3A_1105 = vector.shape_cast %parallel_loop3A_1100 : vector<16xf32> to vector<1x16xf32>
        tpu.vector_store %arg11[%parallel_loop3A_1101, %parallel_loop3A_1102], %parallel_loop3A_1105 {strides = array<i32>} : memref<32x512xf32, #tpu.memory_space<vmem>>, vector<1x16xf32>,
        %parallel_loop3A_1106 = arith.index_cast %parallel_loop3A_877 : i32 to index
        %parallel_loop3A_1107 = arith.constant 448 : index
        %parallel_loop3A_1108 = tpu.vector_load %arg7[%parallel_loop3A_1106, %parallel_loop3A_1107] {strides = array<i32>} : memref<32x512xf32, #tpu.memory_space<vmem>>, vector<1x16xf32>,
        %parallel_loop3A_1109 = vector.shape_cast %parallel_loop3A_1108 : vector<1x16xf32> to vector<16xf32>
        %parallel_loop3A_1110 = arith.index_cast %parallel_loop3A_877 : i32 to index
        %parallel_loop3A_1111 = arith.constant 448 : index
        %parallel_loop3A_1112 = tpu.vector_load %arg8[%parallel_loop3A_1110, %parallel_loop3A_1111] {strides = array<i32>} : memref<32x512xf32, #tpu.memory_space<vmem>>, vector<1x16xf32>,
        %parallel_loop3A_1113 = vector.shape_cast %parallel_loop3A_1112 : vector<1x16xf32> to vector<16xf32>
        %parallel_loop3A_1114 = arith.mulf %parallel_loop3A_1109, %get3A_433 : vector<16xf32>
        %parallel_loop3A_1115 = arith.mulf %parallel_loop3A_1113, %get3A_438 : vector<16xf32>
        %parallel_loop3A_1116 = arith.addf %parallel_loop3A_1114, %parallel_loop3A_1115 : vector<16xf32>
        %parallel_loop3A_1117 = arith.constant 0.000000e+00 : f32
        %parallel_loop3A_1118 = vector.broadcast %parallel_loop3A_1117 : f32 to vector<16xf32>
        %parallel_loop3A_1119 = arith.maximumf %parallel_loop3A_1116, %parallel_loop3A_1118 : vector<16xf32>
        %parallel_loop3A_1120 = arith.index_cast %parallel_loop3A_877 : i32 to index
        %parallel_loop3A_1121 = arith.constant 448 : index
        %parallel_loop3A_1122 = tpu.vector_load %arg11[%parallel_loop3A_1120, %parallel_loop3A_1121] {strides = array<i32>} : memref<32x512xf32, #tpu.memory_space<vmem>>, vector<1x16xf32>,
        %parallel_loop3A_1123 = vector.shape_cast %parallel_loop3A_1122 : vector<1x16xf32> to vector<16xf32>
        %parallel_loop3A_1124 = vector.shape_cast %parallel_loop3A_1119 : vector<16xf32> to vector<1x16xf32>
        tpu.vector_store %arg11[%parallel_loop3A_1120, %parallel_loop3A_1121], %parallel_loop3A_1124 {strides = array<i32>} : memref<32x512xf32, #tpu.memory_space<vmem>>, vector<1x16xf32>,
        %parallel_loop3A_1125 = arith.index_cast %parallel_loop3A_877 : i32 to index
        %parallel_loop3A_1126 = arith.constant 464 : index
        %parallel_loop3A_1127 = tpu.vector_load %arg7[%parallel_loop3A_1125, %parallel_loop3A_1126] {strides = array<i32>} : memref<32x512xf32, #tpu.memory_space<vmem>>, vector<1x16xf32>,
        %parallel_loop3A_1128 = vector.shape_cast %parallel_loop3A_1127 : vector<1x16xf32> to vector<16xf32>
        %parallel_loop3A_1129 = arith.index_cast %parallel_loop3A_877 : i32 to index
        %parallel_loop3A_1130 = arith.constant 464 : index
        %parallel_loop3A_1131 = tpu.vector_load %arg8[%parallel_loop3A_1129, %parallel_loop3A_1130] {strides = array<i32>} : memref<32x512xf32, #tpu.memory_space<vmem>>, vector<1x16xf32>,
        %parallel_loop3A_1132 = vector.shape_cast %parallel_loop3A_1131 : vector<1x16xf32> to vector<16xf32>
        %parallel_loop3A_1133 = arith.mulf %parallel_loop3A_1128, %get3A_443 : vector<16xf32>
        %parallel_loop3A_1134 = arith.mulf %parallel_loop3A_1132, %get3A_448 : vector<16xf32>
        %parallel_loop3A_1135 = arith.addf %parallel_loop3A_1133, %parallel_loop3A_1134 : vector<16xf32>
        %parallel_loop3A_1136 = arith.constant 0.000000e+00 : f32
        %parallel_loop3A_1137 = vector.broadcast %parallel_loop3A_1136 : f32 to vector<16xf32>
        %parallel_loop3A_1138 = arith.maximumf %parallel_loop3A_1135, %parallel_loop3A_1137 : vector<16xf32>
        %parallel_loop3A_1139 = arith.index_cast %parallel_loop3A_877 : i32 to index
        %parallel_loop3A_1140 = arith.constant 464 : index
        %parallel_loop3A_1141 = tpu.vector_load %arg11[%parallel_loop3A_1139, %parallel_loop3A_1140] {strides = array<i32>} : memref<32x512xf32, #tpu.memory_space<vmem>>, vector<1x16xf32>,
        %parallel_loop3A_1142 = vector.shape_cast %parallel_loop3A_1141 : vector<1x16xf32> to vector<16xf32>
        %parallel_loop3A_1143 = vector.shape_cast %parallel_loop3A_1138 : vector<16xf32> to vector<1x16xf32>
        tpu.vector_store %arg11[%parallel_loop3A_1139, %parallel_loop3A_1140], %parallel_loop3A_1143 {strides = array<i32>} : memref<32x512xf32, #tpu.memory_space<vmem>>, vector<1x16xf32>,
        %parallel_loop3A_1144 = arith.index_cast %parallel_loop3A_877 : i32 to index
        %parallel_loop3A_1145 = arith.constant 480 : index
        %parallel_loop3A_1146 = tpu.vector_load %arg7[%parallel_loop3A_1144, %parallel_loop3A_1145] {strides = array<i32>} : memref<32x512xf32, #tpu.memory_space<vmem>>, vector<1x16xf32>,
        %parallel_loop3A_1147 = vector.shape_cast %parallel_loop3A_1146 : vector<1x16xf32> to vector<16xf32>
        %parallel_loop3A_1148 = arith.index_cast %parallel_loop3A_877 : i32 to index
        %parallel_loop3A_1149 = arith.constant 480 : index
        %parallel_loop3A_1150 = tpu.vector_load %arg8[%parallel_loop3A_1148, %parallel_loop3A_1149] {strides = array<i32>} : memref<32x512xf32, #tpu.memory_space<vmem>>, vector<1x16xf32>,
        %parallel_loop3A_1151 = vector.shape_cast %parallel_loop3A_1150 : vector<1x16xf32> to vector<16xf32>
        %parallel_loop3A_1152 = arith.mulf %parallel_loop3A_1147, %get3A_453 : vector<16xf32>
        %parallel_loop3A_1153 = arith.mulf %parallel_loop3A_1151, %get3A_458 : vector<16xf32>
        %parallel_loop3A_1154 = arith.addf %parallel_loop3A_1152, %parallel_loop3A_1153 : vector<16xf32>
        %parallel_loop3A_1155 = arith.constant 0.000000e+00 : f32
        %parallel_loop3A_1156 = vector.broadcast %parallel_loop3A_1155 : f32 to vector<16xf32>
        %parallel_loop3A_1157 = arith.maximumf %parallel_loop3A_1154, %parallel_loop3A_1156 : vector<16xf32>
        %parallel_loop3A_1158 = arith.index_cast %parallel_loop3A_877 : i32 to index
        %parallel_loop3A_1159 = arith.constant 480 : index
        %parallel_loop3A_1160 = tpu.vector_load %arg11[%parallel_loop3A_1158, %parallel_loop3A_1159] {strides = array<i32>} : memref<32x512xf32, #tpu.memory_space<vmem>>, vector<1x16xf32>,
        %parallel_loop3A_1161 = vector.shape_cast %parallel_loop3A_1160 : vector<1x16xf32> to vector<16xf32>
        %parallel_loop3A_1162 = vector.shape_cast %parallel_loop3A_1157 : vector<16xf32> to vector<1x16xf32>
        tpu.vector_store %arg11[%parallel_loop3A_1158, %parallel_loop3A_1159], %parallel_loop3A_1162 {strides = array<i32>} : memref<32x512xf32, #tpu.memory_space<vmem>>, vector<1x16xf32>,
        %parallel_loop3A_1163 = arith.index_cast %parallel_loop3A_877 : i32 to index
        %parallel_loop3A_1164 = arith.constant 496 : index
        %parallel_loop3A_1165 = tpu.vector_load %arg7[%parallel_loop3A_1163, %parallel_loop3A_1164] {strides = array<i32>} : memref<32x512xf32, #tpu.memory_space<vmem>>, vector<1x16xf32>,
        %parallel_loop3A_1166 = vector.shape_cast %parallel_loop3A_1165 : vector<1x16xf32> to vector<16xf32>
        %parallel_loop3A_1167 = arith.index_cast %parallel_loop3A_877 : i32 to index
        %parallel_loop3A_1168 = arith.constant 496 : index
        %parallel_loop3A_1169 = tpu.vector_load %arg8[%parallel_loop3A_1167, %parallel_loop3A_1168] {strides = array<i32>} : memref<32x512xf32, #tpu.memory_space<vmem>>, vector<1x16xf32>,
        %parallel_loop3A_1170 = vector.shape_cast %parallel_loop3A_1169 : vector<1x16xf32> to vector<16xf32>
        %parallel_loop3A_1171 = arith.mulf %parallel_loop3A_1166, %get3A_463 : vector<16xf32>
        %parallel_loop3A_1172 = arith.mulf %parallel_loop3A_1170, %get3A_468 : vector<16xf32>
        %parallel_loop3A_1173 = arith.addf %parallel_loop3A_1171, %parallel_loop3A_1172 : vector<16xf32>
        %parallel_loop3A_1174 = arith.constant 0.000000e+00 : f32
        %parallel_loop3A_1175 = vector.broadcast %parallel_loop3A_1174 : f32 to vector<16xf32>
        %parallel_loop3A_1176 = arith.maximumf %parallel_loop3A_1173, %parallel_loop3A_1175 : vector<16xf32>
        %parallel_loop3A_1177 = arith.index_cast %parallel_loop3A_877 : i32 to index
        %parallel_loop3A_1178 = arith.constant 496 : index
        %parallel_loop3A_1179 = tpu.vector_load %arg11[%parallel_loop3A_1177, %parallel_loop3A_1178] {strides = array<i32>} : memref<32x512xf32, #tpu.memory_space<vmem>>, vector<1x16xf32>,
        %parallel_loop3A_1180 = vector.shape_cast %parallel_loop3A_1179 : vector<1x16xf32> to vector<16xf32>
        %parallel_loop3A_1181 = vector.shape_cast %parallel_loop3A_1176 : vector<16xf32> to vector<1x16xf32>
        tpu.vector_store %arg11[%parallel_loop3A_1177, %parallel_loop3A_1178], %parallel_loop3A_1181 {strides = array<i32>} : memref<32x512xf32, #tpu.memory_space<vmem>>, vector<1x16xf32>,
      } {sc.loop_unroll_factor = 1 : i64, sc.parallel_access}
      %dma_start3A_472 = arith.constant 0 : i32
      %dma_start3A_473 = arith.constant 0 : i32
      %dma_start3A_474 = tpu.memref_slice %arg5[%mul3A_43, %dma_start3A_472, %dma_start3A_473] : memref<16384x1x512xf32, #tpu.memory_space<hbm>> -> memref<32x1x512xf32, #tpu.memory_space<hbm>>
      %dma_start3A_475 = tpu.memref_squeeze %dma_start3A_474 : memref<32x1x512xf32, #tpu.memory_space<hbm>> -> memref<32x512xf32, #tpu.memory_space<hbm>>
      %dma_start3A_476 = arith.constant 0 : i32
      %dma_start3A_477 = tpu.memref_slice %arg5[%mul3A_43, %dma_start3A_472, %dma_start3A_476] : memref<16384x1x512xf32, #tpu.memory_space<hbm>> -> memref<32x1x512xf32, #tpu.memory_space<hbm>>
      %dma_start3A_478 = tpu.memref_squeeze %dma_start3A_477 : memref<32x1x512xf32, #tpu.memory_space<hbm>> -> memref<32x512xf32, #tpu.memory_space<hbm>>
      tpu.enqueue_dma source(%arg11 : memref<32x512xf32, #tpu.memory_space<vmem>>) target(%dma_start3A_478 : memref<32x512xf32, #tpu.memory_space<hbm>>) target_semaphore(%arg16 : memref<!tpu.dma_semaphore, #tpu.memory_space<semaphore_mem>>)
      %lt3A_479 = arith.constant 7 : i32
      %lt3A_480 = arith.cmpi slt, %scan3A_34, %lt3A_479 : i32
      %convert_element_type3A_481 = arith.extui %lt3A_480 : i1 to i32
      %cond3A_482 = arith.constant 0 : i32
      %cond3A_483 = arith.cmpi ne, %convert_element_type3A_481, %cond3A_482 : i32
      scf.if %cond3A_483 {
        %add3A_877 = arith.constant 2 : i32
        %add3A_878 = arith.addi %mul3A_36, %add3A_877 : i32
        %jit3A_879 = arith.constant 4 : i32
        %div3A_880 = arith.divsi %add3A_878, %jit3A_879 : i32
        %sign3A_881 = arith.constant 0 : i32
        %sign3A_882 = arith.cmpi sgt, %add3A_878, %sign3A_881 : i32
        %sign3A_883 = arith.extui %sign3A_882 : i1 to i32
        %sign3A_884 = arith.constant 0 : i32
        %sign3A_885 = arith.cmpi slt, %add3A_878, %sign3A_884 : i32
        %sign3A_886 = arith.extui %sign3A_885 : i1 to i32
        %sign3A_887 = arith.subi %sign3A_883, %sign3A_886 : i32
        %sign3A_888 = arith.constant 0 : i32
        %sign3A_889 = arith.cmpi sgt, %jit3A_879, %sign3A_888 : i32
        %sign3A_890 = arith.extui %sign3A_889 : i1 to i32
        %sign3A_891 = arith.constant 0 : i32
        %sign3A_892 = arith.cmpi slt, %jit3A_879, %sign3A_891 : i32
        %sign3A_893 = arith.extui %sign3A_892 : i1 to i32
        %sign3A_894 = arith.subi %sign3A_890, %sign3A_893 : i32
        %ne3A_895 = arith.cmpi ne, %sign3A_887, %sign3A_894 : i32
        %rem3A_896 = arith.remsi %add3A_878, %jit3A_879 : i32
        %ne3A_897 = arith.constant 0 : i32
        %ne3A_898 = arith.cmpi ne, %rem3A_896, %ne3A_897 : i32
        %and3A_899 = arith.andi %ne3A_895, %ne3A_898 : i1
        %sub3A_900 = arith.constant 1 : i32
        %sub3A_901 = arith.subi %div3A_880, %sub3A_900 : i32
        %select_n3A_902 = arith.select %and3A_899, %sub3A_901, %div3A_880 : i32
        %mul3A_903 = arith.constant 256 : i32
        %mul3A_904 = arith.muli %select_n3A_902, %mul3A_903 : i32
        %jit3A_905 = arith.constant 4 : i32
        %eq3A_906 = arith.constant 0 : i32
        %eq3A_907 = arith.cmpi eq, %jit3A_905, %eq3A_906 : i32
        %jit3A_908 = arith.constant 1 : i32
        %select_n3A_909 = arith.select %eq3A_907, %jit3A_908, %jit3A_905 : i32
        %rem3A_910 = arith.remsi %add3A_878, %select_n3A_909 : i32
        %ne3A_911 = arith.constant 0 : i32
        %ne3A_912 = arith.cmpi ne, %rem3A_910, %ne3A_911 : i32
        %lt3A_913 = arith.constant 0 : i32
        %lt3A_914 = arith.cmpi slt, %rem3A_910, %lt3A_913 : i32
        %lt3A_915 = arith.constant 0 : i32
        %lt3A_916 = arith.cmpi slt, %select_n3A_909, %lt3A_915 : i32
        %ne3A_917 = arith.xori %lt3A_914, %lt3A_916 : i1
        %and3A_918 = arith.andi %ne3A_917, %ne3A_912 : i1
        %add3A_919 = arith.addi %rem3A_910, %select_n3A_909 : i32
        %select_n3A_920 = arith.select %and3A_918, %add3A_919, %rem3A_910 : i32
        %mul3A_921 = arith.constant 32 : i32
        %mul3A_922 = arith.muli %select_n3A_920, %mul3A_921 : i32
        %add3A_923 = arith.addi %mul3A_904, %mul3A_922 : i32
        %dma_start3A_924 = tpu.memref_slice %arg6[%add3A_923] : memref<1024xi32, #tpu.memory_space<vmem>> -> memref<32xi32, #tpu.memory_space<vmem>>
        %dma_start3A_925 = arith.constant 0 : i32
        %dma_start3A_926 = arith.constant 0 : i32
        %dma_start3A_927 = tpu.memref_slice %arg3[%dma_start3A_925, %dma_start3A_926] : memref<100000x512xf32, #tpu.memory_space<hbm>> -> memref<100000x512xf32, #tpu.memory_space<hbm>>
        tpu.enqueue_indirect_dma source(%dma_start3A_927 : memref<100000x512xf32, #tpu.memory_space<hbm>>) target(%arg7 : memref<32x512xf32, #tpu.memory_space<vmem>>) offsets(%dma_start3A_924 : memref<32xi32, #tpu.memory_space<vmem>>) semaphore(%arg14 : memref<!tpu.dma_semaphore, #tpu.memory_space<semaphore_mem>>)
        %add3A_928 = arith.constant 128 : i32
        %add3A_929 = arith.addi %add3A_923, %add3A_928 : i32
        %dma_start3A_930 = tpu.memref_slice %arg6[%add3A_929] : memref<1024xi32, #tpu.memory_space<vmem>> -> memref<32xi32, #tpu.memory_space<vmem>>
        %dma_start3A_931 = arith.constant 0 : i32
        %dma_start3A_932 = arith.constant 0 : i32
        %dma_start3A_933 = tpu.memref_slice %arg3[%dma_start3A_931, %dma_start3A_932] : memref<100000x512xf32, #tpu.memory_space<hbm>> -> memref<100000x512xf32, #tpu.memory_space<hbm>>
        tpu.enqueue_indirect_dma source(%dma_start3A_933 : memref<100000x512xf32, #tpu.memory_space<hbm>>) target(%arg8 : memref<32x512xf32, #tpu.memory_space<vmem>>) offsets(%dma_start3A_930 : memref<32xi32, #tpu.memory_space<vmem>>) semaphore(%arg14 : memref<!tpu.dma_semaphore, #tpu.memory_space<semaphore_mem>>)
      } else {
      }
      %jit3A_484 = arith.constant 4 : i32
      %div3A_485 = arith.divsi %add3A_38, %jit3A_484 : i32
      %sign3A_486 = arith.constant 0 : i32
      %sign3A_487 = arith.cmpi sgt, %add3A_38, %sign3A_486 : i32
      %sign3A_488 = arith.extui %sign3A_487 : i1 to i32
      %sign3A_489 = arith.constant 0 : i32
      %sign3A_490 = arith.cmpi slt, %add3A_38, %sign3A_489 : i32
      %sign3A_491 = arith.extui %sign3A_490 : i1 to i32
      %sign3A_492 = arith.subi %sign3A_488, %sign3A_491 : i32
      %sign3A_493 = arith.constant 0 : i32
      %sign3A_494 = arith.cmpi sgt, %jit3A_484, %sign3A_493 : i32
      %sign3A_495 = arith.extui %sign3A_494 : i1 to i32
      %sign3A_496 = arith.constant 0 : i32
      %sign3A_497 = arith.cmpi slt, %jit3A_484, %sign3A_496 : i32
      %sign3A_498 = arith.extui %sign3A_497 : i1 to i32
      %sign3A_499 = arith.subi %sign3A_495, %sign3A_498 : i32
      %ne3A_500 = arith.cmpi ne, %sign3A_492, %sign3A_499 : i32
      %rem3A_501 = arith.remsi %add3A_38, %jit3A_484 : i32
      %ne3A_502 = arith.constant 0 : i32
      %ne3A_503 = arith.cmpi ne, %rem3A_501, %ne3A_502 : i32
      %and3A_504 = arith.andi %ne3A_500, %ne3A_503 : i1
      %sub3A_505 = arith.constant 1 : i32
      %sub3A_506 = arith.subi %div3A_485, %sub3A_505 : i32
      %select_n3A_507 = arith.select %and3A_504, %sub3A_506, %div3A_485 : i32
      %mul3A_508 = arith.constant 256 : i32
      %mul3A_509 = arith.muli %select_n3A_507, %mul3A_508 : i32
      %jit3A_510 = arith.constant 4 : i32
      %eq3A_511 = arith.constant 0 : i32
      %eq3A_512 = arith.cmpi eq, %jit3A_510, %eq3A_511 : i32
      %jit3A_513 = arith.constant 1 : i32
      %select_n3A_514 = arith.select %eq3A_512, %jit3A_513, %jit3A_510 : i32
      %rem3A_515 = arith.remsi %add3A_38, %select_n3A_514 : i32
      %ne3A_516 = arith.constant 0 : i32
      %ne3A_517 = arith.cmpi ne, %rem3A_515, %ne3A_516 : i32
      %lt3A_518 = arith.constant 0 : i32
      %lt3A_519 = arith.cmpi slt, %rem3A_515, %lt3A_518 : i32
      %lt3A_520 = arith.constant 0 : i32
      %lt3A_521 = arith.cmpi slt, %select_n3A_514, %lt3A_520 : i32
      %ne3A_522 = arith.xori %lt3A_519, %lt3A_521 : i1
      %and3A_523 = arith.andi %ne3A_522, %ne3A_517 : i1
      %add3A_524 = arith.addi %rem3A_515, %select_n3A_514 : i32
      %select_n3A_525 = arith.select %and3A_523, %add3A_524, %rem3A_515 : i32
      %mul3A_526 = arith.constant 32 : i32
      %mul3A_527 = arith.muli %select_n3A_525, %mul3A_526 : i32
      %add3A_528 = arith.addi %mul3A_509, %mul3A_527 : i32
      %dma_wait3A_529 = tpu.memref_slice %arg6[%add3A_528] : memref<1024xi32, #tpu.memory_space<vmem>> -> memref<32xi32, #tpu.memory_space<vmem>>
      %dma_wait3A_530 = arith.constant 0 : i32
      %dma_wait3A_531 = arith.constant 0 : i32
      %dma_wait3A_532 = tpu.memref_slice %arg3[%dma_wait3A_530, %dma_wait3A_531] : memref<100000x512xf32, #tpu.memory_space<hbm>> -> memref<100000x512xf32, #tpu.memory_space<hbm>>
      tpu.wait_indirect_dma semaphore(%arg15 : memref<!tpu.dma_semaphore, #tpu.memory_space<semaphore_mem>>) src(%dma_wait3A_532 : memref<100000x512xf32, #tpu.memory_space<hbm>>) dst(%arg9 : memref<32x512xf32, #tpu.memory_space<vmem>>)
      %add3A_533 = arith.constant 128 : i32
      %add3A_534 = arith.addi %add3A_528, %add3A_533 : i32
      %dma_wait3A_535 = tpu.memref_slice %arg6[%add3A_534] : memref<1024xi32, #tpu.memory_space<vmem>> -> memref<32xi32, #tpu.memory_space<vmem>>
      %dma_wait3A_536 = arith.constant 0 : i32
      %dma_wait3A_537 = arith.constant 0 : i32
      %dma_wait3A_538 = tpu.memref_slice %arg3[%dma_wait3A_536, %dma_wait3A_537] : memref<100000x512xf32, #tpu.memory_space<hbm>> -> memref<100000x512xf32, #tpu.memory_space<hbm>>
      tpu.wait_indirect_dma semaphore(%arg15 : memref<!tpu.dma_semaphore, #tpu.memory_space<semaphore_mem>>) src(%dma_wait3A_538 : memref<100000x512xf32, #tpu.memory_space<hbm>>) dst(%arg10 : memref<32x512xf32, #tpu.memory_space<vmem>>)
      %gt3A_539 = arith.constant 0 : i32
      %gt3A_540 = arith.cmpi sgt, %scan3A_34, %gt3A_539 : i32
      %convert_element_type3A_541 = arith.extui %gt3A_540 : i1 to i32
      %cond3A_542 = arith.constant 0 : i32
      %cond3A_543 = arith.cmpi ne, %convert_element_type3A_541, %cond3A_542 : i32
      scf.if %cond3A_543 {
        %dma_wait3A_877 = arith.constant 0 : i32
        %dma_wait3A_878 = arith.constant 0 : i32
        %dma_wait3A_879 = tpu.memref_slice %arg5[%add3A_45, %dma_wait3A_877, %dma_wait3A_878] : memref<16384x1x512xf32, #tpu.memory_space<hbm>> -> memref<32x1x512xf32, #tpu.memory_space<hbm>>
        %dma_wait3A_880 = tpu.memref_squeeze %dma_wait3A_879 : memref<32x1x512xf32, #tpu.memory_space<hbm>> -> memref<32x512xf32, #tpu.memory_space<hbm>>
        %dma_wait3A_881 = arith.constant 0 : i32
        %dma_wait3A_882 = tpu.memref_slice %arg5[%add3A_45, %dma_wait3A_877, %dma_wait3A_881] : memref<16384x1x512xf32, #tpu.memory_space<hbm>> -> memref<32x1x512xf32, #tpu.memory_space<hbm>>
        %dma_wait3A_883 = tpu.memref_squeeze %dma_wait3A_882 : memref<32x1x512xf32, #tpu.memory_space<hbm>> -> memref<32x512xf32, #tpu.memory_space<hbm>>
        tpu.wait_dma2 semaphore(%arg17 : memref<!tpu.dma_semaphore, #tpu.memory_space<semaphore_mem>>) src(%arg12 : memref<32x512xf32, #tpu.memory_space<vmem>>) dst(%dma_wait3A_883 : memref<32x512xf32, #tpu.memory_space<hbm>>)
      } else {
      }
      %get3A_544 = arith.constant 0 : i32
      %get3A_545 = arith.index_cast %get3A_544 : i32 to index
      %get3A_546 = arith.constant 0 : index
      %get3A_547 = tpu.vector_load %arg13[%get3A_545, %get3A_546] {strides = array<i32>} : memref<2x512xf32, #tpu.memory_space<vmem>>, vector<1x16xf32>,
      %get3A_548 = vector.shape_cast %get3A_547 : vector<1x16xf32> to vector<16xf32>
      %get3A_549 = arith.constant 1 : i32
      %get3A_550 = arith.index_cast %get3A_549 : i32 to index
      %get3A_551 = arith.constant 0 : index
      %get3A_552 = tpu.vector_load %arg13[%get3A_550, %get3A_551] {strides = array<i32>} : memref<2x512xf32, #tpu.memory_space<vmem>>, vector<1x16xf32>,
      %get3A_553 = vector.shape_cast %get3A_552 : vector<1x16xf32> to vector<16xf32>
      %get3A_554 = arith.constant 0 : i32
      %get3A_555 = arith.index_cast %get3A_554 : i32 to index
      %get3A_556 = arith.constant 16 : index
      %get3A_557 = tpu.vector_load %arg13[%get3A_555, %get3A_556] {strides = array<i32>} : memref<2x512xf32, #tpu.memory_space<vmem>>, vector<1x16xf32>,
      %get3A_558 = vector.shape_cast %get3A_557 : vector<1x16xf32> to vector<16xf32>
      %get3A_559 = arith.constant 1 : i32
      %get3A_560 = arith.index_cast %get3A_559 : i32 to index
      %get3A_561 = arith.constant 16 : index
      %get3A_562 = tpu.vector_load %arg13[%get3A_560, %get3A_561] {strides = array<i32>} : memref<2x512xf32, #tpu.memory_space<vmem>>, vector<1x16xf32>,
      %get3A_563 = vector.shape_cast %get3A_562 : vector<1x16xf32> to vector<16xf32>
      %get3A_564 = arith.constant 0 : i32
      %get3A_565 = arith.index_cast %get3A_564 : i32 to index
      %get3A_566 = arith.constant 32 : index
      %get3A_567 = tpu.vector_load %arg13[%get3A_565, %get3A_566] {strides = array<i32>} : memref<2x512xf32, #tpu.memory_space<vmem>>, vector<1x16xf32>,
      %get3A_568 = vector.shape_cast %get3A_567 : vector<1x16xf32> to vector<16xf32>
      %get3A_569 = arith.constant 1 : i32
      %get3A_570 = arith.index_cast %get3A_569 : i32 to index
      %get3A_571 = arith.constant 32 : index
      %get3A_572 = tpu.vector_load %arg13[%get3A_570, %get3A_571] {strides = array<i32>} : memref<2x512xf32, #tpu.memory_space<vmem>>, vector<1x16xf32>,
      %get3A_573 = vector.shape_cast %get3A_572 : vector<1x16xf32> to vector<16xf32>
      %get3A_574 = arith.constant 0 : i32
      %get3A_575 = arith.index_cast %get3A_574 : i32 to index
      %get3A_576 = arith.constant 48 : index
      %get3A_577 = tpu.vector_load %arg13[%get3A_575, %get3A_576] {strides = array<i32>} : memref<2x512xf32, #tpu.memory_space<vmem>>, vector<1x16xf32>,
      %get3A_578 = vector.shape_cast %get3A_577 : vector<1x16xf32> to vector<16xf32>
      %get3A_579 = arith.constant 1 : i32
      %get3A_580 = arith.index_cast %get3A_579 : i32 to index
      %get3A_581 = arith.constant 48 : index
      %get3A_582 = tpu.vector_load %arg13[%get3A_580, %get3A_581] {strides = array<i32>} : memref<2x512xf32, #tpu.memory_space<vmem>>, vector<1x16xf32>,
      %get3A_583 = vector.shape_cast %get3A_582 : vector<1x16xf32> to vector<16xf32>
      %get3A_584 = arith.constant 0 : i32
      %get3A_585 = arith.index_cast %get3A_584 : i32 to index
      %get3A_586 = arith.constant 64 : index
      %get3A_587 = tpu.vector_load %arg13[%get3A_585, %get3A_586] {strides = array<i32>} : memref<2x512xf32, #tpu.memory_space<vmem>>, vector<1x16xf32>,
      %get3A_588 = vector.shape_cast %get3A_587 : vector<1x16xf32> to vector<16xf32>
      %get3A_589 = arith.constant 1 : i32
      %get3A_590 = arith.index_cast %get3A_589 : i32 to index
      %get3A_591 = arith.constant 64 : index
      %get3A_592 = tpu.vector_load %arg13[%get3A_590, %get3A_591] {strides = array<i32>} : memref<2x512xf32, #tpu.memory_space<vmem>>, vector<1x16xf32>,
      %get3A_593 = vector.shape_cast %get3A_592 : vector<1x16xf32> to vector<16xf32>
      %get3A_594 = arith.constant 0 : i32
      %get3A_595 = arith.index_cast %get3A_594 : i32 to index
      %get3A_596 = arith.constant 80 : index
      %get3A_597 = tpu.vector_load %arg13[%get3A_595, %get3A_596] {strides = array<i32>} : memref<2x512xf32, #tpu.memory_space<vmem>>, vector<1x16xf32>,
      %get3A_598 = vector.shape_cast %get3A_597 : vector<1x16xf32> to vector<16xf32>
      %get3A_599 = arith.constant 1 : i32
      %get3A_600 = arith.index_cast %get3A_599 : i32 to index
      %get3A_601 = arith.constant 80 : index
      %get3A_602 = tpu.vector_load %arg13[%get3A_600, %get3A_601] {strides = array<i32>} : memref<2x512xf32, #tpu.memory_space<vmem>>, vector<1x16xf32>,
      %get3A_603 = vector.shape_cast %get3A_602 : vector<1x16xf32> to vector<16xf32>
      %get3A_604 = arith.constant 0 : i32
      %get3A_605 = arith.index_cast %get3A_604 : i32 to index
      %get3A_606 = arith.constant 96 : index
      %get3A_607 = tpu.vector_load %arg13[%get3A_605, %get3A_606] {strides = array<i32>} : memref<2x512xf32, #tpu.memory_space<vmem>>, vector<1x16xf32>,
      %get3A_608 = vector.shape_cast %get3A_607 : vector<1x16xf32> to vector<16xf32>
      %get3A_609 = arith.constant 1 : i32
      %get3A_610 = arith.index_cast %get3A_609 : i32 to index
      %get3A_611 = arith.constant 96 : index
      %get3A_612 = tpu.vector_load %arg13[%get3A_610, %get3A_611] {strides = array<i32>} : memref<2x512xf32, #tpu.memory_space<vmem>>, vector<1x16xf32>,
      %get3A_613 = vector.shape_cast %get3A_612 : vector<1x16xf32> to vector<16xf32>
      %get3A_614 = arith.constant 0 : i32
      %get3A_615 = arith.index_cast %get3A_614 : i32 to index
      %get3A_616 = arith.constant 112 : index
      %get3A_617 = tpu.vector_load %arg13[%get3A_615, %get3A_616] {strides = array<i32>} : memref<2x512xf32, #tpu.memory_space<vmem>>, vector<1x16xf32>,
      %get3A_618 = vector.shape_cast %get3A_617 : vector<1x16xf32> to vector<16xf32>
      %get3A_619 = arith.constant 1 : i32
      %get3A_620 = arith.index_cast %get3A_619 : i32 to index
      %get3A_621 = arith.constant 112 : index
      %get3A_622 = tpu.vector_load %arg13[%get3A_620, %get3A_621] {strides = array<i32>} : memref<2x512xf32, #tpu.memory_space<vmem>>, vector<1x16xf32>,
      %get3A_623 = vector.shape_cast %get3A_622 : vector<1x16xf32> to vector<16xf32>
      %get3A_624 = arith.constant 0 : i32
      %get3A_625 = arith.index_cast %get3A_624 : i32 to index
      %get3A_626 = arith.constant 128 : index
      %get3A_627 = tpu.vector_load %arg13[%get3A_625, %get3A_626] {strides = array<i32>} : memref<2x512xf32, #tpu.memory_space<vmem>>, vector<1x16xf32>,
      %get3A_628 = vector.shape_cast %get3A_627 : vector<1x16xf32> to vector<16xf32>
      %get3A_629 = arith.constant 1 : i32
      %get3A_630 = arith.index_cast %get3A_629 : i32 to index
      %get3A_631 = arith.constant 128 : index
      %get3A_632 = tpu.vector_load %arg13[%get3A_630, %get3A_631] {strides = array<i32>} : memref<2x512xf32, #tpu.memory_space<vmem>>, vector<1x16xf32>,
      %get3A_633 = vector.shape_cast %get3A_632 : vector<1x16xf32> to vector<16xf32>
      %get3A_634 = arith.constant 0 : i32
      %get3A_635 = arith.index_cast %get3A_634 : i32 to index
      %get3A_636 = arith.constant 144 : index
      %get3A_637 = tpu.vector_load %arg13[%get3A_635, %get3A_636] {strides = array<i32>} : memref<2x512xf32, #tpu.memory_space<vmem>>, vector<1x16xf32>,
      %get3A_638 = vector.shape_cast %get3A_637 : vector<1x16xf32> to vector<16xf32>
      %get3A_639 = arith.constant 1 : i32
      %get3A_640 = arith.index_cast %get3A_639 : i32 to index
      %get3A_641 = arith.constant 144 : index
      %get3A_642 = tpu.vector_load %arg13[%get3A_640, %get3A_641] {strides = array<i32>} : memref<2x512xf32, #tpu.memory_space<vmem>>, vector<1x16xf32>,
      %get3A_643 = vector.shape_cast %get3A_642 : vector<1x16xf32> to vector<16xf32>
      %get3A_644 = arith.constant 0 : i32
      %get3A_645 = arith.index_cast %get3A_644 : i32 to index
      %get3A_646 = arith.constant 160 : index
      %get3A_647 = tpu.vector_load %arg13[%get3A_645, %get3A_646] {strides = array<i32>} : memref<2x512xf32, #tpu.memory_space<vmem>>, vector<1x16xf32>,
      %get3A_648 = vector.shape_cast %get3A_647 : vector<1x16xf32> to vector<16xf32>
      %get3A_649 = arith.constant 1 : i32
      %get3A_650 = arith.index_cast %get3A_649 : i32 to index
      %get3A_651 = arith.constant 160 : index
      %get3A_652 = tpu.vector_load %arg13[%get3A_650, %get3A_651] {strides = array<i32>} : memref<2x512xf32, #tpu.memory_space<vmem>>, vector<1x16xf32>,
      %get3A_653 = vector.shape_cast %get3A_652 : vector<1x16xf32> to vector<16xf32>
      %get3A_654 = arith.constant 0 : i32
      %get3A_655 = arith.index_cast %get3A_654 : i32 to index
      %get3A_656 = arith.constant 176 : index
      %get3A_657 = tpu.vector_load %arg13[%get3A_655, %get3A_656] {strides = array<i32>} : memref<2x512xf32, #tpu.memory_space<vmem>>, vector<1x16xf32>,
      %get3A_658 = vector.shape_cast %get3A_657 : vector<1x16xf32> to vector<16xf32>
      %get3A_659 = arith.constant 1 : i32
      %get3A_660 = arith.index_cast %get3A_659 : i32 to index
      %get3A_661 = arith.constant 176 : index
      %get3A_662 = tpu.vector_load %arg13[%get3A_660, %get3A_661] {strides = array<i32>} : memref<2x512xf32, #tpu.memory_space<vmem>>, vector<1x16xf32>,
      %get3A_663 = vector.shape_cast %get3A_662 : vector<1x16xf32> to vector<16xf32>
      %get3A_664 = arith.constant 0 : i32
      %get3A_665 = arith.index_cast %get3A_664 : i32 to index
      %get3A_666 = arith.constant 192 : index
      %get3A_667 = tpu.vector_load %arg13[%get3A_665, %get3A_666] {strides = array<i32>} : memref<2x512xf32, #tpu.memory_space<vmem>>, vector<1x16xf32>,
      %get3A_668 = vector.shape_cast %get3A_667 : vector<1x16xf32> to vector<16xf32>
      %get3A_669 = arith.constant 1 : i32
      %get3A_670 = arith.index_cast %get3A_669 : i32 to index
      %get3A_671 = arith.constant 192 : index
      %get3A_672 = tpu.vector_load %arg13[%get3A_670, %get3A_671] {strides = array<i32>} : memref<2x512xf32, #tpu.memory_space<vmem>>, vector<1x16xf32>,
      %get3A_673 = vector.shape_cast %get3A_672 : vector<1x16xf32> to vector<16xf32>
      %get3A_674 = arith.constant 0 : i32
      %get3A_675 = arith.index_cast %get3A_674 : i32 to index
      %get3A_676 = arith.constant 208 : index
      %get3A_677 = tpu.vector_load %arg13[%get3A_675, %get3A_676] {strides = array<i32>} : memref<2x512xf32, #tpu.memory_space<vmem>>, vector<1x16xf32>,
      %get3A_678 = vector.shape_cast %get3A_677 : vector<1x16xf32> to vector<16xf32>
      %get3A_679 = arith.constant 1 : i32
      %get3A_680 = arith.index_cast %get3A_679 : i32 to index
      %get3A_681 = arith.constant 208 : index
      %get3A_682 = tpu.vector_load %arg13[%get3A_680, %get3A_681] {strides = array<i32>} : memref<2x512xf32, #tpu.memory_space<vmem>>, vector<1x16xf32>,
      %get3A_683 = vector.shape_cast %get3A_682 : vector<1x16xf32> to vector<16xf32>
      %get3A_684 = arith.constant 0 : i32
      %get3A_685 = arith.index_cast %get3A_684 : i32 to index
      %get3A_686 = arith.constant 224 : index
      %get3A_687 = tpu.vector_load %arg13[%get3A_685, %get3A_686] {strides = array<i32>} : memref<2x512xf32, #tpu.memory_space<vmem>>, vector<1x16xf32>,
      %get3A_688 = vector.shape_cast %get3A_687 : vector<1x16xf32> to vector<16xf32>
      %get3A_689 = arith.constant 1 : i32
      %get3A_690 = arith.index_cast %get3A_689 : i32 to index
      %get3A_691 = arith.constant 224 : index
      %get3A_692 = tpu.vector_load %arg13[%get3A_690, %get3A_691] {strides = array<i32>} : memref<2x512xf32, #tpu.memory_space<vmem>>, vector<1x16xf32>,
      %get3A_693 = vector.shape_cast %get3A_692 : vector<1x16xf32> to vector<16xf32>
      %get3A_694 = arith.constant 0 : i32
      %get3A_695 = arith.index_cast %get3A_694 : i32 to index
      %get3A_696 = arith.constant 240 : index
      %get3A_697 = tpu.vector_load %arg13[%get3A_695, %get3A_696] {strides = array<i32>} : memref<2x512xf32, #tpu.memory_space<vmem>>, vector<1x16xf32>,
      %get3A_698 = vector.shape_cast %get3A_697 : vector<1x16xf32> to vector<16xf32>
      %get3A_699 = arith.constant 1 : i32
      %get3A_700 = arith.index_cast %get3A_699 : i32 to index
      %get3A_701 = arith.constant 240 : index
      %get3A_702 = tpu.vector_load %arg13[%get3A_700, %get3A_701] {strides = array<i32>} : memref<2x512xf32, #tpu.memory_space<vmem>>, vector<1x16xf32>,
      %get3A_703 = vector.shape_cast %get3A_702 : vector<1x16xf32> to vector<16xf32>
      %parallel_loop3A_704 = arith.constant 0 : i32
      %parallel_loop3A_705 = arith.constant 32 : i32
      %parallel_loop3A_706 = arith.constant 1 : i32
      scf.for %parallel_loop3A_877 = %parallel_loop3A_704 to %parallel_loop3A_705 step %parallel_loop3A_706  : i32 {
        %parallel_loop3A_878 = arith.index_cast %parallel_loop3A_877 : i32 to index
        %parallel_loop3A_879 = arith.constant 0 : index
        %parallel_loop3A_880 = tpu.vector_load %arg9[%parallel_loop3A_878, %parallel_loop3A_879] {strides = array<i32>} : memref<32x512xf32, #tpu.memory_space<vmem>>, vector<1x16xf32>,
        %parallel_loop3A_881 = vector.shape_cast %parallel_loop3A_880 : vector<1x16xf32> to vector<16xf32>
        %parallel_loop3A_882 = arith.index_cast %parallel_loop3A_877 : i32 to index
        %parallel_loop3A_883 = arith.constant 0 : index
        %parallel_loop3A_884 = tpu.vector_load %arg10[%parallel_loop3A_882, %parallel_loop3A_883] {strides = array<i32>} : memref<32x512xf32, #tpu.memory_space<vmem>>, vector<1x16xf32>,
        %parallel_loop3A_885 = vector.shape_cast %parallel_loop3A_884 : vector<1x16xf32> to vector<16xf32>
        %parallel_loop3A_886 = arith.mulf %parallel_loop3A_881, %get3A_548 : vector<16xf32>
        %parallel_loop3A_887 = arith.mulf %parallel_loop3A_885, %get3A_553 : vector<16xf32>
        %parallel_loop3A_888 = arith.addf %parallel_loop3A_886, %parallel_loop3A_887 : vector<16xf32>
        %parallel_loop3A_889 = arith.constant 0.000000e+00 : f32
        %parallel_loop3A_890 = vector.broadcast %parallel_loop3A_889 : f32 to vector<16xf32>
        %parallel_loop3A_891 = arith.maximumf %parallel_loop3A_888, %parallel_loop3A_890 : vector<16xf32>
        %parallel_loop3A_892 = arith.index_cast %parallel_loop3A_877 : i32 to index
        %parallel_loop3A_893 = arith.constant 0 : index
        %parallel_loop3A_894 = tpu.vector_load %arg12[%parallel_loop3A_892, %parallel_loop3A_893] {strides = array<i32>} : memref<32x512xf32, #tpu.memory_space<vmem>>, vector<1x16xf32>,
        %parallel_loop3A_895 = vector.shape_cast %parallel_loop3A_894 : vector<1x16xf32> to vector<16xf32>
        %parallel_loop3A_896 = vector.shape_cast %parallel_loop3A_891 : vector<16xf32> to vector<1x16xf32>
        tpu.vector_store %arg12[%parallel_loop3A_892, %parallel_loop3A_893], %parallel_loop3A_896 {strides = array<i32>} : memref<32x512xf32, #tpu.memory_space<vmem>>, vector<1x16xf32>,
        %parallel_loop3A_897 = arith.index_cast %parallel_loop3A_877 : i32 to index
        %parallel_loop3A_898 = arith.constant 16 : index
        %parallel_loop3A_899 = tpu.vector_load %arg9[%parallel_loop3A_897, %parallel_loop3A_898] {strides = array<i32>} : memref<32x512xf32, #tpu.memory_space<vmem>>, vector<1x16xf32>,
        %parallel_loop3A_900 = vector.shape_cast %parallel_loop3A_899 : vector<1x16xf32> to vector<16xf32>
        %parallel_loop3A_901 = arith.index_cast %parallel_loop3A_877 : i32 to index
        %parallel_loop3A_902 = arith.constant 16 : index
        %parallel_loop3A_903 = tpu.vector_load %arg10[%parallel_loop3A_901, %parallel_loop3A_902] {strides = array<i32>} : memref<32x512xf32, #tpu.memory_space<vmem>>, vector<1x16xf32>,
        %parallel_loop3A_904 = vector.shape_cast %parallel_loop3A_903 : vector<1x16xf32> to vector<16xf32>
        %parallel_loop3A_905 = arith.mulf %parallel_loop3A_900, %get3A_558 : vector<16xf32>
        %parallel_loop3A_906 = arith.mulf %parallel_loop3A_904, %get3A_563 : vector<16xf32>
        %parallel_loop3A_907 = arith.addf %parallel_loop3A_905, %parallel_loop3A_906 : vector<16xf32>
        %parallel_loop3A_908 = arith.constant 0.000000e+00 : f32
        %parallel_loop3A_909 = vector.broadcast %parallel_loop3A_908 : f32 to vector<16xf32>
        %parallel_loop3A_910 = arith.maximumf %parallel_loop3A_907, %parallel_loop3A_909 : vector<16xf32>
        %parallel_loop3A_911 = arith.index_cast %parallel_loop3A_877 : i32 to index
        %parallel_loop3A_912 = arith.constant 16 : index
        %parallel_loop3A_913 = tpu.vector_load %arg12[%parallel_loop3A_911, %parallel_loop3A_912] {strides = array<i32>} : memref<32x512xf32, #tpu.memory_space<vmem>>, vector<1x16xf32>,
        %parallel_loop3A_914 = vector.shape_cast %parallel_loop3A_913 : vector<1x16xf32> to vector<16xf32>
        %parallel_loop3A_915 = vector.shape_cast %parallel_loop3A_910 : vector<16xf32> to vector<1x16xf32>
        tpu.vector_store %arg12[%parallel_loop3A_911, %parallel_loop3A_912], %parallel_loop3A_915 {strides = array<i32>} : memref<32x512xf32, #tpu.memory_space<vmem>>, vector<1x16xf32>,
        %parallel_loop3A_916 = arith.index_cast %parallel_loop3A_877 : i32 to index
        %parallel_loop3A_917 = arith.constant 32 : index
        %parallel_loop3A_918 = tpu.vector_load %arg9[%parallel_loop3A_916, %parallel_loop3A_917] {strides = array<i32>} : memref<32x512xf32, #tpu.memory_space<vmem>>, vector<1x16xf32>,
        %parallel_loop3A_919 = vector.shape_cast %parallel_loop3A_918 : vector<1x16xf32> to vector<16xf32>
        %parallel_loop3A_920 = arith.index_cast %parallel_loop3A_877 : i32 to index
        %parallel_loop3A_921 = arith.constant 32 : index
        %parallel_loop3A_922 = tpu.vector_load %arg10[%parallel_loop3A_920, %parallel_loop3A_921] {strides = array<i32>} : memref<32x512xf32, #tpu.memory_space<vmem>>, vector<1x16xf32>,
        %parallel_loop3A_923 = vector.shape_cast %parallel_loop3A_922 : vector<1x16xf32> to vector<16xf32>
        %parallel_loop3A_924 = arith.mulf %parallel_loop3A_919, %get3A_568 : vector<16xf32>
        %parallel_loop3A_925 = arith.mulf %parallel_loop3A_923, %get3A_573 : vector<16xf32>
        %parallel_loop3A_926 = arith.addf %parallel_loop3A_924, %parallel_loop3A_925 : vector<16xf32>
        %parallel_loop3A_927 = arith.constant 0.000000e+00 : f32
        %parallel_loop3A_928 = vector.broadcast %parallel_loop3A_927 : f32 to vector<16xf32>
        %parallel_loop3A_929 = arith.maximumf %parallel_loop3A_926, %parallel_loop3A_928 : vector<16xf32>
        %parallel_loop3A_930 = arith.index_cast %parallel_loop3A_877 : i32 to index
        %parallel_loop3A_931 = arith.constant 32 : index
        %parallel_loop3A_932 = tpu.vector_load %arg12[%parallel_loop3A_930, %parallel_loop3A_931] {strides = array<i32>} : memref<32x512xf32, #tpu.memory_space<vmem>>, vector<1x16xf32>,
        %parallel_loop3A_933 = vector.shape_cast %parallel_loop3A_932 : vector<1x16xf32> to vector<16xf32>
        %parallel_loop3A_934 = vector.shape_cast %parallel_loop3A_929 : vector<16xf32> to vector<1x16xf32>
        tpu.vector_store %arg12[%parallel_loop3A_930, %parallel_loop3A_931], %parallel_loop3A_934 {strides = array<i32>} : memref<32x512xf32, #tpu.memory_space<vmem>>, vector<1x16xf32>,
        %parallel_loop3A_935 = arith.index_cast %parallel_loop3A_877 : i32 to index
        %parallel_loop3A_936 = arith.constant 48 : index
        %parallel_loop3A_937 = tpu.vector_load %arg9[%parallel_loop3A_935, %parallel_loop3A_936] {strides = array<i32>} : memref<32x512xf32, #tpu.memory_space<vmem>>, vector<1x16xf32>,
        %parallel_loop3A_938 = vector.shape_cast %parallel_loop3A_937 : vector<1x16xf32> to vector<16xf32>
        %parallel_loop3A_939 = arith.index_cast %parallel_loop3A_877 : i32 to index
        %parallel_loop3A_940 = arith.constant 48 : index
        %parallel_loop3A_941 = tpu.vector_load %arg10[%parallel_loop3A_939, %parallel_loop3A_940] {strides = array<i32>} : memref<32x512xf32, #tpu.memory_space<vmem>>, vector<1x16xf32>,
        %parallel_loop3A_942 = vector.shape_cast %parallel_loop3A_941 : vector<1x16xf32> to vector<16xf32>
        %parallel_loop3A_943 = arith.mulf %parallel_loop3A_938, %get3A_578 : vector<16xf32>
        %parallel_loop3A_944 = arith.mulf %parallel_loop3A_942, %get3A_583 : vector<16xf32>
        %parallel_loop3A_945 = arith.addf %parallel_loop3A_943, %parallel_loop3A_944 : vector<16xf32>
        %parallel_loop3A_946 = arith.constant 0.000000e+00 : f32
        %parallel_loop3A_947 = vector.broadcast %parallel_loop3A_946 : f32 to vector<16xf32>
        %parallel_loop3A_948 = arith.maximumf %parallel_loop3A_945, %parallel_loop3A_947 : vector<16xf32>
        %parallel_loop3A_949 = arith.index_cast %parallel_loop3A_877 : i32 to index
        %parallel_loop3A_950 = arith.constant 48 : index
        %parallel_loop3A_951 = tpu.vector_load %arg12[%parallel_loop3A_949, %parallel_loop3A_950] {strides = array<i32>} : memref<32x512xf32, #tpu.memory_space<vmem>>, vector<1x16xf32>,
        %parallel_loop3A_952 = vector.shape_cast %parallel_loop3A_951 : vector<1x16xf32> to vector<16xf32>
        %parallel_loop3A_953 = vector.shape_cast %parallel_loop3A_948 : vector<16xf32> to vector<1x16xf32>
        tpu.vector_store %arg12[%parallel_loop3A_949, %parallel_loop3A_950], %parallel_loop3A_953 {strides = array<i32>} : memref<32x512xf32, #tpu.memory_space<vmem>>, vector<1x16xf32>,
        %parallel_loop3A_954 = arith.index_cast %parallel_loop3A_877 : i32 to index
        %parallel_loop3A_955 = arith.constant 64 : index
        %parallel_loop3A_956 = tpu.vector_load %arg9[%parallel_loop3A_954, %parallel_loop3A_955] {strides = array<i32>} : memref<32x512xf32, #tpu.memory_space<vmem>>, vector<1x16xf32>,
        %parallel_loop3A_957 = vector.shape_cast %parallel_loop3A_956 : vector<1x16xf32> to vector<16xf32>
        %parallel_loop3A_958 = arith.index_cast %parallel_loop3A_877 : i32 to index
        %parallel_loop3A_959 = arith.constant 64 : index
        %parallel_loop3A_960 = tpu.vector_load %arg10[%parallel_loop3A_958, %parallel_loop3A_959] {strides = array<i32>} : memref<32x512xf32, #tpu.memory_space<vmem>>, vector<1x16xf32>,
        %parallel_loop3A_961 = vector.shape_cast %parallel_loop3A_960 : vector<1x16xf32> to vector<16xf32>
        %parallel_loop3A_962 = arith.mulf %parallel_loop3A_957, %get3A_588 : vector<16xf32>
        %parallel_loop3A_963 = arith.mulf %parallel_loop3A_961, %get3A_593 : vector<16xf32>
        %parallel_loop3A_964 = arith.addf %parallel_loop3A_962, %parallel_loop3A_963 : vector<16xf32>
        %parallel_loop3A_965 = arith.constant 0.000000e+00 : f32
        %parallel_loop3A_966 = vector.broadcast %parallel_loop3A_965 : f32 to vector<16xf32>
        %parallel_loop3A_967 = arith.maximumf %parallel_loop3A_964, %parallel_loop3A_966 : vector<16xf32>
        %parallel_loop3A_968 = arith.index_cast %parallel_loop3A_877 : i32 to index
        %parallel_loop3A_969 = arith.constant 64 : index
        %parallel_loop3A_970 = tpu.vector_load %arg12[%parallel_loop3A_968, %parallel_loop3A_969] {strides = array<i32>} : memref<32x512xf32, #tpu.memory_space<vmem>>, vector<1x16xf32>,
        %parallel_loop3A_971 = vector.shape_cast %parallel_loop3A_970 : vector<1x16xf32> to vector<16xf32>
        %parallel_loop3A_972 = vector.shape_cast %parallel_loop3A_967 : vector<16xf32> to vector<1x16xf32>
        tpu.vector_store %arg12[%parallel_loop3A_968, %parallel_loop3A_969], %parallel_loop3A_972 {strides = array<i32>} : memref<32x512xf32, #tpu.memory_space<vmem>>, vector<1x16xf32>,
        %parallel_loop3A_973 = arith.index_cast %parallel_loop3A_877 : i32 to index
        %parallel_loop3A_974 = arith.constant 80 : index
        %parallel_loop3A_975 = tpu.vector_load %arg9[%parallel_loop3A_973, %parallel_loop3A_974] {strides = array<i32>} : memref<32x512xf32, #tpu.memory_space<vmem>>, vector<1x16xf32>,
        %parallel_loop3A_976 = vector.shape_cast %parallel_loop3A_975 : vector<1x16xf32> to vector<16xf32>
        %parallel_loop3A_977 = arith.index_cast %parallel_loop3A_877 : i32 to index
        %parallel_loop3A_978 = arith.constant 80 : index
        %parallel_loop3A_979 = tpu.vector_load %arg10[%parallel_loop3A_977, %parallel_loop3A_978] {strides = array<i32>} : memref<32x512xf32, #tpu.memory_space<vmem>>, vector<1x16xf32>,
        %parallel_loop3A_980 = vector.shape_cast %parallel_loop3A_979 : vector<1x16xf32> to vector<16xf32>
        %parallel_loop3A_981 = arith.mulf %parallel_loop3A_976, %get3A_598 : vector<16xf32>
        %parallel_loop3A_982 = arith.mulf %parallel_loop3A_980, %get3A_603 : vector<16xf32>
        %parallel_loop3A_983 = arith.addf %parallel_loop3A_981, %parallel_loop3A_982 : vector<16xf32>
        %parallel_loop3A_984 = arith.constant 0.000000e+00 : f32
        %parallel_loop3A_985 = vector.broadcast %parallel_loop3A_984 : f32 to vector<16xf32>
        %parallel_loop3A_986 = arith.maximumf %parallel_loop3A_983, %parallel_loop3A_985 : vector<16xf32>
        %parallel_loop3A_987 = arith.index_cast %parallel_loop3A_877 : i32 to index
        %parallel_loop3A_988 = arith.constant 80 : index
        %parallel_loop3A_989 = tpu.vector_load %arg12[%parallel_loop3A_987, %parallel_loop3A_988] {strides = array<i32>} : memref<32x512xf32, #tpu.memory_space<vmem>>, vector<1x16xf32>,
        %parallel_loop3A_990 = vector.shape_cast %parallel_loop3A_989 : vector<1x16xf32> to vector<16xf32>
        %parallel_loop3A_991 = vector.shape_cast %parallel_loop3A_986 : vector<16xf32> to vector<1x16xf32>
        tpu.vector_store %arg12[%parallel_loop3A_987, %parallel_loop3A_988], %parallel_loop3A_991 {strides = array<i32>} : memref<32x512xf32, #tpu.memory_space<vmem>>, vector<1x16xf32>,
        %parallel_loop3A_992 = arith.index_cast %parallel_loop3A_877 : i32 to index
        %parallel_loop3A_993 = arith.constant 96 : index
        %parallel_loop3A_994 = tpu.vector_load %arg9[%parallel_loop3A_992, %parallel_loop3A_993] {strides = array<i32>} : memref<32x512xf32, #tpu.memory_space<vmem>>, vector<1x16xf32>,
        %parallel_loop3A_995 = vector.shape_cast %parallel_loop3A_994 : vector<1x16xf32> to vector<16xf32>
        %parallel_loop3A_996 = arith.index_cast %parallel_loop3A_877 : i32 to index
        %parallel_loop3A_997 = arith.constant 96 : index
        %parallel_loop3A_998 = tpu.vector_load %arg10[%parallel_loop3A_996, %parallel_loop3A_997] {strides = array<i32>} : memref<32x512xf32, #tpu.memory_space<vmem>>, vector<1x16xf32>,
        %parallel_loop3A_999 = vector.shape_cast %parallel_loop3A_998 : vector<1x16xf32> to vector<16xf32>
        %parallel_loop3A_1000 = arith.mulf %parallel_loop3A_995, %get3A_608 : vector<16xf32>
        %parallel_loop3A_1001 = arith.mulf %parallel_loop3A_999, %get3A_613 : vector<16xf32>
        %parallel_loop3A_1002 = arith.addf %parallel_loop3A_1000, %parallel_loop3A_1001 : vector<16xf32>
        %parallel_loop3A_1003 = arith.constant 0.000000e+00 : f32
        %parallel_loop3A_1004 = vector.broadcast %parallel_loop3A_1003 : f32 to vector<16xf32>
        %parallel_loop3A_1005 = arith.maximumf %parallel_loop3A_1002, %parallel_loop3A_1004 : vector<16xf32>
        %parallel_loop3A_1006 = arith.index_cast %parallel_loop3A_877 : i32 to index
        %parallel_loop3A_1007 = arith.constant 96 : index
        %parallel_loop3A_1008 = tpu.vector_load %arg12[%parallel_loop3A_1006, %parallel_loop3A_1007] {strides = array<i32>} : memref<32x512xf32, #tpu.memory_space<vmem>>, vector<1x16xf32>,
        %parallel_loop3A_1009 = vector.shape_cast %parallel_loop3A_1008 : vector<1x16xf32> to vector<16xf32>
        %parallel_loop3A_1010 = vector.shape_cast %parallel_loop3A_1005 : vector<16xf32> to vector<1x16xf32>
        tpu.vector_store %arg12[%parallel_loop3A_1006, %parallel_loop3A_1007], %parallel_loop3A_1010 {strides = array<i32>} : memref<32x512xf32, #tpu.memory_space<vmem>>, vector<1x16xf32>,
        %parallel_loop3A_1011 = arith.index_cast %parallel_loop3A_877 : i32 to index
        %parallel_loop3A_1012 = arith.constant 112 : index
        %parallel_loop3A_1013 = tpu.vector_load %arg9[%parallel_loop3A_1011, %parallel_loop3A_1012] {strides = array<i32>} : memref<32x512xf32, #tpu.memory_space<vmem>>, vector<1x16xf32>,
        %parallel_loop3A_1014 = vector.shape_cast %parallel_loop3A_1013 : vector<1x16xf32> to vector<16xf32>
        %parallel_loop3A_1015 = arith.index_cast %parallel_loop3A_877 : i32 to index
        %parallel_loop3A_1016 = arith.constant 112 : index
        %parallel_loop3A_1017 = tpu.vector_load %arg10[%parallel_loop3A_1015, %parallel_loop3A_1016] {strides = array<i32>} : memref<32x512xf32, #tpu.memory_space<vmem>>, vector<1x16xf32>,
        %parallel_loop3A_1018 = vector.shape_cast %parallel_loop3A_1017 : vector<1x16xf32> to vector<16xf32>
        %parallel_loop3A_1019 = arith.mulf %parallel_loop3A_1014, %get3A_618 : vector<16xf32>
        %parallel_loop3A_1020 = arith.mulf %parallel_loop3A_1018, %get3A_623 : vector<16xf32>
        %parallel_loop3A_1021 = arith.addf %parallel_loop3A_1019, %parallel_loop3A_1020 : vector<16xf32>
        %parallel_loop3A_1022 = arith.constant 0.000000e+00 : f32
        %parallel_loop3A_1023 = vector.broadcast %parallel_loop3A_1022 : f32 to vector<16xf32>
        %parallel_loop3A_1024 = arith.maximumf %parallel_loop3A_1021, %parallel_loop3A_1023 : vector<16xf32>
        %parallel_loop3A_1025 = arith.index_cast %parallel_loop3A_877 : i32 to index
        %parallel_loop3A_1026 = arith.constant 112 : index
        %parallel_loop3A_1027 = tpu.vector_load %arg12[%parallel_loop3A_1025, %parallel_loop3A_1026] {strides = array<i32>} : memref<32x512xf32, #tpu.memory_space<vmem>>, vector<1x16xf32>,
        %parallel_loop3A_1028 = vector.shape_cast %parallel_loop3A_1027 : vector<1x16xf32> to vector<16xf32>
        %parallel_loop3A_1029 = vector.shape_cast %parallel_loop3A_1024 : vector<16xf32> to vector<1x16xf32>
        tpu.vector_store %arg12[%parallel_loop3A_1025, %parallel_loop3A_1026], %parallel_loop3A_1029 {strides = array<i32>} : memref<32x512xf32, #tpu.memory_space<vmem>>, vector<1x16xf32>,
        %parallel_loop3A_1030 = arith.index_cast %parallel_loop3A_877 : i32 to index
        %parallel_loop3A_1031 = arith.constant 128 : index
        %parallel_loop3A_1032 = tpu.vector_load %arg9[%parallel_loop3A_1030, %parallel_loop3A_1031] {strides = array<i32>} : memref<32x512xf32, #tpu.memory_space<vmem>>, vector<1x16xf32>,
        %parallel_loop3A_1033 = vector.shape_cast %parallel_loop3A_1032 : vector<1x16xf32> to vector<16xf32>
        %parallel_loop3A_1034 = arith.index_cast %parallel_loop3A_877 : i32 to index
        %parallel_loop3A_1035 = arith.constant 128 : index
        %parallel_loop3A_1036 = tpu.vector_load %arg10[%parallel_loop3A_1034, %parallel_loop3A_1035] {strides = array<i32>} : memref<32x512xf32, #tpu.memory_space<vmem>>, vector<1x16xf32>,
        %parallel_loop3A_1037 = vector.shape_cast %parallel_loop3A_1036 : vector<1x16xf32> to vector<16xf32>
        %parallel_loop3A_1038 = arith.mulf %parallel_loop3A_1033, %get3A_628 : vector<16xf32>
        %parallel_loop3A_1039 = arith.mulf %parallel_loop3A_1037, %get3A_633 : vector<16xf32>
        %parallel_loop3A_1040 = arith.addf %parallel_loop3A_1038, %parallel_loop3A_1039 : vector<16xf32>
        %parallel_loop3A_1041 = arith.constant 0.000000e+00 : f32
        %parallel_loop3A_1042 = vector.broadcast %parallel_loop3A_1041 : f32 to vector<16xf32>
        %parallel_loop3A_1043 = arith.maximumf %parallel_loop3A_1040, %parallel_loop3A_1042 : vector<16xf32>
        %parallel_loop3A_1044 = arith.index_cast %parallel_loop3A_877 : i32 to index
        %parallel_loop3A_1045 = arith.constant 128 : index
        %parallel_loop3A_1046 = tpu.vector_load %arg12[%parallel_loop3A_1044, %parallel_loop3A_1045] {strides = array<i32>} : memref<32x512xf32, #tpu.memory_space<vmem>>, vector<1x16xf32>,
        %parallel_loop3A_1047 = vector.shape_cast %parallel_loop3A_1046 : vector<1x16xf32> to vector<16xf32>
        %parallel_loop3A_1048 = vector.shape_cast %parallel_loop3A_1043 : vector<16xf32> to vector<1x16xf32>
        tpu.vector_store %arg12[%parallel_loop3A_1044, %parallel_loop3A_1045], %parallel_loop3A_1048 {strides = array<i32>} : memref<32x512xf32, #tpu.memory_space<vmem>>, vector<1x16xf32>,
        %parallel_loop3A_1049 = arith.index_cast %parallel_loop3A_877 : i32 to index
        %parallel_loop3A_1050 = arith.constant 144 : index
        %parallel_loop3A_1051 = tpu.vector_load %arg9[%parallel_loop3A_1049, %parallel_loop3A_1050] {strides = array<i32>} : memref<32x512xf32, #tpu.memory_space<vmem>>, vector<1x16xf32>,
        %parallel_loop3A_1052 = vector.shape_cast %parallel_loop3A_1051 : vector<1x16xf32> to vector<16xf32>
        %parallel_loop3A_1053 = arith.index_cast %parallel_loop3A_877 : i32 to index
        %parallel_loop3A_1054 = arith.constant 144 : index
        %parallel_loop3A_1055 = tpu.vector_load %arg10[%parallel_loop3A_1053, %parallel_loop3A_1054] {strides = array<i32>} : memref<32x512xf32, #tpu.memory_space<vmem>>, vector<1x16xf32>,
        %parallel_loop3A_1056 = vector.shape_cast %parallel_loop3A_1055 : vector<1x16xf32> to vector<16xf32>
        %parallel_loop3A_1057 = arith.mulf %parallel_loop3A_1052, %get3A_638 : vector<16xf32>
        %parallel_loop3A_1058 = arith.mulf %parallel_loop3A_1056, %get3A_643 : vector<16xf32>
        %parallel_loop3A_1059 = arith.addf %parallel_loop3A_1057, %parallel_loop3A_1058 : vector<16xf32>
        %parallel_loop3A_1060 = arith.constant 0.000000e+00 : f32
        %parallel_loop3A_1061 = vector.broadcast %parallel_loop3A_1060 : f32 to vector<16xf32>
        %parallel_loop3A_1062 = arith.maximumf %parallel_loop3A_1059, %parallel_loop3A_1061 : vector<16xf32>
        %parallel_loop3A_1063 = arith.index_cast %parallel_loop3A_877 : i32 to index
        %parallel_loop3A_1064 = arith.constant 144 : index
        %parallel_loop3A_1065 = tpu.vector_load %arg12[%parallel_loop3A_1063, %parallel_loop3A_1064] {strides = array<i32>} : memref<32x512xf32, #tpu.memory_space<vmem>>, vector<1x16xf32>,
        %parallel_loop3A_1066 = vector.shape_cast %parallel_loop3A_1065 : vector<1x16xf32> to vector<16xf32>
        %parallel_loop3A_1067 = vector.shape_cast %parallel_loop3A_1062 : vector<16xf32> to vector<1x16xf32>
        tpu.vector_store %arg12[%parallel_loop3A_1063, %parallel_loop3A_1064], %parallel_loop3A_1067 {strides = array<i32>} : memref<32x512xf32, #tpu.memory_space<vmem>>, vector<1x16xf32>,
        %parallel_loop3A_1068 = arith.index_cast %parallel_loop3A_877 : i32 to index
        %parallel_loop3A_1069 = arith.constant 160 : index
        %parallel_loop3A_1070 = tpu.vector_load %arg9[%parallel_loop3A_1068, %parallel_loop3A_1069] {strides = array<i32>} : memref<32x512xf32, #tpu.memory_space<vmem>>, vector<1x16xf32>,
        %parallel_loop3A_1071 = vector.shape_cast %parallel_loop3A_1070 : vector<1x16xf32> to vector<16xf32>
        %parallel_loop3A_1072 = arith.index_cast %parallel_loop3A_877 : i32 to index
        %parallel_loop3A_1073 = arith.constant 160 : index
        %parallel_loop3A_1074 = tpu.vector_load %arg10[%parallel_loop3A_1072, %parallel_loop3A_1073] {strides = array<i32>} : memref<32x512xf32, #tpu.memory_space<vmem>>, vector<1x16xf32>,
        %parallel_loop3A_1075 = vector.shape_cast %parallel_loop3A_1074 : vector<1x16xf32> to vector<16xf32>
        %parallel_loop3A_1076 = arith.mulf %parallel_loop3A_1071, %get3A_648 : vector<16xf32>
        %parallel_loop3A_1077 = arith.mulf %parallel_loop3A_1075, %get3A_653 : vector<16xf32>
        %parallel_loop3A_1078 = arith.addf %parallel_loop3A_1076, %parallel_loop3A_1077 : vector<16xf32>
        %parallel_loop3A_1079 = arith.constant 0.000000e+00 : f32
        %parallel_loop3A_1080 = vector.broadcast %parallel_loop3A_1079 : f32 to vector<16xf32>
        %parallel_loop3A_1081 = arith.maximumf %parallel_loop3A_1078, %parallel_loop3A_1080 : vector<16xf32>
        %parallel_loop3A_1082 = arith.index_cast %parallel_loop3A_877 : i32 to index
        %parallel_loop3A_1083 = arith.constant 160 : index
        %parallel_loop3A_1084 = tpu.vector_load %arg12[%parallel_loop3A_1082, %parallel_loop3A_1083] {strides = array<i32>} : memref<32x512xf32, #tpu.memory_space<vmem>>, vector<1x16xf32>,
        %parallel_loop3A_1085 = vector.shape_cast %parallel_loop3A_1084 : vector<1x16xf32> to vector<16xf32>
        %parallel_loop3A_1086 = vector.shape_cast %parallel_loop3A_1081 : vector<16xf32> to vector<1x16xf32>
        tpu.vector_store %arg12[%parallel_loop3A_1082, %parallel_loop3A_1083], %parallel_loop3A_1086 {strides = array<i32>} : memref<32x512xf32, #tpu.memory_space<vmem>>, vector<1x16xf32>,
        %parallel_loop3A_1087 = arith.index_cast %parallel_loop3A_877 : i32 to index
        %parallel_loop3A_1088 = arith.constant 176 : index
        %parallel_loop3A_1089 = tpu.vector_load %arg9[%parallel_loop3A_1087, %parallel_loop3A_1088] {strides = array<i32>} : memref<32x512xf32, #tpu.memory_space<vmem>>, vector<1x16xf32>,
        %parallel_loop3A_1090 = vector.shape_cast %parallel_loop3A_1089 : vector<1x16xf32> to vector<16xf32>
        %parallel_loop3A_1091 = arith.index_cast %parallel_loop3A_877 : i32 to index
        %parallel_loop3A_1092 = arith.constant 176 : index
        %parallel_loop3A_1093 = tpu.vector_load %arg10[%parallel_loop3A_1091, %parallel_loop3A_1092] {strides = array<i32>} : memref<32x512xf32, #tpu.memory_space<vmem>>, vector<1x16xf32>,
        %parallel_loop3A_1094 = vector.shape_cast %parallel_loop3A_1093 : vector<1x16xf32> to vector<16xf32>
        %parallel_loop3A_1095 = arith.mulf %parallel_loop3A_1090, %get3A_658 : vector<16xf32>
        %parallel_loop3A_1096 = arith.mulf %parallel_loop3A_1094, %get3A_663 : vector<16xf32>
        %parallel_loop3A_1097 = arith.addf %parallel_loop3A_1095, %parallel_loop3A_1096 : vector<16xf32>
        %parallel_loop3A_1098 = arith.constant 0.000000e+00 : f32
        %parallel_loop3A_1099 = vector.broadcast %parallel_loop3A_1098 : f32 to vector<16xf32>
        %parallel_loop3A_1100 = arith.maximumf %parallel_loop3A_1097, %parallel_loop3A_1099 : vector<16xf32>
        %parallel_loop3A_1101 = arith.index_cast %parallel_loop3A_877 : i32 to index
        %parallel_loop3A_1102 = arith.constant 176 : index
        %parallel_loop3A_1103 = tpu.vector_load %arg12[%parallel_loop3A_1101, %parallel_loop3A_1102] {strides = array<i32>} : memref<32x512xf32, #tpu.memory_space<vmem>>, vector<1x16xf32>,
        %parallel_loop3A_1104 = vector.shape_cast %parallel_loop3A_1103 : vector<1x16xf32> to vector<16xf32>
        %parallel_loop3A_1105 = vector.shape_cast %parallel_loop3A_1100 : vector<16xf32> to vector<1x16xf32>
        tpu.vector_store %arg12[%parallel_loop3A_1101, %parallel_loop3A_1102], %parallel_loop3A_1105 {strides = array<i32>} : memref<32x512xf32, #tpu.memory_space<vmem>>, vector<1x16xf32>,
        %parallel_loop3A_1106 = arith.index_cast %parallel_loop3A_877 : i32 to index
        %parallel_loop3A_1107 = arith.constant 192 : index
        %parallel_loop3A_1108 = tpu.vector_load %arg9[%parallel_loop3A_1106, %parallel_loop3A_1107] {strides = array<i32>} : memref<32x512xf32, #tpu.memory_space<vmem>>, vector<1x16xf32>,
        %parallel_loop3A_1109 = vector.shape_cast %parallel_loop3A_1108 : vector<1x16xf32> to vector<16xf32>
        %parallel_loop3A_1110 = arith.index_cast %parallel_loop3A_877 : i32 to index
        %parallel_loop3A_1111 = arith.constant 192 : index
        %parallel_loop3A_1112 = tpu.vector_load %arg10[%parallel_loop3A_1110, %parallel_loop3A_1111] {strides = array<i32>} : memref<32x512xf32, #tpu.memory_space<vmem>>, vector<1x16xf32>,
        %parallel_loop3A_1113 = vector.shape_cast %parallel_loop3A_1112 : vector<1x16xf32> to vector<16xf32>
        %parallel_loop3A_1114 = arith.mulf %parallel_loop3A_1109, %get3A_668 : vector<16xf32>
        %parallel_loop3A_1115 = arith.mulf %parallel_loop3A_1113, %get3A_673 : vector<16xf32>
        %parallel_loop3A_1116 = arith.addf %parallel_loop3A_1114, %parallel_loop3A_1115 : vector<16xf32>
        %parallel_loop3A_1117 = arith.constant 0.000000e+00 : f32
        %parallel_loop3A_1118 = vector.broadcast %parallel_loop3A_1117 : f32 to vector<16xf32>
        %parallel_loop3A_1119 = arith.maximumf %parallel_loop3A_1116, %parallel_loop3A_1118 : vector<16xf32>
        %parallel_loop3A_1120 = arith.index_cast %parallel_loop3A_877 : i32 to index
        %parallel_loop3A_1121 = arith.constant 192 : index
        %parallel_loop3A_1122 = tpu.vector_load %arg12[%parallel_loop3A_1120, %parallel_loop3A_1121] {strides = array<i32>} : memref<32x512xf32, #tpu.memory_space<vmem>>, vector<1x16xf32>,
        %parallel_loop3A_1123 = vector.shape_cast %parallel_loop3A_1122 : vector<1x16xf32> to vector<16xf32>
        %parallel_loop3A_1124 = vector.shape_cast %parallel_loop3A_1119 : vector<16xf32> to vector<1x16xf32>
        tpu.vector_store %arg12[%parallel_loop3A_1120, %parallel_loop3A_1121], %parallel_loop3A_1124 {strides = array<i32>} : memref<32x512xf32, #tpu.memory_space<vmem>>, vector<1x16xf32>,
        %parallel_loop3A_1125 = arith.index_cast %parallel_loop3A_877 : i32 to index
        %parallel_loop3A_1126 = arith.constant 208 : index
        %parallel_loop3A_1127 = tpu.vector_load %arg9[%parallel_loop3A_1125, %parallel_loop3A_1126] {strides = array<i32>} : memref<32x512xf32, #tpu.memory_space<vmem>>, vector<1x16xf32>,
        %parallel_loop3A_1128 = vector.shape_cast %parallel_loop3A_1127 : vector<1x16xf32> to vector<16xf32>
        %parallel_loop3A_1129 = arith.index_cast %parallel_loop3A_877 : i32 to index
        %parallel_loop3A_1130 = arith.constant 208 : index
        %parallel_loop3A_1131 = tpu.vector_load %arg10[%parallel_loop3A_1129, %parallel_loop3A_1130] {strides = array<i32>} : memref<32x512xf32, #tpu.memory_space<vmem>>, vector<1x16xf32>,
        %parallel_loop3A_1132 = vector.shape_cast %parallel_loop3A_1131 : vector<1x16xf32> to vector<16xf32>
        %parallel_loop3A_1133 = arith.mulf %parallel_loop3A_1128, %get3A_678 : vector<16xf32>
        %parallel_loop3A_1134 = arith.mulf %parallel_loop3A_1132, %get3A_683 : vector<16xf32>
        %parallel_loop3A_1135 = arith.addf %parallel_loop3A_1133, %parallel_loop3A_1134 : vector<16xf32>
        %parallel_loop3A_1136 = arith.constant 0.000000e+00 : f32
        %parallel_loop3A_1137 = vector.broadcast %parallel_loop3A_1136 : f32 to vector<16xf32>
        %parallel_loop3A_1138 = arith.maximumf %parallel_loop3A_1135, %parallel_loop3A_1137 : vector<16xf32>
        %parallel_loop3A_1139 = arith.index_cast %parallel_loop3A_877 : i32 to index
        %parallel_loop3A_1140 = arith.constant 208 : index
        %parallel_loop3A_1141 = tpu.vector_load %arg12[%parallel_loop3A_1139, %parallel_loop3A_1140] {strides = array<i32>} : memref<32x512xf32, #tpu.memory_space<vmem>>, vector<1x16xf32>,
        %parallel_loop3A_1142 = vector.shape_cast %parallel_loop3A_1141 : vector<1x16xf32> to vector<16xf32>
        %parallel_loop3A_1143 = vector.shape_cast %parallel_loop3A_1138 : vector<16xf32> to vector<1x16xf32>
        tpu.vector_store %arg12[%parallel_loop3A_1139, %parallel_loop3A_1140], %parallel_loop3A_1143 {strides = array<i32>} : memref<32x512xf32, #tpu.memory_space<vmem>>, vector<1x16xf32>,
        %parallel_loop3A_1144 = arith.index_cast %parallel_loop3A_877 : i32 to index
        %parallel_loop3A_1145 = arith.constant 224 : index
        %parallel_loop3A_1146 = tpu.vector_load %arg9[%parallel_loop3A_1144, %parallel_loop3A_1145] {strides = array<i32>} : memref<32x512xf32, #tpu.memory_space<vmem>>, vector<1x16xf32>,
        %parallel_loop3A_1147 = vector.shape_cast %parallel_loop3A_1146 : vector<1x16xf32> to vector<16xf32>
        %parallel_loop3A_1148 = arith.index_cast %parallel_loop3A_877 : i32 to index
        %parallel_loop3A_1149 = arith.constant 224 : index
        %parallel_loop3A_1150 = tpu.vector_load %arg10[%parallel_loop3A_1148, %parallel_loop3A_1149] {strides = array<i32>} : memref<32x512xf32, #tpu.memory_space<vmem>>, vector<1x16xf32>,
        %parallel_loop3A_1151 = vector.shape_cast %parallel_loop3A_1150 : vector<1x16xf32> to vector<16xf32>
        %parallel_loop3A_1152 = arith.mulf %parallel_loop3A_1147, %get3A_688 : vector<16xf32>
        %parallel_loop3A_1153 = arith.mulf %parallel_loop3A_1151, %get3A_693 : vector<16xf32>
        %parallel_loop3A_1154 = arith.addf %parallel_loop3A_1152, %parallel_loop3A_1153 : vector<16xf32>
        %parallel_loop3A_1155 = arith.constant 0.000000e+00 : f32
        %parallel_loop3A_1156 = vector.broadcast %parallel_loop3A_1155 : f32 to vector<16xf32>
        %parallel_loop3A_1157 = arith.maximumf %parallel_loop3A_1154, %parallel_loop3A_1156 : vector<16xf32>
        %parallel_loop3A_1158 = arith.index_cast %parallel_loop3A_877 : i32 to index
        %parallel_loop3A_1159 = arith.constant 224 : index
        %parallel_loop3A_1160 = tpu.vector_load %arg12[%parallel_loop3A_1158, %parallel_loop3A_1159] {strides = array<i32>} : memref<32x512xf32, #tpu.memory_space<vmem>>, vector<1x16xf32>,
        %parallel_loop3A_1161 = vector.shape_cast %parallel_loop3A_1160 : vector<1x16xf32> to vector<16xf32>
        %parallel_loop3A_1162 = vector.shape_cast %parallel_loop3A_1157 : vector<16xf32> to vector<1x16xf32>
        tpu.vector_store %arg12[%parallel_loop3A_1158, %parallel_loop3A_1159], %parallel_loop3A_1162 {strides = array<i32>} : memref<32x512xf32, #tpu.memory_space<vmem>>, vector<1x16xf32>,
        %parallel_loop3A_1163 = arith.index_cast %parallel_loop3A_877 : i32 to index
        %parallel_loop3A_1164 = arith.constant 240 : index
        %parallel_loop3A_1165 = tpu.vector_load %arg9[%parallel_loop3A_1163, %parallel_loop3A_1164] {strides = array<i32>} : memref<32x512xf32, #tpu.memory_space<vmem>>, vector<1x16xf32>,
        %parallel_loop3A_1166 = vector.shape_cast %parallel_loop3A_1165 : vector<1x16xf32> to vector<16xf32>
        %parallel_loop3A_1167 = arith.index_cast %parallel_loop3A_877 : i32 to index
        %parallel_loop3A_1168 = arith.constant 240 : index
        %parallel_loop3A_1169 = tpu.vector_load %arg10[%parallel_loop3A_1167, %parallel_loop3A_1168] {strides = array<i32>} : memref<32x512xf32, #tpu.memory_space<vmem>>, vector<1x16xf32>,
        %parallel_loop3A_1170 = vector.shape_cast %parallel_loop3A_1169 : vector<1x16xf32> to vector<16xf32>
        %parallel_loop3A_1171 = arith.mulf %parallel_loop3A_1166, %get3A_698 : vector<16xf32>
        %parallel_loop3A_1172 = arith.mulf %parallel_loop3A_1170, %get3A_703 : vector<16xf32>
        %parallel_loop3A_1173 = arith.addf %parallel_loop3A_1171, %parallel_loop3A_1172 : vector<16xf32>
        %parallel_loop3A_1174 = arith.constant 0.000000e+00 : f32
        %parallel_loop3A_1175 = vector.broadcast %parallel_loop3A_1174 : f32 to vector<16xf32>
        %parallel_loop3A_1176 = arith.maximumf %parallel_loop3A_1173, %parallel_loop3A_1175 : vector<16xf32>
        %parallel_loop3A_1177 = arith.index_cast %parallel_loop3A_877 : i32 to index
        %parallel_loop3A_1178 = arith.constant 240 : index
        %parallel_loop3A_1179 = tpu.vector_load %arg12[%parallel_loop3A_1177, %parallel_loop3A_1178] {strides = array<i32>} : memref<32x512xf32, #tpu.memory_space<vmem>>, vector<1x16xf32>,
        %parallel_loop3A_1180 = vector.shape_cast %parallel_loop3A_1179 : vector<1x16xf32> to vector<16xf32>
        %parallel_loop3A_1181 = vector.shape_cast %parallel_loop3A_1176 : vector<16xf32> to vector<1x16xf32>
        tpu.vector_store %arg12[%parallel_loop3A_1177, %parallel_loop3A_1178], %parallel_loop3A_1181 {strides = array<i32>} : memref<32x512xf32, #tpu.memory_space<vmem>>, vector<1x16xf32>,
      } {sc.loop_unroll_factor = 1 : i64, sc.parallel_access}
      %get3A_707 = arith.constant 0 : i32
      %get3A_708 = arith.index_cast %get3A_707 : i32 to index
      %get3A_709 = arith.constant 256 : index
      %get3A_710 = tpu.vector_load %arg13[%get3A_708, %get3A_709] {strides = array<i32>} : memref<2x512xf32, #tpu.memory_space<vmem>>, vector<1x16xf32>,
      %get3A_711 = vector.shape_cast %get3A_710 : vector<1x16xf32> to vector<16xf32>
      %get3A_712 = arith.constant 1 : i32
      %get3A_713 = arith.index_cast %get3A_712 : i32 to index
      %get3A_714 = arith.constant 256 : index
      %get3A_715 = tpu.vector_load %arg13[%get3A_713, %get3A_714] {strides = array<i32>} : memref<2x512xf32, #tpu.memory_space<vmem>>, vector<1x16xf32>,
      %get3A_716 = vector.shape_cast %get3A_715 : vector<1x16xf32> to vector<16xf32>
      %get3A_717 = arith.constant 0 : i32
      %get3A_718 = arith.index_cast %get3A_717 : i32 to index
      %get3A_719 = arith.constant 272 : index
      %get3A_720 = tpu.vector_load %arg13[%get3A_718, %get3A_719] {strides = array<i32>} : memref<2x512xf32, #tpu.memory_space<vmem>>, vector<1x16xf32>,
      %get3A_721 = vector.shape_cast %get3A_720 : vector<1x16xf32> to vector<16xf32>
      %get3A_722 = arith.constant 1 : i32
      %get3A_723 = arith.index_cast %get3A_722 : i32 to index
      %get3A_724 = arith.constant 272 : index
      %get3A_725 = tpu.vector_load %arg13[%get3A_723, %get3A_724] {strides = array<i32>} : memref<2x512xf32, #tpu.memory_space<vmem>>, vector<1x16xf32>,
      %get3A_726 = vector.shape_cast %get3A_725 : vector<1x16xf32> to vector<16xf32>
      %get3A_727 = arith.constant 0 : i32
      %get3A_728 = arith.index_cast %get3A_727 : i32 to index
      %get3A_729 = arith.constant 288 : index
      %get3A_730 = tpu.vector_load %arg13[%get3A_728, %get3A_729] {strides = array<i32>} : memref<2x512xf32, #tpu.memory_space<vmem>>, vector<1x16xf32>,
      %get3A_731 = vector.shape_cast %get3A_730 : vector<1x16xf32> to vector<16xf32>
      %get3A_732 = arith.constant 1 : i32
      %get3A_733 = arith.index_cast %get3A_732 : i32 to index
      %get3A_734 = arith.constant 288 : index
      %get3A_735 = tpu.vector_load %arg13[%get3A_733, %get3A_734] {strides = array<i32>} : memref<2x512xf32, #tpu.memory_space<vmem>>, vector<1x16xf32>,
      %get3A_736 = vector.shape_cast %get3A_735 : vector<1x16xf32> to vector<16xf32>
      %get3A_737 = arith.constant 0 : i32
      %get3A_738 = arith.index_cast %get3A_737 : i32 to index
      %get3A_739 = arith.constant 304 : index
      %get3A_740 = tpu.vector_load %arg13[%get3A_738, %get3A_739] {strides = array<i32>} : memref<2x512xf32, #tpu.memory_space<vmem>>, vector<1x16xf32>,
      %get3A_741 = vector.shape_cast %get3A_740 : vector<1x16xf32> to vector<16xf32>
      %get3A_742 = arith.constant 1 : i32
      %get3A_743 = arith.index_cast %get3A_742 : i32 to index
      %get3A_744 = arith.constant 304 : index
      %get3A_745 = tpu.vector_load %arg13[%get3A_743, %get3A_744] {strides = array<i32>} : memref<2x512xf32, #tpu.memory_space<vmem>>, vector<1x16xf32>,
      %get3A_746 = vector.shape_cast %get3A_745 : vector<1x16xf32> to vector<16xf32>
      %get3A_747 = arith.constant 0 : i32
      %get3A_748 = arith.index_cast %get3A_747 : i32 to index
      %get3A_749 = arith.constant 320 : index
      %get3A_750 = tpu.vector_load %arg13[%get3A_748, %get3A_749] {strides = array<i32>} : memref<2x512xf32, #tpu.memory_space<vmem>>, vector<1x16xf32>,
      %get3A_751 = vector.shape_cast %get3A_750 : vector<1x16xf32> to vector<16xf32>
      %get3A_752 = arith.constant 1 : i32
      %get3A_753 = arith.index_cast %get3A_752 : i32 to index
      %get3A_754 = arith.constant 320 : index
      %get3A_755 = tpu.vector_load %arg13[%get3A_753, %get3A_754] {strides = array<i32>} : memref<2x512xf32, #tpu.memory_space<vmem>>, vector<1x16xf32>,
      %get3A_756 = vector.shape_cast %get3A_755 : vector<1x16xf32> to vector<16xf32>
      %get3A_757 = arith.constant 0 : i32
      %get3A_758 = arith.index_cast %get3A_757 : i32 to index
      %get3A_759 = arith.constant 336 : index
      %get3A_760 = tpu.vector_load %arg13[%get3A_758, %get3A_759] {strides = array<i32>} : memref<2x512xf32, #tpu.memory_space<vmem>>, vector<1x16xf32>,
      %get3A_761 = vector.shape_cast %get3A_760 : vector<1x16xf32> to vector<16xf32>
      %get3A_762 = arith.constant 1 : i32
      %get3A_763 = arith.index_cast %get3A_762 : i32 to index
      %get3A_764 = arith.constant 336 : index
      %get3A_765 = tpu.vector_load %arg13[%get3A_763, %get3A_764] {strides = array<i32>} : memref<2x512xf32, #tpu.memory_space<vmem>>, vector<1x16xf32>,
      %get3A_766 = vector.shape_cast %get3A_765 : vector<1x16xf32> to vector<16xf32>
      %get3A_767 = arith.constant 0 : i32
      %get3A_768 = arith.index_cast %get3A_767 : i32 to index
      %get3A_769 = arith.constant 352 : index
      %get3A_770 = tpu.vector_load %arg13[%get3A_768, %get3A_769] {strides = array<i32>} : memref<2x512xf32, #tpu.memory_space<vmem>>, vector<1x16xf32>,
      %get3A_771 = vector.shape_cast %get3A_770 : vector<1x16xf32> to vector<16xf32>
      %get3A_772 = arith.constant 1 : i32
      %get3A_773 = arith.index_cast %get3A_772 : i32 to index
      %get3A_774 = arith.constant 352 : index
      %get3A_775 = tpu.vector_load %arg13[%get3A_773, %get3A_774] {strides = array<i32>} : memref<2x512xf32, #tpu.memory_space<vmem>>, vector<1x16xf32>,
      %get3A_776 = vector.shape_cast %get3A_775 : vector<1x16xf32> to vector<16xf32>
      %get3A_777 = arith.constant 0 : i32
      %get3A_778 = arith.index_cast %get3A_777 : i32 to index
      %get3A_779 = arith.constant 368 : index
      %get3A_780 = tpu.vector_load %arg13[%get3A_778, %get3A_779] {strides = array<i32>} : memref<2x512xf32, #tpu.memory_space<vmem>>, vector<1x16xf32>,
      %get3A_781 = vector.shape_cast %get3A_780 : vector<1x16xf32> to vector<16xf32>
      %get3A_782 = arith.constant 1 : i32
      %get3A_783 = arith.index_cast %get3A_782 : i32 to index
      %get3A_784 = arith.constant 368 : index
      %get3A_785 = tpu.vector_load %arg13[%get3A_783, %get3A_784] {strides = array<i32>} : memref<2x512xf32, #tpu.memory_space<vmem>>, vector<1x16xf32>,
      %get3A_786 = vector.shape_cast %get3A_785 : vector<1x16xf32> to vector<16xf32>
      %get3A_787 = arith.constant 0 : i32
      %get3A_788 = arith.index_cast %get3A_787 : i32 to index
      %get3A_789 = arith.constant 384 : index
      %get3A_790 = tpu.vector_load %arg13[%get3A_788, %get3A_789] {strides = array<i32>} : memref<2x512xf32, #tpu.memory_space<vmem>>, vector<1x16xf32>,
      %get3A_791 = vector.shape_cast %get3A_790 : vector<1x16xf32> to vector<16xf32>
      %get3A_792 = arith.constant 1 : i32
      %get3A_793 = arith.index_cast %get3A_792 : i32 to index
      %get3A_794 = arith.constant 384 : index
      %get3A_795 = tpu.vector_load %arg13[%get3A_793, %get3A_794] {strides = array<i32>} : memref<2x512xf32, #tpu.memory_space<vmem>>, vector<1x16xf32>,
      %get3A_796 = vector.shape_cast %get3A_795 : vector<1x16xf32> to vector<16xf32>
      %get3A_797 = arith.constant 0 : i32
      %get3A_798 = arith.index_cast %get3A_797 : i32 to index
      %get3A_799 = arith.constant 400 : index
      %get3A_800 = tpu.vector_load %arg13[%get3A_798, %get3A_799] {strides = array<i32>} : memref<2x512xf32, #tpu.memory_space<vmem>>, vector<1x16xf32>,
      %get3A_801 = vector.shape_cast %get3A_800 : vector<1x16xf32> to vector<16xf32>
      %get3A_802 = arith.constant 1 : i32
      %get3A_803 = arith.index_cast %get3A_802 : i32 to index
      %get3A_804 = arith.constant 400 : index
      %get3A_805 = tpu.vector_load %arg13[%get3A_803, %get3A_804] {strides = array<i32>} : memref<2x512xf32, #tpu.memory_space<vmem>>, vector<1x16xf32>,
      %get3A_806 = vector.shape_cast %get3A_805 : vector<1x16xf32> to vector<16xf32>
      %get3A_807 = arith.constant 0 : i32
      %get3A_808 = arith.index_cast %get3A_807 : i32 to index
      %get3A_809 = arith.constant 416 : index
      %get3A_810 = tpu.vector_load %arg13[%get3A_808, %get3A_809] {strides = array<i32>} : memref<2x512xf32, #tpu.memory_space<vmem>>, vector<1x16xf32>,
      %get3A_811 = vector.shape_cast %get3A_810 : vector<1x16xf32> to vector<16xf32>
      %get3A_812 = arith.constant 1 : i32
      %get3A_813 = arith.index_cast %get3A_812 : i32 to index
      %get3A_814 = arith.constant 416 : index
      %get3A_815 = tpu.vector_load %arg13[%get3A_813, %get3A_814] {strides = array<i32>} : memref<2x512xf32, #tpu.memory_space<vmem>>, vector<1x16xf32>,
      %get3A_816 = vector.shape_cast %get3A_815 : vector<1x16xf32> to vector<16xf32>
      %get3A_817 = arith.constant 0 : i32
      %get3A_818 = arith.index_cast %get3A_817 : i32 to index
      %get3A_819 = arith.constant 432 : index
      %get3A_820 = tpu.vector_load %arg13[%get3A_818, %get3A_819] {strides = array<i32>} : memref<2x512xf32, #tpu.memory_space<vmem>>, vector<1x16xf32>,
      %get3A_821 = vector.shape_cast %get3A_820 : vector<1x16xf32> to vector<16xf32>
      %get3A_822 = arith.constant 1 : i32
      %get3A_823 = arith.index_cast %get3A_822 : i32 to index
      %get3A_824 = arith.constant 432 : index
      %get3A_825 = tpu.vector_load %arg13[%get3A_823, %get3A_824] {strides = array<i32>} : memref<2x512xf32, #tpu.memory_space<vmem>>, vector<1x16xf32>,
      %get3A_826 = vector.shape_cast %get3A_825 : vector<1x16xf32> to vector<16xf32>
      %get3A_827 = arith.constant 0 : i32
      %get3A_828 = arith.index_cast %get3A_827 : i32 to index
      %get3A_829 = arith.constant 448 : index
      %get3A_830 = tpu.vector_load %arg13[%get3A_828, %get3A_829] {strides = array<i32>} : memref<2x512xf32, #tpu.memory_space<vmem>>, vector<1x16xf32>,
      %get3A_831 = vector.shape_cast %get3A_830 : vector<1x16xf32> to vector<16xf32>
      %get3A_832 = arith.constant 1 : i32
      %get3A_833 = arith.index_cast %get3A_832 : i32 to index
      %get3A_834 = arith.constant 448 : index
      %get3A_835 = tpu.vector_load %arg13[%get3A_833, %get3A_834] {strides = array<i32>} : memref<2x512xf32, #tpu.memory_space<vmem>>, vector<1x16xf32>,
      %get3A_836 = vector.shape_cast %get3A_835 : vector<1x16xf32> to vector<16xf32>
      %get3A_837 = arith.constant 0 : i32
      %get3A_838 = arith.index_cast %get3A_837 : i32 to index
      %get3A_839 = arith.constant 464 : index
      %get3A_840 = tpu.vector_load %arg13[%get3A_838, %get3A_839] {strides = array<i32>} : memref<2x512xf32, #tpu.memory_space<vmem>>, vector<1x16xf32>,
      %get3A_841 = vector.shape_cast %get3A_840 : vector<1x16xf32> to vector<16xf32>
      %get3A_842 = arith.constant 1 : i32
      %get3A_843 = arith.index_cast %get3A_842 : i32 to index
      %get3A_844 = arith.constant 464 : index
      %get3A_845 = tpu.vector_load %arg13[%get3A_843, %get3A_844] {strides = array<i32>} : memref<2x512xf32, #tpu.memory_space<vmem>>, vector<1x16xf32>,
      %get3A_846 = vector.shape_cast %get3A_845 : vector<1x16xf32> to vector<16xf32>
      %get3A_847 = arith.constant 0 : i32
      %get3A_848 = arith.index_cast %get3A_847 : i32 to index
      %get3A_849 = arith.constant 480 : index
      %get3A_850 = tpu.vector_load %arg13[%get3A_848, %get3A_849] {strides = array<i32>} : memref<2x512xf32, #tpu.memory_space<vmem>>, vector<1x16xf32>,
      %get3A_851 = vector.shape_cast %get3A_850 : vector<1x16xf32> to vector<16xf32>
      %get3A_852 = arith.constant 1 : i32
      %get3A_853 = arith.index_cast %get3A_852 : i32 to index
      %get3A_854 = arith.constant 480 : index
      %get3A_855 = tpu.vector_load %arg13[%get3A_853, %get3A_854] {strides = array<i32>} : memref<2x512xf32, #tpu.memory_space<vmem>>, vector<1x16xf32>,
      %get3A_856 = vector.shape_cast %get3A_855 : vector<1x16xf32> to vector<16xf32>
      %get3A_857 = arith.constant 0 : i32
      %get3A_858 = arith.index_cast %get3A_857 : i32 to index
      %get3A_859 = arith.constant 496 : index
      %get3A_860 = tpu.vector_load %arg13[%get3A_858, %get3A_859] {strides = array<i32>} : memref<2x512xf32, #tpu.memory_space<vmem>>, vector<1x16xf32>,
      %get3A_861 = vector.shape_cast %get3A_860 : vector<1x16xf32> to vector<16xf32>
      %get3A_862 = arith.constant 1 : i32
      %get3A_863 = arith.index_cast %get3A_862 : i32 to index
      %get3A_864 = arith.constant 496 : index
      %get3A_865 = tpu.vector_load %arg13[%get3A_863, %get3A_864] {strides = array<i32>} : memref<2x512xf32, #tpu.memory_space<vmem>>, vector<1x16xf32>,
      %get3A_866 = vector.shape_cast %get3A_865 : vector<1x16xf32> to vector<16xf32>
      %parallel_loop3A_867 = arith.constant 0 : i32
      %parallel_loop3A_868 = arith.constant 32 : i32
      %parallel_loop3A_869 = arith.constant 1 : i32
      scf.for %parallel_loop3A_877 = %parallel_loop3A_867 to %parallel_loop3A_868 step %parallel_loop3A_869  : i32 {
        %parallel_loop3A_878 = arith.index_cast %parallel_loop3A_877 : i32 to index
        %parallel_loop3A_879 = arith.constant 256 : index
        %parallel_loop3A_880 = tpu.vector_load %arg9[%parallel_loop3A_878, %parallel_loop3A_879] {strides = array<i32>} : memref<32x512xf32, #tpu.memory_space<vmem>>, vector<1x16xf32>,
        %parallel_loop3A_881 = vector.shape_cast %parallel_loop3A_880 : vector<1x16xf32> to vector<16xf32>
        %parallel_loop3A_882 = arith.index_cast %parallel_loop3A_877 : i32 to index
        %parallel_loop3A_883 = arith.constant 256 : index
        %parallel_loop3A_884 = tpu.vector_load %arg10[%parallel_loop3A_882, %parallel_loop3A_883] {strides = array<i32>} : memref<32x512xf32, #tpu.memory_space<vmem>>, vector<1x16xf32>,
        %parallel_loop3A_885 = vector.shape_cast %parallel_loop3A_884 : vector<1x16xf32> to vector<16xf32>
        %parallel_loop3A_886 = arith.mulf %parallel_loop3A_881, %get3A_711 : vector<16xf32>
        %parallel_loop3A_887 = arith.mulf %parallel_loop3A_885, %get3A_716 : vector<16xf32>
        %parallel_loop3A_888 = arith.addf %parallel_loop3A_886, %parallel_loop3A_887 : vector<16xf32>
        %parallel_loop3A_889 = arith.constant 0.000000e+00 : f32
        %parallel_loop3A_890 = vector.broadcast %parallel_loop3A_889 : f32 to vector<16xf32>
        %parallel_loop3A_891 = arith.maximumf %parallel_loop3A_888, %parallel_loop3A_890 : vector<16xf32>
        %parallel_loop3A_892 = arith.index_cast %parallel_loop3A_877 : i32 to index
        %parallel_loop3A_893 = arith.constant 256 : index
        %parallel_loop3A_894 = tpu.vector_load %arg12[%parallel_loop3A_892, %parallel_loop3A_893] {strides = array<i32>} : memref<32x512xf32, #tpu.memory_space<vmem>>, vector<1x16xf32>,
        %parallel_loop3A_895 = vector.shape_cast %parallel_loop3A_894 : vector<1x16xf32> to vector<16xf32>
        %parallel_loop3A_896 = vector.shape_cast %parallel_loop3A_891 : vector<16xf32> to vector<1x16xf32>
        tpu.vector_store %arg12[%parallel_loop3A_892, %parallel_loop3A_893], %parallel_loop3A_896 {strides = array<i32>} : memref<32x512xf32, #tpu.memory_space<vmem>>, vector<1x16xf32>,
        %parallel_loop3A_897 = arith.index_cast %parallel_loop3A_877 : i32 to index
        %parallel_loop3A_898 = arith.constant 272 : index
        %parallel_loop3A_899 = tpu.vector_load %arg9[%parallel_loop3A_897, %parallel_loop3A_898] {strides = array<i32>} : memref<32x512xf32, #tpu.memory_space<vmem>>, vector<1x16xf32>,
        %parallel_loop3A_900 = vector.shape_cast %parallel_loop3A_899 : vector<1x16xf32> to vector<16xf32>
        %parallel_loop3A_901 = arith.index_cast %parallel_loop3A_877 : i32 to index
        %parallel_loop3A_902 = arith.constant 272 : index
        %parallel_loop3A_903 = tpu.vector_load %arg10[%parallel_loop3A_901, %parallel_loop3A_902] {strides = array<i32>} : memref<32x512xf32, #tpu.memory_space<vmem>>, vector<1x16xf32>,
        %parallel_loop3A_904 = vector.shape_cast %parallel_loop3A_903 : vector<1x16xf32> to vector<16xf32>
        %parallel_loop3A_905 = arith.mulf %parallel_loop3A_900, %get3A_721 : vector<16xf32>
        %parallel_loop3A_906 = arith.mulf %parallel_loop3A_904, %get3A_726 : vector<16xf32>
        %parallel_loop3A_907 = arith.addf %parallel_loop3A_905, %parallel_loop3A_906 : vector<16xf32>
        %parallel_loop3A_908 = arith.constant 0.000000e+00 : f32
        %parallel_loop3A_909 = vector.broadcast %parallel_loop3A_908 : f32 to vector<16xf32>
        %parallel_loop3A_910 = arith.maximumf %parallel_loop3A_907, %parallel_loop3A_909 : vector<16xf32>
        %parallel_loop3A_911 = arith.index_cast %parallel_loop3A_877 : i32 to index
        %parallel_loop3A_912 = arith.constant 272 : index
        %parallel_loop3A_913 = tpu.vector_load %arg12[%parallel_loop3A_911, %parallel_loop3A_912] {strides = array<i32>} : memref<32x512xf32, #tpu.memory_space<vmem>>, vector<1x16xf32>,
        %parallel_loop3A_914 = vector.shape_cast %parallel_loop3A_913 : vector<1x16xf32> to vector<16xf32>
        %parallel_loop3A_915 = vector.shape_cast %parallel_loop3A_910 : vector<16xf32> to vector<1x16xf32>
        tpu.vector_store %arg12[%parallel_loop3A_911, %parallel_loop3A_912], %parallel_loop3A_915 {strides = array<i32>} : memref<32x512xf32, #tpu.memory_space<vmem>>, vector<1x16xf32>,
        %parallel_loop3A_916 = arith.index_cast %parallel_loop3A_877 : i32 to index
        %parallel_loop3A_917 = arith.constant 288 : index
        %parallel_loop3A_918 = tpu.vector_load %arg9[%parallel_loop3A_916, %parallel_loop3A_917] {strides = array<i32>} : memref<32x512xf32, #tpu.memory_space<vmem>>, vector<1x16xf32>,
        %parallel_loop3A_919 = vector.shape_cast %parallel_loop3A_918 : vector<1x16xf32> to vector<16xf32>
        %parallel_loop3A_920 = arith.index_cast %parallel_loop3A_877 : i32 to index
        %parallel_loop3A_921 = arith.constant 288 : index
        %parallel_loop3A_922 = tpu.vector_load %arg10[%parallel_loop3A_920, %parallel_loop3A_921] {strides = array<i32>} : memref<32x512xf32, #tpu.memory_space<vmem>>, vector<1x16xf32>,
        %parallel_loop3A_923 = vector.shape_cast %parallel_loop3A_922 : vector<1x16xf32> to vector<16xf32>
        %parallel_loop3A_924 = arith.mulf %parallel_loop3A_919, %get3A_731 : vector<16xf32>
        %parallel_loop3A_925 = arith.mulf %parallel_loop3A_923, %get3A_736 : vector<16xf32>
        %parallel_loop3A_926 = arith.addf %parallel_loop3A_924, %parallel_loop3A_925 : vector<16xf32>
        %parallel_loop3A_927 = arith.constant 0.000000e+00 : f32
        %parallel_loop3A_928 = vector.broadcast %parallel_loop3A_927 : f32 to vector<16xf32>
        %parallel_loop3A_929 = arith.maximumf %parallel_loop3A_926, %parallel_loop3A_928 : vector<16xf32>
        %parallel_loop3A_930 = arith.index_cast %parallel_loop3A_877 : i32 to index
        %parallel_loop3A_931 = arith.constant 288 : index
        %parallel_loop3A_932 = tpu.vector_load %arg12[%parallel_loop3A_930, %parallel_loop3A_931] {strides = array<i32>} : memref<32x512xf32, #tpu.memory_space<vmem>>, vector<1x16xf32>,
        %parallel_loop3A_933 = vector.shape_cast %parallel_loop3A_932 : vector<1x16xf32> to vector<16xf32>
        %parallel_loop3A_934 = vector.shape_cast %parallel_loop3A_929 : vector<16xf32> to vector<1x16xf32>
        tpu.vector_store %arg12[%parallel_loop3A_930, %parallel_loop3A_931], %parallel_loop3A_934 {strides = array<i32>} : memref<32x512xf32, #tpu.memory_space<vmem>>, vector<1x16xf32>,
        %parallel_loop3A_935 = arith.index_cast %parallel_loop3A_877 : i32 to index
        %parallel_loop3A_936 = arith.constant 304 : index
        %parallel_loop3A_937 = tpu.vector_load %arg9[%parallel_loop3A_935, %parallel_loop3A_936] {strides = array<i32>} : memref<32x512xf32, #tpu.memory_space<vmem>>, vector<1x16xf32>,
        %parallel_loop3A_938 = vector.shape_cast %parallel_loop3A_937 : vector<1x16xf32> to vector<16xf32>
        %parallel_loop3A_939 = arith.index_cast %parallel_loop3A_877 : i32 to index
        %parallel_loop3A_940 = arith.constant 304 : index
        %parallel_loop3A_941 = tpu.vector_load %arg10[%parallel_loop3A_939, %parallel_loop3A_940] {strides = array<i32>} : memref<32x512xf32, #tpu.memory_space<vmem>>, vector<1x16xf32>,
        %parallel_loop3A_942 = vector.shape_cast %parallel_loop3A_941 : vector<1x16xf32> to vector<16xf32>
        %parallel_loop3A_943 = arith.mulf %parallel_loop3A_938, %get3A_741 : vector<16xf32>
        %parallel_loop3A_944 = arith.mulf %parallel_loop3A_942, %get3A_746 : vector<16xf32>
        %parallel_loop3A_945 = arith.addf %parallel_loop3A_943, %parallel_loop3A_944 : vector<16xf32>
        %parallel_loop3A_946 = arith.constant 0.000000e+00 : f32
        %parallel_loop3A_947 = vector.broadcast %parallel_loop3A_946 : f32 to vector<16xf32>
        %parallel_loop3A_948 = arith.maximumf %parallel_loop3A_945, %parallel_loop3A_947 : vector<16xf32>
        %parallel_loop3A_949 = arith.index_cast %parallel_loop3A_877 : i32 to index
        %parallel_loop3A_950 = arith.constant 304 : index
        %parallel_loop3A_951 = tpu.vector_load %arg12[%parallel_loop3A_949, %parallel_loop3A_950] {strides = array<i32>} : memref<32x512xf32, #tpu.memory_space<vmem>>, vector<1x16xf32>,
        %parallel_loop3A_952 = vector.shape_cast %parallel_loop3A_951 : vector<1x16xf32> to vector<16xf32>
        %parallel_loop3A_953 = vector.shape_cast %parallel_loop3A_948 : vector<16xf32> to vector<1x16xf32>
        tpu.vector_store %arg12[%parallel_loop3A_949, %parallel_loop3A_950], %parallel_loop3A_953 {strides = array<i32>} : memref<32x512xf32, #tpu.memory_space<vmem>>, vector<1x16xf32>,
        %parallel_loop3A_954 = arith.index_cast %parallel_loop3A_877 : i32 to index
        %parallel_loop3A_955 = arith.constant 320 : index
        %parallel_loop3A_956 = tpu.vector_load %arg9[%parallel_loop3A_954, %parallel_loop3A_955] {strides = array<i32>} : memref<32x512xf32, #tpu.memory_space<vmem>>, vector<1x16xf32>,
        %parallel_loop3A_957 = vector.shape_cast %parallel_loop3A_956 : vector<1x16xf32> to vector<16xf32>
        %parallel_loop3A_958 = arith.index_cast %parallel_loop3A_877 : i32 to index
        %parallel_loop3A_959 = arith.constant 320 : index
        %parallel_loop3A_960 = tpu.vector_load %arg10[%parallel_loop3A_958, %parallel_loop3A_959] {strides = array<i32>} : memref<32x512xf32, #tpu.memory_space<vmem>>, vector<1x16xf32>,
        %parallel_loop3A_961 = vector.shape_cast %parallel_loop3A_960 : vector<1x16xf32> to vector<16xf32>
        %parallel_loop3A_962 = arith.mulf %parallel_loop3A_957, %get3A_751 : vector<16xf32>
        %parallel_loop3A_963 = arith.mulf %parallel_loop3A_961, %get3A_756 : vector<16xf32>
        %parallel_loop3A_964 = arith.addf %parallel_loop3A_962, %parallel_loop3A_963 : vector<16xf32>
        %parallel_loop3A_965 = arith.constant 0.000000e+00 : f32
        %parallel_loop3A_966 = vector.broadcast %parallel_loop3A_965 : f32 to vector<16xf32>
        %parallel_loop3A_967 = arith.maximumf %parallel_loop3A_964, %parallel_loop3A_966 : vector<16xf32>
        %parallel_loop3A_968 = arith.index_cast %parallel_loop3A_877 : i32 to index
        %parallel_loop3A_969 = arith.constant 320 : index
        %parallel_loop3A_970 = tpu.vector_load %arg12[%parallel_loop3A_968, %parallel_loop3A_969] {strides = array<i32>} : memref<32x512xf32, #tpu.memory_space<vmem>>, vector<1x16xf32>,
        %parallel_loop3A_971 = vector.shape_cast %parallel_loop3A_970 : vector<1x16xf32> to vector<16xf32>
        %parallel_loop3A_972 = vector.shape_cast %parallel_loop3A_967 : vector<16xf32> to vector<1x16xf32>
        tpu.vector_store %arg12[%parallel_loop3A_968, %parallel_loop3A_969], %parallel_loop3A_972 {strides = array<i32>} : memref<32x512xf32, #tpu.memory_space<vmem>>, vector<1x16xf32>,
        %parallel_loop3A_973 = arith.index_cast %parallel_loop3A_877 : i32 to index
        %parallel_loop3A_974 = arith.constant 336 : index
        %parallel_loop3A_975 = tpu.vector_load %arg9[%parallel_loop3A_973, %parallel_loop3A_974] {strides = array<i32>} : memref<32x512xf32, #tpu.memory_space<vmem>>, vector<1x16xf32>,
        %parallel_loop3A_976 = vector.shape_cast %parallel_loop3A_975 : vector<1x16xf32> to vector<16xf32>
        %parallel_loop3A_977 = arith.index_cast %parallel_loop3A_877 : i32 to index
        %parallel_loop3A_978 = arith.constant 336 : index
        %parallel_loop3A_979 = tpu.vector_load %arg10[%parallel_loop3A_977, %parallel_loop3A_978] {strides = array<i32>} : memref<32x512xf32, #tpu.memory_space<vmem>>, vector<1x16xf32>,
        %parallel_loop3A_980 = vector.shape_cast %parallel_loop3A_979 : vector<1x16xf32> to vector<16xf32>
        %parallel_loop3A_981 = arith.mulf %parallel_loop3A_976, %get3A_761 : vector<16xf32>
        %parallel_loop3A_982 = arith.mulf %parallel_loop3A_980, %get3A_766 : vector<16xf32>
        %parallel_loop3A_983 = arith.addf %parallel_loop3A_981, %parallel_loop3A_982 : vector<16xf32>
        %parallel_loop3A_984 = arith.constant 0.000000e+00 : f32
        %parallel_loop3A_985 = vector.broadcast %parallel_loop3A_984 : f32 to vector<16xf32>
        %parallel_loop3A_986 = arith.maximumf %parallel_loop3A_983, %parallel_loop3A_985 : vector<16xf32>
        %parallel_loop3A_987 = arith.index_cast %parallel_loop3A_877 : i32 to index
        %parallel_loop3A_988 = arith.constant 336 : index
        %parallel_loop3A_989 = tpu.vector_load %arg12[%parallel_loop3A_987, %parallel_loop3A_988] {strides = array<i32>} : memref<32x512xf32, #tpu.memory_space<vmem>>, vector<1x16xf32>,
        %parallel_loop3A_990 = vector.shape_cast %parallel_loop3A_989 : vector<1x16xf32> to vector<16xf32>
        %parallel_loop3A_991 = vector.shape_cast %parallel_loop3A_986 : vector<16xf32> to vector<1x16xf32>
        tpu.vector_store %arg12[%parallel_loop3A_987, %parallel_loop3A_988], %parallel_loop3A_991 {strides = array<i32>} : memref<32x512xf32, #tpu.memory_space<vmem>>, vector<1x16xf32>,
        %parallel_loop3A_992 = arith.index_cast %parallel_loop3A_877 : i32 to index
        %parallel_loop3A_993 = arith.constant 352 : index
        %parallel_loop3A_994 = tpu.vector_load %arg9[%parallel_loop3A_992, %parallel_loop3A_993] {strides = array<i32>} : memref<32x512xf32, #tpu.memory_space<vmem>>, vector<1x16xf32>,
        %parallel_loop3A_995 = vector.shape_cast %parallel_loop3A_994 : vector<1x16xf32> to vector<16xf32>
        %parallel_loop3A_996 = arith.index_cast %parallel_loop3A_877 : i32 to index
        %parallel_loop3A_997 = arith.constant 352 : index
        %parallel_loop3A_998 = tpu.vector_load %arg10[%parallel_loop3A_996, %parallel_loop3A_997] {strides = array<i32>} : memref<32x512xf32, #tpu.memory_space<vmem>>, vector<1x16xf32>,
        %parallel_loop3A_999 = vector.shape_cast %parallel_loop3A_998 : vector<1x16xf32> to vector<16xf32>
        %parallel_loop3A_1000 = arith.mulf %parallel_loop3A_995, %get3A_771 : vector<16xf32>
        %parallel_loop3A_1001 = arith.mulf %parallel_loop3A_999, %get3A_776 : vector<16xf32>
        %parallel_loop3A_1002 = arith.addf %parallel_loop3A_1000, %parallel_loop3A_1001 : vector<16xf32>
        %parallel_loop3A_1003 = arith.constant 0.000000e+00 : f32
        %parallel_loop3A_1004 = vector.broadcast %parallel_loop3A_1003 : f32 to vector<16xf32>
        %parallel_loop3A_1005 = arith.maximumf %parallel_loop3A_1002, %parallel_loop3A_1004 : vector<16xf32>
        %parallel_loop3A_1006 = arith.index_cast %parallel_loop3A_877 : i32 to index
        %parallel_loop3A_1007 = arith.constant 352 : index
        %parallel_loop3A_1008 = tpu.vector_load %arg12[%parallel_loop3A_1006, %parallel_loop3A_1007] {strides = array<i32>} : memref<32x512xf32, #tpu.memory_space<vmem>>, vector<1x16xf32>,
        %parallel_loop3A_1009 = vector.shape_cast %parallel_loop3A_1008 : vector<1x16xf32> to vector<16xf32>
        %parallel_loop3A_1010 = vector.shape_cast %parallel_loop3A_1005 : vector<16xf32> to vector<1x16xf32>
        tpu.vector_store %arg12[%parallel_loop3A_1006, %parallel_loop3A_1007], %parallel_loop3A_1010 {strides = array<i32>} : memref<32x512xf32, #tpu.memory_space<vmem>>, vector<1x16xf32>,
        %parallel_loop3A_1011 = arith.index_cast %parallel_loop3A_877 : i32 to index
        %parallel_loop3A_1012 = arith.constant 368 : index
        %parallel_loop3A_1013 = tpu.vector_load %arg9[%parallel_loop3A_1011, %parallel_loop3A_1012] {strides = array<i32>} : memref<32x512xf32, #tpu.memory_space<vmem>>, vector<1x16xf32>,
        %parallel_loop3A_1014 = vector.shape_cast %parallel_loop3A_1013 : vector<1x16xf32> to vector<16xf32>
        %parallel_loop3A_1015 = arith.index_cast %parallel_loop3A_877 : i32 to index
        %parallel_loop3A_1016 = arith.constant 368 : index
        %parallel_loop3A_1017 = tpu.vector_load %arg10[%parallel_loop3A_1015, %parallel_loop3A_1016] {strides = array<i32>} : memref<32x512xf32, #tpu.memory_space<vmem>>, vector<1x16xf32>,
        %parallel_loop3A_1018 = vector.shape_cast %parallel_loop3A_1017 : vector<1x16xf32> to vector<16xf32>
        %parallel_loop3A_1019 = arith.mulf %parallel_loop3A_1014, %get3A_781 : vector<16xf32>
        %parallel_loop3A_1020 = arith.mulf %parallel_loop3A_1018, %get3A_786 : vector<16xf32>
        %parallel_loop3A_1021 = arith.addf %parallel_loop3A_1019, %parallel_loop3A_1020 : vector<16xf32>
        %parallel_loop3A_1022 = arith.constant 0.000000e+00 : f32
        %parallel_loop3A_1023 = vector.broadcast %parallel_loop3A_1022 : f32 to vector<16xf32>
        %parallel_loop3A_1024 = arith.maximumf %parallel_loop3A_1021, %parallel_loop3A_1023 : vector<16xf32>
        %parallel_loop3A_1025 = arith.index_cast %parallel_loop3A_877 : i32 to index
        %parallel_loop3A_1026 = arith.constant 368 : index
        %parallel_loop3A_1027 = tpu.vector_load %arg12[%parallel_loop3A_1025, %parallel_loop3A_1026] {strides = array<i32>} : memref<32x512xf32, #tpu.memory_space<vmem>>, vector<1x16xf32>,
        %parallel_loop3A_1028 = vector.shape_cast %parallel_loop3A_1027 : vector<1x16xf32> to vector<16xf32>
        %parallel_loop3A_1029 = vector.shape_cast %parallel_loop3A_1024 : vector<16xf32> to vector<1x16xf32>
        tpu.vector_store %arg12[%parallel_loop3A_1025, %parallel_loop3A_1026], %parallel_loop3A_1029 {strides = array<i32>} : memref<32x512xf32, #tpu.memory_space<vmem>>, vector<1x16xf32>,
        %parallel_loop3A_1030 = arith.index_cast %parallel_loop3A_877 : i32 to index
        %parallel_loop3A_1031 = arith.constant 384 : index
        %parallel_loop3A_1032 = tpu.vector_load %arg9[%parallel_loop3A_1030, %parallel_loop3A_1031] {strides = array<i32>} : memref<32x512xf32, #tpu.memory_space<vmem>>, vector<1x16xf32>,
        %parallel_loop3A_1033 = vector.shape_cast %parallel_loop3A_1032 : vector<1x16xf32> to vector<16xf32>
        %parallel_loop3A_1034 = arith.index_cast %parallel_loop3A_877 : i32 to index
        %parallel_loop3A_1035 = arith.constant 384 : index
        %parallel_loop3A_1036 = tpu.vector_load %arg10[%parallel_loop3A_1034, %parallel_loop3A_1035] {strides = array<i32>} : memref<32x512xf32, #tpu.memory_space<vmem>>, vector<1x16xf32>,
        %parallel_loop3A_1037 = vector.shape_cast %parallel_loop3A_1036 : vector<1x16xf32> to vector<16xf32>
        %parallel_loop3A_1038 = arith.mulf %parallel_loop3A_1033, %get3A_791 : vector<16xf32>
        %parallel_loop3A_1039 = arith.mulf %parallel_loop3A_1037, %get3A_796 : vector<16xf32>
        %parallel_loop3A_1040 = arith.addf %parallel_loop3A_1038, %parallel_loop3A_1039 : vector<16xf32>
        %parallel_loop3A_1041 = arith.constant 0.000000e+00 : f32
        %parallel_loop3A_1042 = vector.broadcast %parallel_loop3A_1041 : f32 to vector<16xf32>
        %parallel_loop3A_1043 = arith.maximumf %parallel_loop3A_1040, %parallel_loop3A_1042 : vector<16xf32>
        %parallel_loop3A_1044 = arith.index_cast %parallel_loop3A_877 : i32 to index
        %parallel_loop3A_1045 = arith.constant 384 : index
        %parallel_loop3A_1046 = tpu.vector_load %arg12[%parallel_loop3A_1044, %parallel_loop3A_1045] {strides = array<i32>} : memref<32x512xf32, #tpu.memory_space<vmem>>, vector<1x16xf32>,
        %parallel_loop3A_1047 = vector.shape_cast %parallel_loop3A_1046 : vector<1x16xf32> to vector<16xf32>
        %parallel_loop3A_1048 = vector.shape_cast %parallel_loop3A_1043 : vector<16xf32> to vector<1x16xf32>
        tpu.vector_store %arg12[%parallel_loop3A_1044, %parallel_loop3A_1045], %parallel_loop3A_1048 {strides = array<i32>} : memref<32x512xf32, #tpu.memory_space<vmem>>, vector<1x16xf32>,
        %parallel_loop3A_1049 = arith.index_cast %parallel_loop3A_877 : i32 to index
        %parallel_loop3A_1050 = arith.constant 400 : index
        %parallel_loop3A_1051 = tpu.vector_load %arg9[%parallel_loop3A_1049, %parallel_loop3A_1050] {strides = array<i32>} : memref<32x512xf32, #tpu.memory_space<vmem>>, vector<1x16xf32>,
        %parallel_loop3A_1052 = vector.shape_cast %parallel_loop3A_1051 : vector<1x16xf32> to vector<16xf32>
        %parallel_loop3A_1053 = arith.index_cast %parallel_loop3A_877 : i32 to index
        %parallel_loop3A_1054 = arith.constant 400 : index
        %parallel_loop3A_1055 = tpu.vector_load %arg10[%parallel_loop3A_1053, %parallel_loop3A_1054] {strides = array<i32>} : memref<32x512xf32, #tpu.memory_space<vmem>>, vector<1x16xf32>,
        %parallel_loop3A_1056 = vector.shape_cast %parallel_loop3A_1055 : vector<1x16xf32> to vector<16xf32>
        %parallel_loop3A_1057 = arith.mulf %parallel_loop3A_1052, %get3A_801 : vector<16xf32>
        %parallel_loop3A_1058 = arith.mulf %parallel_loop3A_1056, %get3A_806 : vector<16xf32>
        %parallel_loop3A_1059 = arith.addf %parallel_loop3A_1057, %parallel_loop3A_1058 : vector<16xf32>
        %parallel_loop3A_1060 = arith.constant 0.000000e+00 : f32
        %parallel_loop3A_1061 = vector.broadcast %parallel_loop3A_1060 : f32 to vector<16xf32>
        %parallel_loop3A_1062 = arith.maximumf %parallel_loop3A_1059, %parallel_loop3A_1061 : vector<16xf32>
        %parallel_loop3A_1063 = arith.index_cast %parallel_loop3A_877 : i32 to index
        %parallel_loop3A_1064 = arith.constant 400 : index
        %parallel_loop3A_1065 = tpu.vector_load %arg12[%parallel_loop3A_1063, %parallel_loop3A_1064] {strides = array<i32>} : memref<32x512xf32, #tpu.memory_space<vmem>>, vector<1x16xf32>,
        %parallel_loop3A_1066 = vector.shape_cast %parallel_loop3A_1065 : vector<1x16xf32> to vector<16xf32>
        %parallel_loop3A_1067 = vector.shape_cast %parallel_loop3A_1062 : vector<16xf32> to vector<1x16xf32>
        tpu.vector_store %arg12[%parallel_loop3A_1063, %parallel_loop3A_1064], %parallel_loop3A_1067 {strides = array<i32>} : memref<32x512xf32, #tpu.memory_space<vmem>>, vector<1x16xf32>,
        %parallel_loop3A_1068 = arith.index_cast %parallel_loop3A_877 : i32 to index
        %parallel_loop3A_1069 = arith.constant 416 : index
        %parallel_loop3A_1070 = tpu.vector_load %arg9[%parallel_loop3A_1068, %parallel_loop3A_1069] {strides = array<i32>} : memref<32x512xf32, #tpu.memory_space<vmem>>, vector<1x16xf32>,
        %parallel_loop3A_1071 = vector.shape_cast %parallel_loop3A_1070 : vector<1x16xf32> to vector<16xf32>
        %parallel_loop3A_1072 = arith.index_cast %parallel_loop3A_877 : i32 to index
        %parallel_loop3A_1073 = arith.constant 416 : index
        %parallel_loop3A_1074 = tpu.vector_load %arg10[%parallel_loop3A_1072, %parallel_loop3A_1073] {strides = array<i32>} : memref<32x512xf32, #tpu.memory_space<vmem>>, vector<1x16xf32>,
        %parallel_loop3A_1075 = vector.shape_cast %parallel_loop3A_1074 : vector<1x16xf32> to vector<16xf32>
        %parallel_loop3A_1076 = arith.mulf %parallel_loop3A_1071, %get3A_811 : vector<16xf32>
        %parallel_loop3A_1077 = arith.mulf %parallel_loop3A_1075, %get3A_816 : vector<16xf32>
        %parallel_loop3A_1078 = arith.addf %parallel_loop3A_1076, %parallel_loop3A_1077 : vector<16xf32>
        %parallel_loop3A_1079 = arith.constant 0.000000e+00 : f32
        %parallel_loop3A_1080 = vector.broadcast %parallel_loop3A_1079 : f32 to vector<16xf32>
        %parallel_loop3A_1081 = arith.maximumf %parallel_loop3A_1078, %parallel_loop3A_1080 : vector<16xf32>
        %parallel_loop3A_1082 = arith.index_cast %parallel_loop3A_877 : i32 to index
        %parallel_loop3A_1083 = arith.constant 416 : index
        %parallel_loop3A_1084 = tpu.vector_load %arg12[%parallel_loop3A_1082, %parallel_loop3A_1083] {strides = array<i32>} : memref<32x512xf32, #tpu.memory_space<vmem>>, vector<1x16xf32>,
        %parallel_loop3A_1085 = vector.shape_cast %parallel_loop3A_1084 : vector<1x16xf32> to vector<16xf32>
        %parallel_loop3A_1086 = vector.shape_cast %parallel_loop3A_1081 : vector<16xf32> to vector<1x16xf32>
        tpu.vector_store %arg12[%parallel_loop3A_1082, %parallel_loop3A_1083], %parallel_loop3A_1086 {strides = array<i32>} : memref<32x512xf32, #tpu.memory_space<vmem>>, vector<1x16xf32>,
        %parallel_loop3A_1087 = arith.index_cast %parallel_loop3A_877 : i32 to index
        %parallel_loop3A_1088 = arith.constant 432 : index
        %parallel_loop3A_1089 = tpu.vector_load %arg9[%parallel_loop3A_1087, %parallel_loop3A_1088] {strides = array<i32>} : memref<32x512xf32, #tpu.memory_space<vmem>>, vector<1x16xf32>,
        %parallel_loop3A_1090 = vector.shape_cast %parallel_loop3A_1089 : vector<1x16xf32> to vector<16xf32>
        %parallel_loop3A_1091 = arith.index_cast %parallel_loop3A_877 : i32 to index
        %parallel_loop3A_1092 = arith.constant 432 : index
        %parallel_loop3A_1093 = tpu.vector_load %arg10[%parallel_loop3A_1091, %parallel_loop3A_1092] {strides = array<i32>} : memref<32x512xf32, #tpu.memory_space<vmem>>, vector<1x16xf32>,
        %parallel_loop3A_1094 = vector.shape_cast %parallel_loop3A_1093 : vector<1x16xf32> to vector<16xf32>
        %parallel_loop3A_1095 = arith.mulf %parallel_loop3A_1090, %get3A_821 : vector<16xf32>
        %parallel_loop3A_1096 = arith.mulf %parallel_loop3A_1094, %get3A_826 : vector<16xf32>
        %parallel_loop3A_1097 = arith.addf %parallel_loop3A_1095, %parallel_loop3A_1096 : vector<16xf32>
        %parallel_loop3A_1098 = arith.constant 0.000000e+00 : f32
        %parallel_loop3A_1099 = vector.broadcast %parallel_loop3A_1098 : f32 to vector<16xf32>
        %parallel_loop3A_1100 = arith.maximumf %parallel_loop3A_1097, %parallel_loop3A_1099 : vector<16xf32>
        %parallel_loop3A_1101 = arith.index_cast %parallel_loop3A_877 : i32 to index
        %parallel_loop3A_1102 = arith.constant 432 : index
        %parallel_loop3A_1103 = tpu.vector_load %arg12[%parallel_loop3A_1101, %parallel_loop3A_1102] {strides = array<i32>} : memref<32x512xf32, #tpu.memory_space<vmem>>, vector<1x16xf32>,
        %parallel_loop3A_1104 = vector.shape_cast %parallel_loop3A_1103 : vector<1x16xf32> to vector<16xf32>
        %parallel_loop3A_1105 = vector.shape_cast %parallel_loop3A_1100 : vector<16xf32> to vector<1x16xf32>
        tpu.vector_store %arg12[%parallel_loop3A_1101, %parallel_loop3A_1102], %parallel_loop3A_1105 {strides = array<i32>} : memref<32x512xf32, #tpu.memory_space<vmem>>, vector<1x16xf32>,
        %parallel_loop3A_1106 = arith.index_cast %parallel_loop3A_877 : i32 to index
        %parallel_loop3A_1107 = arith.constant 448 : index
        %parallel_loop3A_1108 = tpu.vector_load %arg9[%parallel_loop3A_1106, %parallel_loop3A_1107] {strides = array<i32>} : memref<32x512xf32, #tpu.memory_space<vmem>>, vector<1x16xf32>,
        %parallel_loop3A_1109 = vector.shape_cast %parallel_loop3A_1108 : vector<1x16xf32> to vector<16xf32>
        %parallel_loop3A_1110 = arith.index_cast %parallel_loop3A_877 : i32 to index
        %parallel_loop3A_1111 = arith.constant 448 : index
        %parallel_loop3A_1112 = tpu.vector_load %arg10[%parallel_loop3A_1110, %parallel_loop3A_1111] {strides = array<i32>} : memref<32x512xf32, #tpu.memory_space<vmem>>, vector<1x16xf32>,
        %parallel_loop3A_1113 = vector.shape_cast %parallel_loop3A_1112 : vector<1x16xf32> to vector<16xf32>
        %parallel_loop3A_1114 = arith.mulf %parallel_loop3A_1109, %get3A_831 : vector<16xf32>
        %parallel_loop3A_1115 = arith.mulf %parallel_loop3A_1113, %get3A_836 : vector<16xf32>
        %parallel_loop3A_1116 = arith.addf %parallel_loop3A_1114, %parallel_loop3A_1115 : vector<16xf32>
        %parallel_loop3A_1117 = arith.constant 0.000000e+00 : f32
        %parallel_loop3A_1118 = vector.broadcast %parallel_loop3A_1117 : f32 to vector<16xf32>
        %parallel_loop3A_1119 = arith.maximumf %parallel_loop3A_1116, %parallel_loop3A_1118 : vector<16xf32>
        %parallel_loop3A_1120 = arith.index_cast %parallel_loop3A_877 : i32 to index
        %parallel_loop3A_1121 = arith.constant 448 : index
        %parallel_loop3A_1122 = tpu.vector_load %arg12[%parallel_loop3A_1120, %parallel_loop3A_1121] {strides = array<i32>} : memref<32x512xf32, #tpu.memory_space<vmem>>, vector<1x16xf32>,
        %parallel_loop3A_1123 = vector.shape_cast %parallel_loop3A_1122 : vector<1x16xf32> to vector<16xf32>
        %parallel_loop3A_1124 = vector.shape_cast %parallel_loop3A_1119 : vector<16xf32> to vector<1x16xf32>
        tpu.vector_store %arg12[%parallel_loop3A_1120, %parallel_loop3A_1121], %parallel_loop3A_1124 {strides = array<i32>} : memref<32x512xf32, #tpu.memory_space<vmem>>, vector<1x16xf32>,
        %parallel_loop3A_1125 = arith.index_cast %parallel_loop3A_877 : i32 to index
        %parallel_loop3A_1126 = arith.constant 464 : index
        %parallel_loop3A_1127 = tpu.vector_load %arg9[%parallel_loop3A_1125, %parallel_loop3A_1126] {strides = array<i32>} : memref<32x512xf32, #tpu.memory_space<vmem>>, vector<1x16xf32>,
        %parallel_loop3A_1128 = vector.shape_cast %parallel_loop3A_1127 : vector<1x16xf32> to vector<16xf32>
        %parallel_loop3A_1129 = arith.index_cast %parallel_loop3A_877 : i32 to index
        %parallel_loop3A_1130 = arith.constant 464 : index
        %parallel_loop3A_1131 = tpu.vector_load %arg10[%parallel_loop3A_1129, %parallel_loop3A_1130] {strides = array<i32>} : memref<32x512xf32, #tpu.memory_space<vmem>>, vector<1x16xf32>,
        %parallel_loop3A_1132 = vector.shape_cast %parallel_loop3A_1131 : vector<1x16xf32> to vector<16xf32>
        %parallel_loop3A_1133 = arith.mulf %parallel_loop3A_1128, %get3A_841 : vector<16xf32>
        %parallel_loop3A_1134 = arith.mulf %parallel_loop3A_1132, %get3A_846 : vector<16xf32>
        %parallel_loop3A_1135 = arith.addf %parallel_loop3A_1133, %parallel_loop3A_1134 : vector<16xf32>
        %parallel_loop3A_1136 = arith.constant 0.000000e+00 : f32
        %parallel_loop3A_1137 = vector.broadcast %parallel_loop3A_1136 : f32 to vector<16xf32>
        %parallel_loop3A_1138 = arith.maximumf %parallel_loop3A_1135, %parallel_loop3A_1137 : vector<16xf32>
        %parallel_loop3A_1139 = arith.index_cast %parallel_loop3A_877 : i32 to index
        %parallel_loop3A_1140 = arith.constant 464 : index
        %parallel_loop3A_1141 = tpu.vector_load %arg12[%parallel_loop3A_1139, %parallel_loop3A_1140] {strides = array<i32>} : memref<32x512xf32, #tpu.memory_space<vmem>>, vector<1x16xf32>,
        %parallel_loop3A_1142 = vector.shape_cast %parallel_loop3A_1141 : vector<1x16xf32> to vector<16xf32>
        %parallel_loop3A_1143 = vector.shape_cast %parallel_loop3A_1138 : vector<16xf32> to vector<1x16xf32>
        tpu.vector_store %arg12[%parallel_loop3A_1139, %parallel_loop3A_1140], %parallel_loop3A_1143 {strides = array<i32>} : memref<32x512xf32, #tpu.memory_space<vmem>>, vector<1x16xf32>,
        %parallel_loop3A_1144 = arith.index_cast %parallel_loop3A_877 : i32 to index
        %parallel_loop3A_1145 = arith.constant 480 : index
        %parallel_loop3A_1146 = tpu.vector_load %arg9[%parallel_loop3A_1144, %parallel_loop3A_1145] {strides = array<i32>} : memref<32x512xf32, #tpu.memory_space<vmem>>, vector<1x16xf32>,
        %parallel_loop3A_1147 = vector.shape_cast %parallel_loop3A_1146 : vector<1x16xf32> to vector<16xf32>
        %parallel_loop3A_1148 = arith.index_cast %parallel_loop3A_877 : i32 to index
        %parallel_loop3A_1149 = arith.constant 480 : index
        %parallel_loop3A_1150 = tpu.vector_load %arg10[%parallel_loop3A_1148, %parallel_loop3A_1149] {strides = array<i32>} : memref<32x512xf32, #tpu.memory_space<vmem>>, vector<1x16xf32>,
        %parallel_loop3A_1151 = vector.shape_cast %parallel_loop3A_1150 : vector<1x16xf32> to vector<16xf32>
        %parallel_loop3A_1152 = arith.mulf %parallel_loop3A_1147, %get3A_851 : vector<16xf32>
        %parallel_loop3A_1153 = arith.mulf %parallel_loop3A_1151, %get3A_856 : vector<16xf32>
        %parallel_loop3A_1154 = arith.addf %parallel_loop3A_1152, %parallel_loop3A_1153 : vector<16xf32>
        %parallel_loop3A_1155 = arith.constant 0.000000e+00 : f32
        %parallel_loop3A_1156 = vector.broadcast %parallel_loop3A_1155 : f32 to vector<16xf32>
        %parallel_loop3A_1157 = arith.maximumf %parallel_loop3A_1154, %parallel_loop3A_1156 : vector<16xf32>
        %parallel_loop3A_1158 = arith.index_cast %parallel_loop3A_877 : i32 to index
        %parallel_loop3A_1159 = arith.constant 480 : index
        %parallel_loop3A_1160 = tpu.vector_load %arg12[%parallel_loop3A_1158, %parallel_loop3A_1159] {strides = array<i32>} : memref<32x512xf32, #tpu.memory_space<vmem>>, vector<1x16xf32>,
        %parallel_loop3A_1161 = vector.shape_cast %parallel_loop3A_1160 : vector<1x16xf32> to vector<16xf32>
        %parallel_loop3A_1162 = vector.shape_cast %parallel_loop3A_1157 : vector<16xf32> to vector<1x16xf32>
        tpu.vector_store %arg12[%parallel_loop3A_1158, %parallel_loop3A_1159], %parallel_loop3A_1162 {strides = array<i32>} : memref<32x512xf32, #tpu.memory_space<vmem>>, vector<1x16xf32>,
        %parallel_loop3A_1163 = arith.index_cast %parallel_loop3A_877 : i32 to index
        %parallel_loop3A_1164 = arith.constant 496 : index
        %parallel_loop3A_1165 = tpu.vector_load %arg9[%parallel_loop3A_1163, %parallel_loop3A_1164] {strides = array<i32>} : memref<32x512xf32, #tpu.memory_space<vmem>>, vector<1x16xf32>,
        %parallel_loop3A_1166 = vector.shape_cast %parallel_loop3A_1165 : vector<1x16xf32> to vector<16xf32>
        %parallel_loop3A_1167 = arith.index_cast %parallel_loop3A_877 : i32 to index
        %parallel_loop3A_1168 = arith.constant 496 : index
        %parallel_loop3A_1169 = tpu.vector_load %arg10[%parallel_loop3A_1167, %parallel_loop3A_1168] {strides = array<i32>} : memref<32x512xf32, #tpu.memory_space<vmem>>, vector<1x16xf32>,
        %parallel_loop3A_1170 = vector.shape_cast %parallel_loop3A_1169 : vector<1x16xf32> to vector<16xf32>
        %parallel_loop3A_1171 = arith.mulf %parallel_loop3A_1166, %get3A_861 : vector<16xf32>
        %parallel_loop3A_1172 = arith.mulf %parallel_loop3A_1170, %get3A_866 : vector<16xf32>
        %parallel_loop3A_1173 = arith.addf %parallel_loop3A_1171, %parallel_loop3A_1172 : vector<16xf32>
        %parallel_loop3A_1174 = arith.constant 0.000000e+00 : f32
        %parallel_loop3A_1175 = vector.broadcast %parallel_loop3A_1174 : f32 to vector<16xf32>
        %parallel_loop3A_1176 = arith.maximumf %parallel_loop3A_1173, %parallel_loop3A_1175 : vector<16xf32>
        %parallel_loop3A_1177 = arith.index_cast %parallel_loop3A_877 : i32 to index
        %parallel_loop3A_1178 = arith.constant 496 : index
        %parallel_loop3A_1179 = tpu.vector_load %arg12[%parallel_loop3A_1177, %parallel_loop3A_1178] {strides = array<i32>} : memref<32x512xf32, #tpu.memory_space<vmem>>, vector<1x16xf32>,
        %parallel_loop3A_1180 = vector.shape_cast %parallel_loop3A_1179 : vector<1x16xf32> to vector<16xf32>
        %parallel_loop3A_1181 = vector.shape_cast %parallel_loop3A_1176 : vector<16xf32> to vector<1x16xf32>
        tpu.vector_store %arg12[%parallel_loop3A_1177, %parallel_loop3A_1178], %parallel_loop3A_1181 {strides = array<i32>} : memref<32x512xf32, #tpu.memory_space<vmem>>, vector<1x16xf32>,
      } {sc.loop_unroll_factor = 1 : i64, sc.parallel_access}
      %dma_start3A_870 = arith.constant 0 : i32
      %dma_start3A_871 = arith.constant 0 : i32
      %dma_start3A_872 = tpu.memref_slice %arg5[%add3A_45, %dma_start3A_870, %dma_start3A_871] : memref<16384x1x512xf32, #tpu.memory_space<hbm>> -> memref<32x1x512xf32, #tpu.memory_space<hbm>>
      %dma_start3A_873 = tpu.memref_squeeze %dma_start3A_872 : memref<32x1x512xf32, #tpu.memory_space<hbm>> -> memref<32x512xf32, #tpu.memory_space<hbm>>
      %dma_start3A_874 = arith.constant 0 : i32
      %dma_start3A_875 = tpu.memref_slice %arg5[%add3A_45, %dma_start3A_870, %dma_start3A_874] : memref<16384x1x512xf32, #tpu.memory_space<hbm>> -> memref<32x1x512xf32, #tpu.memory_space<hbm>>
      %dma_start3A_876 = tpu.memref_squeeze %dma_start3A_875 : memref<32x1x512xf32, #tpu.memory_space<hbm>> -> memref<32x512xf32, #tpu.memory_space<hbm>>
      tpu.enqueue_dma source(%arg12 : memref<32x512xf32, #tpu.memory_space<vmem>>) target(%dma_start3A_876 : memref<32x512xf32, #tpu.memory_space<hbm>>) target_semaphore(%arg17 : memref<!tpu.dma_semaphore, #tpu.memory_space<semaphore_mem>>)
    }
    %scan3A_16 = arith.constant 8 : i32
    %dma_wait3A = arith.constant 0 : i32
    %dma_wait3A_17 = arith.constant 0 : i32
    %dma_wait3A_18 = arith.constant 0 : i32
    %dma_wait3A_19 = tpu.memref_slice %arg5[%dma_wait3A_17, %dma_wait3A, %dma_wait3A_18] : memref<16384x1x512xf32, #tpu.memory_space<hbm>> -> memref<32x1x512xf32, #tpu.memory_space<hbm>>
    %dma_wait3A_20 = tpu.memref_squeeze %dma_wait3A_19 : memref<32x1x512xf32, #tpu.memory_space<hbm>> -> memref<32x512xf32, #tpu.memory_space<hbm>>
    %dma_wait3A_21 = arith.constant 0 : i32
    %dma_wait3A_22 = arith.constant 0 : i32
    %dma_wait3A_23 = tpu.memref_slice %arg5[%dma_wait3A_21, %dma_wait3A, %dma_wait3A_22] : memref<16384x1x512xf32, #tpu.memory_space<hbm>> -> memref<32x1x512xf32, #tpu.memory_space<hbm>>
    %dma_wait3A_24 = tpu.memref_squeeze %dma_wait3A_23 : memref<32x1x512xf32, #tpu.memory_space<hbm>> -> memref<32x512xf32, #tpu.memory_space<hbm>>
    tpu.wait_dma2 semaphore(%arg16 : memref<!tpu.dma_semaphore, #tpu.memory_space<semaphore_mem>>) src(%arg11 : memref<32x512xf32, #tpu.memory_space<vmem>>) dst(%dma_wait3A_24 : memref<32x512xf32, #tpu.memory_space<hbm>>)
    %dma_wait3A_25 = arith.constant 0 : i32
    %dma_wait3A_26 = arith.constant 0 : i32
    %dma_wait3A_27 = arith.constant 0 : i32
    %dma_wait3A_28 = tpu.memref_slice %arg5[%dma_wait3A_26, %dma_wait3A_25, %dma_wait3A_27] : memref<16384x1x512xf32, #tpu.memory_space<hbm>> -> memref<32x1x512xf32, #tpu.memory_space<hbm>>
    %dma_wait3A_29 = tpu.memref_squeeze %dma_wait3A_28 : memref<32x1x512xf32, #tpu.memory_space<hbm>> -> memref<32x512xf32, #tpu.memory_space<hbm>>
    %dma_wait3A_30 = arith.constant 0 : i32
    %dma_wait3A_31 = arith.constant 0 : i32
    %dma_wait3A_32 = tpu.memref_slice %arg5[%dma_wait3A_30, %dma_wait3A_25, %dma_wait3A_31] : memref<16384x1x512xf32, #tpu.memory_space<hbm>> -> memref<32x1x512xf32, #tpu.memory_space<hbm>>
    %dma_wait3A_33 = tpu.memref_squeeze %dma_wait3A_32 : memref<32x1x512xf32, #tpu.memory_space<hbm>> -> memref<32x512xf32, #tpu.memory_space<hbm>>
    tpu.wait_dma2 semaphore(%arg17 : memref<!tpu.dma_semaphore, #tpu.memory_space<semaphore_mem>>) src(%arg12 : memref<32x512xf32, #tpu.memory_space<vmem>>) dst(%dma_wait3A_33 : memref<32x512xf32, #tpu.memory_space<hbm>>)
    return
  }
}

</mosaic_0001>

<sc_bundles>
// kernel: kernel.3.cloned.1.call-start
scs
__scs_entry_jumppad:
0x0: {  	(pc) =	sbr.rel $0x88, $3  }
0x1: {  	(tag) =	ssettag $0x0;
	lr =	simm.s32 $0x1  }
0x2: {  	[smem:$0x3F9C] =	sst lr;
	_ =	strace $0xD0000000  }
0x3: {  	_ = 	snop  }
0x4: {  	_ = 	snop  }
0x5: {  	_ = 	snop  }
0x6: {  	_ = 	snop  }
0x7: {  	_ = 	snop  }
__scs_overlays_trampoline_lowered:
0x8: {  	[smem:$0x3FAB] =	sst s0  }
0x9: {  	[smem:$0x3FAC] =	sst s1  }
0xa: {  	[smem:$0x3FAD] =	sst s2  }
0xb: {  	[smem:$0x3FAE] =	sst s3  }
0xc: {  	[smem:$0x3FAF] =	sst s4  }
0xd: {  	[smem:$0x3FB0] =	sst s5  }
0xe: {  	[smem:$0x3FB1] =	sst s6  }
0xf: {  	[smem:$0x3FB2] =	sst s7  }
0x10: {  	[smem:$0x3FB3] =	sst s8  }
0x11: {  	[smem:$0x3FB4] =	sst s9;
	s0 =	simm.s32 @!p0 $0x0  }
0x12: {  	s1 =	sld [smem:$0x3F9A];
	s0 =	simm.s32 @p0 $0x1  }
0x13: {  	[smem:$0x3FB5] =	sst s0;
	s0 =	simm.s32 @!p1 $0x0  }
0x14: {  	s2 =	sld [smem:$0x3F99];
	s0 =	simm.s32 @p1 $0x1  }
0x15: {  	[smem:$0x3FB6] =	sst s0;
	s0 =	simm.s32 @!p2 $0x0  }
0x16: {  	s3 =	sld [smem:$0x3FDB];
	s0 =	simm.s32 @p2 $0x1  }
0x17: {  	s4 =	simm.s32 $0x1BF5;
	[smem:$0x3FB8] =	sst s0  }
0x18: {  	s0 =	sld [smem:$0x3F9B];
	_ =	swait.ge [sflag:s4], $0x0  }
0x19: {  	s7 =	sld [smem:$0x3F9C]  }
0x1a: {  	s8 =	sadd.s32 $0xFFFFE003, lr  }
0x1b: {  	s9 =	sadd.s32 $0xFFFFFEF7, lr;
	s5 =	simm.s32 $0xFFFFFFFF;
	p2 =	slt.u32 s8, $0xFFFFF086  }
0x1c: {  	p1 =	slt.u32 s9, $0xF7A;
	s5 =	simm.s32 @!p2 $0x0  }
0x1d: {  	s5 =	simm.s32 @p1 $0x1;
	p0 =	seq.s32 s7, s2  }
0x1e: {  	s7 =	smul.u32 @!p0 $0xF7A, s2;
	p2 =	seq.s32 @!p0 s5, $0x0  }
0x1f: {  	s9 =	smul.u32 $0xF7A, s1;
	s8 =	simm.s32 @!p0 $0x1BF5;
	p2 =	por !p2, p0  }
0x20: {  	[sflag:s8] =	ssyncset.s32 @!p0 $0xFFFFF086;
	s6 =	sadd.s32 @!p0 s3, s7;
	s7 =	simm.s32 @!p0 $0x108  }
0x21: {  	s3 =	sadd.s32 s3, s9;
	s6 =	sadd.s32 @!p0 $0x88, s6;
	s7 =	simm.s32 @p2 $0x1082  }
0x22: {  	[simem:s7], [sflag:s8] =	dma.local @!p0 [hbm:s6], $0xF7A  }
0x23: {  	s9 =	sor.u32 $0xD0000000, s2;
	s6 =	simm.s32 $0x108;
	_ =	swait.ge @!p0 [sflag:s8], $0x0  }
0x24: {  	s3 =	sadd.s32 $0x88, s3;
	s6 =	simm.s32 @!p1 $0x1082;
	[sflag:s4] =	ssyncset.s32 $0xFFFFF086  }
0x25: {  	[simem:s6], [sflag:s4] =	dma.local [hbm:s3], $0xF7A  }
0x26: {  	[smem:$0x3F9C] =	sst s1;
	(tag) =	ssettag s2;
	_ =	strace s9  }
0x27: {  	s1 =	sld [smem:$0x3FAC]  }
0x28: {  	s2 =	sld [smem:$0x3FAD]  }
0x29: {  	s4 =	sld [smem:$0x3FAF]  }
0x2a: {  	p0 =	seq.s32 s5, $0x0;
	s5 =	sld [smem:$0x3FB0]  }
0x2b: {  	s6 =	sld [smem:$0x3FB1]  }
0x2c: {  	s7 =	sld [smem:$0x3FB2]  }
0x2d: {  	s3 =	simm.s32 $0x108;
	s8 =	sld [smem:$0x3FB3]  }
0x2e: {  	s3 =	simm.s32 @!p0 $0x1082;
	s9 =	sld [smem:$0x3FB4]  }
0x2f: {  	lr =	sadd.s32 s0, s3;
	s0 =	sld [smem:$0x3FAB]  }
0x30: {  	s3 =	sld [smem:$0x3FAE]  }
0x31: {  	[smem:$0x3FB7] =	sst s10  }
0x32: {  	s10 =	sld [smem:$0x3FB5];
	_ =	sdelay $0x3  }
0x33: {  	p0 =	seq.s32 s10, $0x1;
	s10 =	sld [smem:$0x3FB7];
	_ =	sdelay $0x3  }
0x34: {  	[smem:$0x3FB7] =	sst s10  }
0x35: {  	s10 =	sld [smem:$0x3FB6];
	_ =	sdelay $0x3  }
0x36: {  	p1 =	seq.s32 s10, $0x1;
	s10 =	sld [smem:$0x3FB7];
	_ =	sdelay $0x3  }
0x37: {  	[smem:$0x3FB7] =	sst s10  }
0x38: {  	s10 =	sld [smem:$0x3FB8]  }
0x39: {  	_ = 	snop;
	(pc) =	sbr.ind lr, $3  }
0x3a: {  	_ = 	snop  }
0x3b: {  	_ = 	snop  }
0x3c: {  	p2 =	seq.s32 s10, $0x1;
	s10 =	sld [smem:$0x3FB7]  }
0x3d: {  	_ =	shalt  }
0x3e: {  	_ =	shalt  }
0x3f: {  	_ =	shalt  }
0x40: {  	_ =	shalt  }
0x41: {  	_ =	shalt  }
0x42: {  	_ =	shalt  }
0x43: {  	_ =	shalt  }
0x44: {  	_ =	shalt  }
0x45: {  	_ =	shalt  }
0x46: {  	_ =	shalt  }
0x47: {  	_ =	shalt  }
0x48: {  	_ =	shalt  }
0x49: {  	_ =	shalt  }
0x4a: {  	_ =	shalt  }
0x4b: {  	_ =	shalt  }
0x4c: {  	_ =	shalt  }
0x4d: {  	_ =	shalt  }
0x4e: {  	_ =	shalt  }
0x4f: {  	_ =	shalt  }
0x50: {  	_ =	shalt  }
0x51: {  	_ =	shalt  }
0x52: {  	_ =	shalt  }
0x53: {  	_ =	shalt  }
0x54: {  	_ =	shalt  }
0x55: {  	_ =	shalt  }
0x56: {  	_ =	shalt  }
0x57: {  	_ =	shalt  }
0x58: {  	_ =	shalt  }
0x59: {  	_ =	shalt  }
0x5a: {  	_ =	shalt  }
0x5b: {  	_ =	shalt  }
0x5c: {  	_ =	shalt  }
0x5d: {  	_ =	shalt  }
0x5e: {  	_ =	shalt  }
0x5f: {  	_ =	shalt  }
0x60: {  	_ =	shalt  }
0x61: {  	_ =	shalt  }
0x62: {  	_ =	shalt  }
0x63: {  	_ =	shalt  }
0x64: {  	_ =	shalt  }
0x65: {  	_ =	shalt  }
0x66: {  	_ =	shalt  }
0x67: {  	_ =	shalt  }
0x68: {  	_ =	shalt  }
0x69: {  	_ =	shalt  }
0x6a: {  	_ =	shalt  }
0x6b: {  	_ =	shalt  }
0x6c: {  	_ =	shalt  }
0x6d: {  	_ =	shalt  }
0x6e: {  	_ =	shalt  }
0x6f: {  	_ =	shalt  }
0x70: {  	_ =	shalt  }
0x71: {  	_ =	shalt  }
0x72: {  	_ =	shalt  }
0x73: {  	_ =	shalt  }
0x74: {  	_ =	shalt  }
0x75: {  	_ =	shalt  }
0x76: {  	_ =	shalt  }
0x77: {  	_ =	shalt  }
0x78: {  	_ =	shalt  }
0x79: {  	_ =	shalt  }
0x7a: {  	_ =	shalt  }
0x7b: {  	_ =	shalt  }
0x7c: {  	_ =	shalt  }
0x7d: {  	_ =	shalt  }
0x7e: {  	_ =	shalt  }
0x7f: {  	_ =	shalt  }
0x80: {  	_ =	shalt  }
0x81: {  	_ =	shalt  }
0x82: {  	_ =	shalt  }
0x83: {  	_ =	shalt  }
0x84: {  	_ =	shalt  }
0x85: {  	_ =	shalt  }
0x86: {  	_ =	shalt  }
0x87: {  	_ =	shalt  }
.Lfunc_end0:
.L_simem_size_0:
called_computation_lowered:
.L_overlay_start_0:
0x88: {  	s2 =	sld [smem:$0x3FD9]  }
0x89: {  	s3 =	sld [smem:$0x3FFE];
	_ =	sdelay $0x1  }
0x8a: {  	s1 =	srdreg.scid  }
0x8b: {  	s0 =	sand.u32 $0x1, s1  }
0x8c: {  	s17 =	sshll.u32 s0, $0xA;
	s2 =	sadd.s32 s3, s2  }
0x8d: {  	s2 =	sadd.s32 s2, s17  }
0x8e: {  	[smem:$0x3FC3] =	sst s2  }
0x8f: {  	_ = 	snop  }
0x90: {  	s2 =	sld [smem:$0x3FC9]  }
0x91: {  	s18 =	sld [smem:$0x3FC8]  }
0x92: {  	s4 =	sld [smem:$0x3FD0];
	(tm) =	ssettm $0x1  }
0x93: {  	s5 =	sld [smem:$0x3FFB];
	_ =	sdelay $0x3  }
0x94: {  	_ =	strace s5  }
0x95: {  	s5 =	sld [smem:$0x3FFC];
	_ =	sdelay $0x3  }
0x96: {  	_ =	strace s5  }
0x97: {  	s5 =	sld [smem:$0x3FFD];
	_ =	sdelay $0x3  }
0x98: {  	_ =	strace s5  }
0x99: {  	_ =	strace $0x8FFFFFFF  }
0x9a: {  	s19 =	sld [smem:$0x3FDB];
	_ =	sdelay $0x1  }
0x9b: {  	s6 =	simm.s32 $_scs_section_size  }
0x9c: {  	s7 =	simm.s32 $_size__tile_overlayer_lowered;
	s8 =	simm.s32 $_tile_overlayer_lowered  }
0x9d: {  	s22 =	simm.s32 $0x1BFF;
	s21 =	sshll.u32 s8, $0x1;
	s5 =	sadd.s32 s6, s19  }
0x9e: {  	s9 =	simm.s32 $0x0;
	s20 =	sshll.u32 s7, $0x1;
	s7 =	sadd.s32 s21, s5  }
0x9f: {  	[timem:s9], [sflag:s22] =	dma.local [hbm:s7], s20  }
0xa0: {  	_ =	swait.ge [sflag:s22], s20  }
0xa1: {  	s6 =	ssub.s32 $0x0, s20;
	[sflag:s22] =	ssyncset.done $0x0  }
0xa2: {  	[sflag:s22] =	ssyncadd.s32 s6;
	_ =	sdelay $0x1  }
0xa3: {  	s23 =	simm.s32 $0x1B8B  }
0xa4: {  	_ =	swait.ge [sflag:s23], $0x1  }
0xa5: {  	[sflag:s23] =	ssyncset.done $0x0  }
0xa6: {  	s25 =	simm.s32 $0x1B8E;
	s24 =	sld [smem:$0x3FFE];
	[sflag:s23] =	ssyncadd.s32 $0xFFFFFFFF  }
0xa7: {  	s26 =	simm.s32 $execute0_lowered;
	[smem:$0x3FD2] =	sst s25  }
0xa8: {  	s7 =	sshll.u32 s26, $0x1;
	_ =	strace $0x80000046;
	[dreg:$0x1] =	wrdreg $0xFFFFFFFF  }
0xa9: {  	s28 =	simm.s32 $_size_execute0_lowered;
	s5 =	sadd.s32 s5, s7;
	[dreg:$0x0] =	wrdreg $0x0  }
0xaa: {  	s7 =	sshll.u32 s28, $0x1;
	[dreg:$0x2] =	wrdreg s5  }
0xab: {  	[dreg:$0x3] =	wrdreg s7  }
0xac: {  	[dreg:$0x4] =	wrdreg $0xC0  }
0xad: {  	_ =	task [dreg:s9], $0x5FFFF  }
0xae: {  	[dreg:$0x1] =	wrdreg $0xFFFFFFFF  }
0xaf: {  	[dreg:$0x0] =	wrdreg $0x60  }
0xb0: {  	[dreg:$0x2] =	wrdreg s2  }
0xb1: {  	[dreg:$0x3] =	wrdreg s18  }
0xb2: {  	[dreg:$0x4] =	wrdreg s24  }
0xb3: {  	[dreg:$0x5] =	wrdreg s4  }
0xb4: {  	[dreg:$0x6] =	wrdreg $0x9  }
0xb5: {  	_ =	task.clear_ibuf [dreg:s9], $0x7FFFF;
	_ =	strace $0x90000046  }
0xb6: {  	s29 =	simm.s32 $0x9;
	_ =	strace $0x80000048  }
0xb7: {  	_ =	swait.ge [sflag:s29], $0x1  }
0xb8: {  	[sflag:s29] =	ssyncadd.s32 $0xFFFFFFFF  }
0xb9: {  	_ =	strace $0x90000048  }
0xba: {  	_ =	sfence  }
0xbb: {  	s30 =	sld [smem:$0x0];
	_ =	sdelay $0x2  }
0xbc: {  	s31 =	sshll.u32 s1, $0xD;
	s1 =	sshrl.u32 s1, $0x2  }
0xbd: {  	s3 =	sand.u32 $0x4000, s31;
	s1 =	sadd.s32 s1, s30  }
0xbe: {  	s0 =	sor.u32 s3, s0;
	s1 =	sshll.u32 s1, $0x11  }
0xbf: {  	s0 =	sor.u32 s1, s0  }
0xc0: {  	s0 =	sadd.s32 $0x8F2B, s0  }
0xc1: {  	[sflag:s0] =	ssyncadd.remote.s32 $0x1  }
0xc2: {  	_ =	sfence.sel $0xFFFF  }
0xc3: {  	[dreg:$0x0] =	wrdreg $0xFFFFFFFF;
	(pc) =	sbr.abs _section_cstart, $3  }
0xc4: {  	[dreg:$0x1] =	wrdreg $0xFFFFFFFF  }
0xc5: {  	_ =	task.clear_ibuf [dreg:s9], $0x2FFFF;
	_ =	strace $0x9FFFFFFF  }
0xc6: {  	(tm) =	ssettm $0x7FFFFFFF  }
0xc7: {  	_ =	shalt  }
tec
execute0_lowered:
.L_overlay_start_1:
0x0: {  	(tag) =	ssettag $0x1  }
0x1: {  	s0 =	rddreg [dreg:$0x0]  }
0x2: {  	s1 =	rddreg [dreg:$0x1]  }
0x3: {  	s2 =	rddreg [dreg:$0x2]  }
0x4: {  	s9 =	rddreg [dreg:$0x3];
	s3 =	srdreg.scid;
	s4 =	simm.s32 $0x0  }
0x5: {  	s6 =	stileid.u32;
	s20 =	simm.s32 $0x1;
	s21 =	simm.s32 $0x80  }
0x6: {  	s22 =	simm.s32 $0x200;
	s13 =	simm.s32 $0x2;
	s15 =	simm.s32 $0x14800  }
0x7: {  	s16 =	simm.s32 $0x14C00;
	s17 =	simm.s32 $0x15000;
	s18 =	simm.s32 $0x15400  }
0x8: {  	s19 =	simm.s32 $0x15800;
	s23 =	simm.s32 $0x15C00;
	s28 =	simm.s32 $0x16C00  }
0x9: {  	s29 =	simm.s32 $0x17000;
	s30 =	simm.s32 $0x17800;
	s31 =	simm.s32 $0x17C00  }
0xa: {  	s3 =	sand.u32 $0x1, s3;
	[smem:$0x7FF] =	sst s4;
	s6 =	sshll.u32 s6, $0x1  }
0xb: {  	s2 =	sadd.s32 $0x400, s2;
	s9 =	sadd.s32 $0x800, s9;
	s5 =	ssub.s32 $0x2, s3  }
0xc: {  	_ =	strace $0x80000047;
	s3 =	sor.u32 s3, s6;
	[dreg:$0x5] =	wrdreg s2  }
0xd: {  	s6 =	simm.s32 $0x0;
	s7 =	sshrl.u32 s5, $0x1;
	s25 =	sshll.u32 s3, $0x7  }
0xe: {  	s8 =	sshll.u32 s3, $0xF;
	s3 =	simm.s32 $0x17400;
	s24 =	ssub.s32 s5, s7  }
0xf: {  	v2 =	vlaneseq.u32;
	s0 =	sadd.s32 s0, s25;
	s7 =	sadd.s32 $0x100, s1;
	s25 =	simm.s32 $0x16400  }
0x10: {  	vm0 =	vmmov $0xffff;
	v1 =	vshrl.u32 v2, $0x3;
	[dreg:$0x6] =	wrdreg s0;
	s26 =	smax.u32 s24, $0x1;
	s24 =	simm.s32 $0x16000  }
0x11: {  	v0 =	vand.u32 $0x7, v2;
	v2 =	vor.u32 $0x8, v2;
	v1 =	vmul.u32 $0x8, v1;
	s0 =	simm.s32 $0x18000;
	[dreg:$0x7] =	wrdreg s26;
	s26 =	simm.s32 $0x16800  }
.LBB2_1:
0x12: {  	[dreg:$0x8] =	wrdreg s6  }
0x13: {  	s2 =	rddreg [dreg:$0x5];
	s5 =	simm.s32 $0x18400;
	s14 =	simm.s32 $0x5  }
0x14: {  	[tilespmem:s5], [sflag:$0x5] =	stream.linear.gather [hbm4b:s2+s4], $0x400, $0x38;
	[tilespmem:$0x18800] =	vst v63  }
0x15: {  	_ =	swait.ge [sflag:s14], $0x400  }
0x16: {  	[sflag:s14] =	ssyncset.done $0x0  }
0x17: {  	s6 =	rddreg [dreg:$0x6];
	[sflag:s14] =	ssyncadd.s32 $0xFFFFFC00  }
0x18: {  	[tilespmem:s4], [sflag:$0x5] =	stream.linear.gather [hbm4b:s6+s4], $0x400, $0x38;
	[tilespmem:$0x18800] =	vst v63  }
0x19: {  	_ =	swait.ge [sflag:s14], $0x400  }
0x1a: {  	[sflag:s14] =	ssyncset.done $0x0  }
0x1b: {  	[sflag:s14] =	ssyncadd.s32 $0xFFFFFC00  }
0x1c: {  	v3 =	vld [tilespmem:$0x0];
	_ =	sdelay $0x4  }
0x1d: {  	v4 =	vshll.u32 v3, $0x2  }
0x1e: {  	v3 =	vand.u32 $0x7, v3;
	v4 =	vand.u32 $0xFFFFFFE0, v4  }
0x1f: {  	v3 =	vor.u32 v3, v4  }
0x20: {  	v4 =	vperm.xlane v3, v0;
	_ =	sdelay $0x1  }
0x21: {  	v4 =	vadd.s32 v1, v4;
	_ =	sdelay $0x1  }
0x22: {  	v3 =	vperm.xlane v3, v2;
	_ =	sdelay $0x1  }
0x23: {  	s10 =	simm.s32 $0x400;
	v3 =	vadd.s32 v1, v3  }
0x24: {  	[tilespmem:s10], [sflag:$0x1] =	stream.indirect_vreg.gather [hbm4b:s1+s4], $0x80, v4, vm0, $0xb8;
	[tilespmem:$0x18800] =	vst v63  }
0x25: {  	s11 =	simm.s32 $0xC00  }
0x26: {  	[tilespmem:s11], [sflag:$0x1] =	stream.indirect_vreg.gather [hbm4b:s7+s4], $0x80, v4, vm0, $0xb8;
	[tilespmem:$0x18800] =	vst v63  }
0x27: {  	s12 =	simm.s32 $0x1400  }
0x28: {  	[tilespmem:s12], [sflag:$0x1] =	stream.indirect_vreg.gather [hbm4b:s1+s4], $0x80, v3, vm0, $0xb8;
	[tilespmem:$0x18800] =	vst v63  }
0x29: {  	s14 =	simm.s32 $0x1C00  }
0x2a: {  	[tilespmem:s14], [sflag:$0x1] =	stream.indirect_vreg.gather [hbm4b:s7+s4], $0x80, v3, vm0, $0xb8;
	[tilespmem:$0x18800] =	vst v63  }
0x2b: {  	v3 =	vld [tilespmem:$0x10];
	_ =	sdelay $0x4  }
0x2c: {  	v61 =	vshll.u32 v3, $0x2  }
0x2d: {  	v3 =	vand.u32 $0x7, v3;
	v4 =	vand.u32 $0xFFFFFFE0, v61  }
0x2e: {  	v3 =	vor.u32 v3, v4  }
0x2f: {  	v4 =	vperm.xlane v3, v0;
	_ =	sdelay $0x1  }
0x30: {  	v4 =	vadd.s32 v1, v4;
	_ =	sdelay $0x1  }
0x31: {  	v3 =	vperm.xlane v3, v2;
	_ =	sdelay $0x1  }
0x32: {  	s5 =	simm.s32 $0x2400;
	v3 =	vadd.s32 v1, v3  }
0x33: {  	[tilespmem:s5], [sflag:$0x1] =	stream.indirect_vreg.gather [hbm4b:s1+s4], $0x80, v4, vm0, $0xb8;
	[tilespmem:$0x18800] =	vst v63  }
0x34: {  	s6 =	simm.s32 $0x2C00  }
0x35: {  	[tilespmem:s6], [sflag:$0x1] =	stream.indirect_vreg.gather [hbm4b:s7+s4], $0x80, v4, vm0, $0xb8;
	[tilespmem:$0x18800] =	vst v63  }
0x36: {  	s10 =	simm.s32 $0x3400  }
0x37: {  	[tilespmem:s10], [sflag:$0x1] =	stream.indirect_vreg.gather [hbm4b:s1+s4], $0x80, v3, vm0, $0xb8;
	[tilespmem:$0x18800] =	vst v63  }
0x38: {  	s11 =	simm.s32 $0x3C00  }
0x39: {  	[tilespmem:s11], [sflag:$0x1] =	stream.indirect_vreg.gather [hbm4b:s7+s4], $0x80, v3, vm0, $0xb8;
	[tilespmem:$0x18800] =	vst v63  }
0x3a: {  	v3 =	vld [tilespmem:$0x80];
	_ =	sdelay $0x4  }
0x3b: {  	v62 =	vshll.u32 v3, $0x2  }
0x3c: {  	v3 =	vand.u32 $0x7, v3;
	v4 =	vand.u32 $0xFFFFFFE0, v62  }
0x3d: {  	v3 =	vor.u32 v3, v4  }
0x3e: {  	v4 =	vperm.xlane v3, v0;
	_ =	sdelay $0x1  }
0x3f: {  	v4 =	vadd.s32 v1, v4;
	_ =	sdelay $0x1  }
0x40: {  	v3 =	vperm.xlane v3, v2;
	_ =	sdelay $0x1  }
0x41: {  	s12 =	simm.s32 $0x4400;
	v3 =	vadd.s32 v1, v3  }
0x42: {  	[tilespmem:s12], [sflag:$0x1] =	stream.indirect_vreg.gather [hbm4b:s1+s4], $0x80, v4, vm0, $0xb8;
	[tilespmem:$0x18800] =	vst v63  }
0x43: {  	s14 =	simm.s32 $0x4C00  }
0x44: {  	[tilespmem:s14], [sflag:$0x1] =	stream.indirect_vreg.gather [hbm4b:s7+s4], $0x80, v4, vm0, $0xb8;
	[tilespmem:$0x18800] =	vst v63  }
0x45: {  	s5 =	simm.s32 $0x5400  }
0x46: {  	[tilespmem:s5], [sflag:$0x1] =	stream.indirect_vreg.gather [hbm4b:s1+s4], $0x80, v3, vm0, $0xb8;
	[tilespmem:$0x18800] =	vst v63  }
0x47: {  	s6 =	simm.s32 $0x5C00  }
0x48: {  	[tilespmem:s6], [sflag:$0x1] =	stream.indirect_vreg.gather [hbm4b:s7+s4], $0x80, v3, vm0, $0xb8;
	[tilespmem:$0x18800] =	vst v63  }
0x49: {  	v3 =	vld [tilespmem:$0x90];
	_ =	sdelay $0x4  }
0x4a: {  	v63 =	vshll.u32 v3, $0x2  }
0x4b: {  	v3 =	vand.u32 $0x7, v3;
	v4 =	vand.u32 $0xFFFFFFE0, v63  }
0x4c: {  	v3 =	vor.u32 v3, v4  }
0x4d: {  	v4 =	vperm.xlane v3, v0;
	_ =	sdelay $0x1  }
0x4e: {  	v4 =	vadd.s32 v1, v4;
	_ =	sdelay $0x1  }
0x4f: {  	v3 =	vperm.xlane v3, v2;
	_ =	sdelay $0x1  }
0x50: {  	s10 =	simm.s32 $0x6400;
	v3 =	vadd.s32 v1, v3  }
0x51: {  	[tilespmem:s10], [sflag:$0x1] =	stream.indirect_vreg.gather [hbm4b:s1+s4], $0x80, v4, vm0, $0xb8;
	[tilespmem:$0x18800] =	vst v63  }
0x52: {  	s11 =	simm.s32 $0x6C00  }
0x53: {  	[tilespmem:s11], [sflag:$0x1] =	stream.indirect_vreg.gather [hbm4b:s7+s4], $0x80, v4, vm0, $0xb8;
	[tilespmem:$0x18800] =	vst v63  }
0x54: {  	s12 =	simm.s32 $0x7400  }
0x55: {  	[tilespmem:s12], [sflag:$0x1] =	stream.indirect_vreg.gather [hbm4b:s1+s4], $0x80, v3, vm0, $0xb8;
	[tilespmem:$0x18800] =	vst v63  }
0x56: {  	s2 =	simm.s32 $0x0;
	s14 =	simm.s32 $0x7C00  }
0x57: {  	[tilespmem:s14], [sflag:$0x1] =	stream.indirect_vreg.gather [hbm4b:s7+s4], $0x80, v3, vm0, $0xb8;
	[tilespmem:$0x18800] =	vst v63  }
.LBB2_2:
0x58: {  	s5 =	sshll.u32 s2, $0x6;
	s6 =	sshll.u32 s2, $0x7  }
0x59: {  	s6 =	sand.u32 $0x300, s6;
	s5 =	sand.u32 $0x40, s5  }
0x5a: {  	s5 =	sor.u32 s5, s6  }
0x5b: {  	v3 =	vld [tilespmem:s5+$0x20];
	_ =	sdelay $0x4  }
0x5c: {  	v4 =	vshll.u32 v3, $0x2  }
0x5d: {  	v3 =	vand.u32 $0x7, v3;
	v4 =	vand.u32 $0xFFFFFFE0, v4  }
0x5e: {  	v3 =	vor.u32 v3, v4  }
0x5f: {  	v4 =	vperm.xlane v3, v0;
	_ =	sdelay $0x1  }
0x60: {  	v4 =	vadd.s32 v1, v4;
	_ =	sdelay $0x1  }
0x61: {  	v3 =	vperm.xlane v3, v2;
	_ =	sdelay $0x1  }
0x62: {  	s11 =	simm.s32 $0x8400;
	v3 =	vadd.s32 v1, v3  }
0x63: {  	[tilespmem:s11], [sflag:$0x2] =	stream.indirect_vreg.gather [hbm4b:s1+s4], $0x80, v4, vm0, $0xb8;
	[tilespmem:$0x18800] =	vst v63  }
0x64: {  	s12 =	simm.s32 $0x8C00  }
0x65: {  	[tilespmem:s12], [sflag:$0x2] =	stream.indirect_vreg.gather [hbm4b:s7+s4], $0x80, v4, vm0, $0xb8;
	[tilespmem:$0x18800] =	vst v63  }
0x66: {  	s14 =	simm.s32 $0x9400  }
0x67: {  	[tilespmem:s14], [sflag:$0x2] =	stream.indirect_vreg.gather [hbm4b:s1+s4], $0x80, v3, vm0, $0xb8;
	[tilespmem:$0x18800] =	vst v63  }
0x68: {  	s10 =	simm.s32 $0x9C00  }
0x69: {  	[tilespmem:s10], [sflag:$0x2] =	stream.indirect_vreg.gather [hbm4b:s7+s4], $0x80, v3, vm0, $0xb8;
	[tilespmem:$0x18800] =	vst v63  }
0x6a: {  	v3 =	vld [tilespmem:s5+$0x30];
	_ =	sdelay $0x4  }
0x6b: {  	v4 =	vshll.u32 v3, $0x2  }
0x6c: {  	v3 =	vand.u32 $0x7, v3;
	v4 =	vand.u32 $0xFFFFFFE0, v4  }
0x6d: {  	v3 =	vor.u32 v3, v4  }
0x6e: {  	v4 =	vperm.xlane v3, v0;
	_ =	sdelay $0x1  }
0x6f: {  	v4 =	vadd.s32 v1, v4;
	_ =	sdelay $0x1  }
0x70: {  	v3 =	vperm.xlane v3, v2;
	_ =	sdelay $0x1  }
0x71: {  	s11 =	simm.s32 $0xA400;
	v3 =	vadd.s32 v1, v3  }
0x72: {  	[tilespmem:s11], [sflag:$0x2] =	stream.indirect_vreg.gather [hbm4b:s1+s4], $0x80, v4, vm0, $0xb8;
	[tilespmem:$0x18800] =	vst v63  }
0x73: {  	s12 =	simm.s32 $0xAC00  }
0x74: {  	[tilespmem:s12], [sflag:$0x2] =	stream.indirect_vreg.gather [hbm4b:s7+s4], $0x80, v4, vm0, $0xb8;
	[tilespmem:$0x18800] =	vst v63  }
0x75: {  	s14 =	simm.s32 $0xB400  }
0x76: {  	[tilespmem:s14], [sflag:$0x2] =	stream.indirect_vreg.gather [hbm4b:s1+s4], $0x80, v3, vm0, $0xb8;
	[tilespmem:$0x18800] =	vst v63  }
0x77: {  	s10 =	simm.s32 $0xBC00  }
0x78: {  	[tilespmem:s10], [sflag:$0x2] =	stream.indirect_vreg.gather [hbm4b:s7+s4], $0x80, v3, vm0, $0xb8;
	[tilespmem:$0x18800] =	vst v63  }
0x79: {  	v3 =	vld [tilespmem:s5+$0xA0];
	_ =	sdelay $0x4  }
0x7a: {  	v4 =	vshll.u32 v3, $0x2  }
0x7b: {  	v3 =	vand.u32 $0x7, v3;
	v4 =	vand.u32 $0xFFFFFFE0, v4  }
0x7c: {  	v3 =	vor.u32 v3, v4  }
0x7d: {  	v4 =	vperm.xlane v3, v0;
	_ =	sdelay $0x1  }
0x7e: {  	v4 =	vadd.s32 v1, v4;
	_ =	sdelay $0x1  }
0x7f: {  	v3 =	vperm.xlane v3, v2;
	_ =	sdelay $0x1  }
0x80: {  	s11 =	simm.s32 $0xC400;
	v3 =	vadd.s32 v1, v3  }
0x81: {  	[tilespmem:s11], [sflag:$0x2] =	stream.indirect_vreg.gather [hbm4b:s1+s4], $0x80, v4, vm0, $0xb8;
	[tilespmem:$0x18800] =	vst v63  }
0x82: {  	s12 =	simm.s32 $0xCC00  }
0x83: {  	[tilespmem:s12], [sflag:$0x2] =	stream.indirect_vreg.gather [hbm4b:s7+s4], $0x80, v4, vm0, $0xb8;
	[tilespmem:$0x18800] =	vst v63  }
0x84: {  	s14 =	simm.s32 $0xD400  }
0x85: {  	[tilespmem:s14], [sflag:$0x2] =	stream.indirect_vreg.gather [hbm4b:s1+s4], $0x80, v3, vm0, $0xb8;
	[tilespmem:$0x18800] =	vst v63  }
0x86: {  	s10 =	simm.s32 $0xDC00  }
0x87: {  	[tilespmem:s10], [sflag:$0x2] =	stream.indirect_vreg.gather [hbm4b:s7+s4], $0x80, v3, vm0, $0xb8;
	[tilespmem:$0x18800] =	vst v63  }
0x88: {  	v3 =	vld [tilespmem:s5+$0xB0];
	_ =	sdelay $0x4  }
0x89: {  	v4 =	vshll.u32 v3, $0x2  }
0x8a: {  	v3 =	vand.u32 $0x7, v3;
	v4 =	vand.u32 $0xFFFFFFE0, v4  }
0x8b: {  	v3 =	vor.u32 v3, v4  }
0x8c: {  	v4 =	vperm.xlane v3, v0;
	_ =	sdelay $0x1  }
0x8d: {  	v4 =	vadd.s32 v1, v4;
	_ =	sdelay $0x1  }
0x8e: {  	v3 =	vperm.xlane v3, v2;
	_ =	sdelay $0x1  }
0x8f: {  	s11 =	simm.s32 $0xE400;
	v3 =	vadd.s32 v1, v3  }
0x90: {  	[tilespmem:s11], [sflag:$0x2] =	stream.indirect_vreg.gather [hbm4b:s1+s4], $0x80, v4, vm0, $0xb8;
	[tilespmem:$0x18800] =	vst v63  }
0x91: {  	s12 =	simm.s32 $0xEC00  }
0x92: {  	[tilespmem:s12], [sflag:$0x2] =	stream.indirect_vreg.gather [hbm4b:s7+s4], $0x80, v4, vm0, $0xb8;
	[tilespmem:$0x18800] =	vst v63  }
0x93: {  	s14 =	simm.s32 $0xF400  }
0x94: {  	[tilespmem:s14], [sflag:$0x2] =	stream.indirect_vreg.gather [hbm4b:s1+s4], $0x80, v3, vm0, $0xb8;
	[tilespmem:$0x18800] =	vst v63  }
0x95: {  	s6 =	simm.s32 $0xFC00  }
0x96: {  	[tilespmem:s6], [sflag:$0x2] =	stream.indirect_vreg.gather [hbm4b:s7+s4], $0x80, v3, vm0, $0xb8;
	[tilespmem:$0x18800] =	vst v63  }
0x97: {  	_ =	swait.ge [sflag:s20], $0x4000  }
0x98: {  	[sflag:s20] =	ssyncset.done $0x0  }
0x99: {  	[sflag:s20] =	ssyncadd.s32 $0xFFFFC000  }
0x9a: {  	_ =	swait.ge [sflag:s20], $0x4000  }
0x9b: {  	p0 =	seq.s32 s2, $0x0;
	[sflag:s20] =	ssyncset.done $0x0  }
0x9c: {  	s5 =	simm.s32 @!p0 $0x3;
	[sflag:s20] =	ssyncadd.s32 $0xFFFFC000  }
0x9d: {  	_ =	swait.ge @!p0 [sflag:s5], $0x4000  }
0x9e: {  	[sflag:s5] =	ssyncset.done @!p0 $0x0  }
0x9f: {  	[sflag:s5] =	ssyncadd.s32 @!p0 $0xFFFFC000  }
0xa0: {  	v31 =	vld [tilespmem:$0x18400]  }
0xa1: {  	v32 =	vld [tilespmem:$0x18480]  }
0xa2: {  	v29 =	vld [tilespmem:$0x18410]  }
0xa3: {  	v30 =	vld [tilespmem:$0x18490]  }
0xa4: {  	v27 =	vld [tilespmem:$0x18420]  }
0xa5: {  	v28 =	vld [tilespmem:$0x184A0]  }
0xa6: {  	v25 =	vld [tilespmem:$0x18430]  }
0xa7: {  	v26 =	vld [tilespmem:$0x184B0]  }
0xa8: {  	v23 =	vld [tilespmem:$0x18440]  }
0xa9: {  	v24 =	vld [tilespmem:$0x184C0]  }
0xaa: {  	v21 =	vld [tilespmem:$0x18450]  }
0xab: {  	v22 =	vld [tilespmem:$0x184D0]  }
0xac: {  	v19 =	vld [tilespmem:$0x18460]  }
0xad: {  	v20 =	vld [tilespmem:$0x184E0]  }
0xae: {  	v17 =	vld [tilespmem:$0x18470]  }
0xaf: {  	v18 =	vld [tilespmem:$0x184F0]  }
0xb0: {  	v15 =	vld [tilespmem:$0x18500]  }
0xb1: {  	v16 =	vld [tilespmem:$0x18580]  }
0xb2: {  	v13 =	vld [tilespmem:$0x18510]  }
0xb3: {  	v14 =	vld [tilespmem:$0x18590]  }
0xb4: {  	v11 =	vld [tilespmem:$0x18520]  }
0xb5: {  	v12 =	vld [tilespmem:$0x185A0]  }
0xb6: {  	v9 =	vld [tilespmem:$0x18530]  }
0xb7: {  	v10 =	vld [tilespmem:$0x185B0]  }
0xb8: {  	v8 =	vld [tilespmem:$0x18540]  }
0xb9: {  	v7 =	vld [tilespmem:$0x185C0]  }
0xba: {  	v5 =	vld [tilespmem:$0x18550]  }
0xbb: {  	v6 =	vld [tilespmem:$0x185D0]  }
0xbc: {  	v3 =	vld [tilespmem:$0x18560]  }
0xbd: {  	s10 =	simm.s32 $0x0;
	v4 =	vld [tilespmem:$0x185E0]  }
0xbe: {  	s11 =	sand.u32 $0x3000, s10;
	s5 =	sand.u32 $0x380, s10;
	v33 =	vld [tilespmem:$0x18570]  }
0xbf: {  	v34 =	vld [tilespmem:$0x185F0];
	s11 =	sor.u32 s5, s11  }
0xc0: {  	v35 =	vld [tilespmem:s11+$0x870]  }
0xc1: {  	v36 =	vld [tilespmem:s11+$0x4870]  }
0xc2: {  	v37 =	vld [tilespmem:s11+$0x400]  }
0xc3: {  	v38 =	vld [tilespmem:s11+$0x4400]  }
0xc4: {  	v39 =	vld [tilespmem:s11+$0x410]  }
0xc5: {  	v40 =	vld [tilespmem:s11+$0x4410]  }
0xc6: {  	v41 =	vld [tilespmem:s11+$0x420]  }
0xc7: {  	v42 =	vld [tilespmem:s11+$0x4420]  }
0xc8: {  	v43 =	vld [tilespmem:s11+$0x430]  }
0xc9: {  	v63 =	vld [tilespmem:s11+$0x4430]  }
0xca: {  	v44 =	vld [tilespmem:s11+$0x440]  }
0xcb: {  	v47 =	vld [tilespmem:s11+$0x4440]  }
0xcc: {  	v49 =	vld [tilespmem:s11+$0x450]  }
0xcd: {  	v52 =	vld [tilespmem:s11+$0x4450];
	v35 =	vmul.f32 v35, v33;
	v36 =	vmul.f32 v36, v34  }
0xce: {  	v53 =	vld [tilespmem:s11+$0x460]  }
0xcf: {  	v55 =	vld [tilespmem:s11+$0x4460];
	v37 =	vmul.f32 v37, v31;
	v38 =	vmul.f32 v38, v32;
	v35 =	vadd.f32 v36, v35  }
0xd0: {  	v56 =	vld [tilespmem:s11+$0x470];
	v50 =	vmul.f32 v41, v27;
	v51 =	vmul.f32 v42, v28  }
0xd1: {  	v58 =	vld [tilespmem:s11+$0x4470];
	v39 =	vmul.f32 v39, v29;
	v40 =	vmul.f32 v40, v30;
	v35 =	vmax.f32 v35, $0.0e+00  }
0xd2: {  	v59 =	vld [tilespmem:s11+$0x800];
	v54 =	vmul.f32 v43, v25;
	v36 =	vmul.f32 v63, v26;
	[tilespmem:s11+$0x10870] =	vst v35;
	v35 =	vadd.f32 v51, v50  }
0xd3: {  	v62 =	vld [tilespmem:s11+$0x4800];
	v57 =	vmul.f32 v44, v23;
	v37 =	vadd.f32 v38, v37;
	v38 =	vmul.f32 v47, v24  }
0xd4: {  	v60 =	vmul.f32 v49, v21;
	v63 =	vld [tilespmem:s11+$0x810];
	v36 =	vadd.f32 v36, v54;
	v35 =	vmax.f32 v35, $0.0e+00  }
0xd5: {  	v61 =	vmul.f32 v52, v22;
	v48 =	vmax.f32 v37, $0.0e+00;
	v50 =	vld [tilespmem:s11+$0x4810];
	[tilespmem:s11+$0x10420] =	vst v35;
	v35 =	vadd.f32 v38, v57  }
0xd6: {  	v49 =	vmul.f32 v55, v20;
	[tilespmem:s11+$0x10400] =	vst v48;
	v48 =	vmul.f32 v53, v19;
	v36 =	vmax.f32 v36, $0.0e+00  }
0xd7: {  	v52 =	vmul.f32 v56, v17;
	v54 =	vld [tilespmem:s11+$0x4820];
	[tilespmem:s11+$0x10430] =	vst v36;
	v36 =	vadd.f32 v61, v60;
	v35 =	vmax.f32 v35, $0.0e+00  }
0xd8: {  	v56 =	vmul.f32 v59, v15;
	v39 =	vadd.f32 v40, v39;
	v51 =	vld [tilespmem:s11+$0x820];
	[tilespmem:s11+$0x10440] =	vst v35;
	v35 =	vadd.f32 v49, v48  }
0xd9: {  	v55 =	vld [tilespmem:s11+$0x830];
	v53 =	vmul.f32 v58, v18;
	v57 =	vmul.f32 v62, v16;
	v36 =	vmax.f32 v36, $0.0e+00  }
0xda: {  	v58 =	vld [tilespmem:s11+$0x4830];
	v59 =	vmul.f32 v63, v13;
	[tilespmem:s11+$0x10450] =	vst v36;
	v60 =	vmul.f32 v50, v14;
	v35 =	vmax.f32 v35, $0.0e+00  }
0xdb: {  	v45 =	vld [tilespmem:s11+$0x840];
	v39 =	vmax.f32 v39, $0.0e+00;
	v36 =	vadd.f32 v53, v52;
	[tilespmem:s11+$0x10460] =	vst v35;
	v35 =	vadd.f32 v57, v56  }
0xdc: {  	v37 =	vld [tilespmem:s11+$0x4840];
	[tilespmem:s11+$0x10410] =	vst v39;
	v39 =	vmul.f32 v54, v12;
	v38 =	vadd.f32 v60, v59  }
0xdd: {  	v62 =	vmul.f32 v51, v11;
	v36 =	vmax.f32 v36, $0.0e+00;
	v61 =	vmax.f32 v35, $0.0e+00;
	v35 =	vld [tilespmem:s11+$0x850]  }
0xde: {  	s12 =	simm.s32 $0x200;
	s10 =	simm.s32 $0x80;
	[tilespmem:s11+$0x10470] =	vst v36;
	v36 =	vld [tilespmem:s11+$0x4850];
	v63 =	vmax.f32 v38, $0.0e+00  }
0xdf: {  	s14 =	sand.u32 $0x3000, s12;
	s12 =	sand.u32 $0x380, s10;
	v41 =	vmul.f32 v55, v9;
	v43 =	vmul.f32 v58, v10;
	v39 =	vadd.f32 v39, v62;
	v38 =	vld [tilespmem:s11+$0x860];
	[tilespmem:s11+$0x10810] =	vst v63  }
0xe0: {  	s5 =	sshll.u32 s2, $0x1;
	s6 =	sor.u32 s12, s14;
	s12 =	simm.s32 $0x400;
	v42 =	vmul.f32 v45, v8;
	v40 =	vld [tilespmem:s11+$0x4860];
	[tilespmem:s11+$0x10800] =	vst v61  }
.LBB2_3:
0xe1: {  	p1 =	sne.s32 s12, $0x3E00;
	v44 =	vld [tilespmem:s6+$0x870];
	v39 =	vmax.f32 v39, $0.0e+00;
	v41 =	vadd.f32 v43, v41;
	v37 =	vmul.f32 v37, v7  }
0xe2: {  	v43 =	vld [tilespmem:s6+$0x4870];
	[tilespmem:s11+$0x10820] =	vst v39;
	v35 =	vmul.f32 v35, v5  }
0xe3: {  	v39 =	vld [tilespmem:s6+$0x400];
	v41 =	vmax.f32 v41, $0.0e+00;
	v37 =	vadd.f32 v37, v42;
	v36 =	vmul.f32 v36, v6  }
0xe4: {  	v42 =	vld [tilespmem:s6+$0x4400];
	[tilespmem:s11+$0x10830] =	vst v41;
	v38 =	vmul.f32 v38, v3  }
0xe5: {  	v41 =	vld [tilespmem:s6+$0x410];
	v37 =	vmax.f32 v37, $0.0e+00;
	v35 =	vadd.f32 v36, v35;
	v36 =	vmul.f32 v40, v4  }
0xe6: {  	v40 =	vld [tilespmem:s6+$0x4410];
	[tilespmem:s11+$0x10840] =	vst v37  }
0xe7: {  	v44 =	vmul.f32 v44, v33;
	v37 =	vld [tilespmem:s6+$0x420];
	v43 =	vmul.f32 v43, v34;
	v36 =	vadd.f32 v36, v38  }
0xe8: {  	v35 =	vmax.f32 v35, $0.0e+00;
	v38 =	vmul.f32 v39, v31;
	v39 =	vld [tilespmem:s6+$0x4420]  }
0xe9: {  	v42 =	vmul.f32 v42, v32;
	v45 =	vld [tilespmem:s6+$0x430];
	v43 =	vadd.f32 v43, v44;
	[tilespmem:s11+$0x10850] =	vst v35;
	v35 =	vmax.f32 v36, $0.0e+00  }
0xea: {  	v36 =	vmul.f32 v41, v29;
	v41 =	vld [tilespmem:s6+$0x4430];
	[tilespmem:s11+$0x10860] =	vst v35;
	s11 =	smov.u32 s6  }
0xeb: {  	v35 =	vadd.f32 v42, v38;
	v38 =	vmul.f32 v40, v30;
	v40 =	vld [tilespmem:s11+$0x440];
	v42 =	vmax.f32 v43, $0.0e+00  }
0xec: {  	v37 =	vmul.f32 v37, v27;
	v43 =	vld [tilespmem:s11+$0x4440];
	[tilespmem:s11+$0x10870] =	vst v42  }
0xed: {  	v35 =	vmax.f32 v35, $0.0e+00;
	v36 =	vadd.f32 v38, v36;
	v38 =	vmul.f32 v39, v28;
	v39 =	vld [tilespmem:s11+$0x450]  }
0xee: {  	[tilespmem:s11+$0x10400] =	vst v35;
	v35 =	vmul.f32 v45, v25;
	v42 =	vld [tilespmem:s11+$0x4450]  }
0xef: {  	v36 =	vmax.f32 v36, $0.0e+00;
	v37 =	vadd.f32 v38, v37;
	v38 =	vmul.f32 v41, v26;
	v41 =	vld [tilespmem:s11+$0x460]  }
0xf0: {  	[tilespmem:s11+$0x10410] =	vst v36;
	v36 =	vmul.f32 v40, v23;
	v40 =	vld [tilespmem:s11+$0x4460]  }
0xf1: {  	v37 =	vmax.f32 v37, $0.0e+00;
	v35 =	vadd.f32 v38, v35;
	v38 =	vmul.f32 v43, v24;
	v43 =	vld [tilespmem:s11+$0x470]  }
0xf2: {  	[tilespmem:s11+$0x10420] =	vst v37;
	v37 =	vmul.f32 v39, v21;
	v39 =	vld [tilespmem:s11+$0x4470]  }
0xf3: {  	v35 =	vmax.f32 v35, $0.0e+00;
	v36 =	vadd.f32 v38, v36;
	v38 =	vmul.f32 v42, v22;
	v42 =	vld [tilespmem:s11+$0x800]  }
0xf4: {  	[tilespmem:s11+$0x10430] =	vst v35;
	v35 =	vmul.f32 v41, v19;
	v41 =	vld [tilespmem:s11+$0x4800]  }
0xf5: {  	v36 =	vmax.f32 v36, $0.0e+00;
	v37 =	vadd.f32 v38, v37;
	v38 =	vmul.f32 v40, v20;
	v40 =	vld [tilespmem:s11+$0x810]  }
0xf6: {  	[tilespmem:s11+$0x10440] =	vst v36;
	v36 =	vmul.f32 v43, v17;
	v43 =	vld [tilespmem:s11+$0x4810]  }
0xf7: {  	v37 =	vmax.f32 v37, $0.0e+00;
	v35 =	vadd.f32 v38, v35;
	v38 =	vmul.f32 v39, v18;
	v39 =	vld [tilespmem:s11+$0x820]  }
0xf8: {  	[tilespmem:s11+$0x10450] =	vst v37;
	v37 =	vmul.f32 v42, v15;
	v42 =	vld [tilespmem:s11+$0x4820]  }
0xf9: {  	v35 =	vmax.f32 v35, $0.0e+00;
	v36 =	vadd.f32 v38, v36;
	v38 =	vmul.f32 v41, v16;
	v41 =	vld [tilespmem:s11+$0x830]  }
0xfa: {  	[tilespmem:s11+$0x10460] =	vst v35;
	v35 =	vmul.f32 v40, v13;
	v40 =	vld [tilespmem:s11+$0x4830]  }
0xfb: {  	v36 =	vmax.f32 v36, $0.0e+00;
	v38 =	vadd.f32 v38, v37;
	v43 =	vmul.f32 v43, v14;
	v44 =	vld [tilespmem:s11+$0x840]  }
.Ltmp0:
0xfc: {  	[tilespmem:s11+$0x10470] =	vst v36;
	v39 =	vmul.f32 v39, v11;
	v37 =	vld [tilespmem:s11+$0x4840];
	(pc) =	sbr.rel @p1 .LBB2_3-.Ltmp0, $4  }
0xfd: {  	v36 =	vmax.f32 v38, $0.0e+00;
	v38 =	vadd.f32 v43, v35;
	v42 =	vmul.f32 v42, v12;
	v35 =	vld [tilespmem:s11+$0x850]  }
0xfe: {  	s10 =	sadd.s32 $0x80, s10;
	[tilespmem:s11+$0x10800] =	vst v36;
	v41 =	vmul.f32 v41, v9;
	v36 =	vld [tilespmem:s11+$0x4850]  }
0xff: {  	s14 =	sand.u32 $0x380, s10;
	s6 =	sand.u32 $0x3000, s12;
	v45 =	vmax.f32 v38, $0.0e+00;
	v39 =	vadd.f32 v42, v39;
	v43 =	vmul.f32 v40, v10;
	v38 =	vld [tilespmem:s11+$0x860]  }
0x100: {  	s12 =	sadd.s32 $0x200, s12;
	s6 =	sor.u32 s14, s6;
	[tilespmem:s11+$0x10810] =	vst v45;
	v42 =	vmul.f32 v44, v8;
	v40 =	vld [tilespmem:s11+$0x4860]  }
0x101: {  	v46 =	vld [tilespmem:s6+$0x400]  }
0x102: {  	v47 =	vld [tilespmem:s6+$0x4400]  }
0x103: {  	v48 =	vld [tilespmem:s6+$0x410]  }
0x104: {  	v49 =	vld [tilespmem:s6+$0x4410]  }
0x105: {  	v50 =	vld [tilespmem:s6+$0x420]  }
0x106: {  	v60 =	vld [tilespmem:s6+$0x4420]  }
0x107: {  	v61 =	vld [tilespmem:s6+$0x430]  }
0x108: {  	v62 =	vld [tilespmem:s6+$0x4430]  }
0x109: {  	v63 =	vld [tilespmem:s6+$0x440]  }
0x10a: {  	v51 =	vld [tilespmem:s6+$0x4440];
	v31 =	vmul.f32 v46, v31  }
0x10b: {  	v44 =	vld [tilespmem:s6+$0x870];
	v32 =	vmul.f32 v47, v32;
	v29 =	vmul.f32 v48, v29  }
0x10c: {  	v45 =	vld [tilespmem:s6+$0x4870];
	v30 =	vmul.f32 v49, v30;
	v27 =	vmul.f32 v50, v27  }
0x10d: {  	v52 =	vld [tilespmem:s6+$0x450];
	v28 =	vmul.f32 v60, v28;
	v25 =	vmul.f32 v61, v25  }
0x10e: {  	v26 =	vmul.f32 v62, v26;
	v23 =	vmul.f32 v63, v23;
	v29 =	vadd.f32 v30, v29;
	v30 =	vld [tilespmem:s6+$0x4450]  }
0x10f: {  	v24 =	vmul.f32 v51, v24;
	v31 =	vadd.f32 v32, v31;
	v27 =	vadd.f32 v28, v27;
	v28 =	vld [tilespmem:s6+$0x4460]  }
0x110: {  	v25 =	vadd.f32 v26, v25;
	v26 =	vld [tilespmem:s6+$0x4470]  }
0x111: {  	v23 =	vadd.f32 v24, v23;
	v24 =	vld [tilespmem:s6+$0x4800];
	v31 =	vmax.f32 v31, $0.0e+00  }
0x112: {  	v29 =	vmax.f32 v29, $0.0e+00;
	[tilespmem:s6+$0x10400] =	vst v31;
	v31 =	vld [tilespmem:s6+$0x460]  }
0x113: {  	v27 =	vmax.f32 v27, $0.0e+00;
	[tilespmem:s6+$0x10410] =	vst v29;
	v29 =	vld [tilespmem:s6+$0x470]  }
0x114: {  	v33 =	vmul.f32 v44, v33;
	v34 =	vmul.f32 v45, v34;
	v23 =	vmax.f32 v23, $0.0e+00;
	[tilespmem:s6+$0x10420] =	vst v27;
	v27 =	vld [tilespmem:s6+$0x800]  }
0x115: {  	v21 =	vmul.f32 v52, v21;
	v25 =	vmax.f32 v25, $0.0e+00;
	[tilespmem:s6+$0x10440] =	vst v23;
	v23 =	vld [tilespmem:s6+$0x820];
	v22 =	vmul.f32 v30, v22  }
0x116: {  	v33 =	vadd.f32 v34, v33;
	[tilespmem:s6+$0x10430] =	vst v25;
	v25 =	vld [tilespmem:s6+$0x810]  }
0x117: {  	v20 =	vmul.f32 v28, v20;
	v18 =	vmul.f32 v26, v18;
	v21 =	vadd.f32 v22, v21;
	v22 =	vld [tilespmem:s6+$0x4810]  }
0x118: {  	v16 =	vmul.f32 v24, v16;
	v26 =	vmul.f32 v38, v3;
	v28 =	vld [tilespmem:s6+$0x860]  }
0x119: {  	v47 =	vmax.f32 v33, $0.0e+00;
	v19 =	vmul.f32 v31, v19;
	v17 =	vmul.f32 v29, v17  }
0x11a: {  	v24 =	vadd.f32 v43, v41;
	v15 =	vmul.f32 v27, v15;
	v11 =	vmul.f32 v23, v11;
	v23 =	vld [tilespmem:s6+$0x4860]  }
0x11b: {  	v13 =	vmul.f32 v25, v13;
	v25 =	vld [tilespmem:s6+$0x4850];
	v27 =	vmul.f32 v40, v4;
	v17 =	vadd.f32 v18, v17  }
0x11c: {  	[tilespmem:s6+$0x10870] =	vst v47;
	v21 =	vmax.f32 v21, $0.0e+00;
	v19 =	vadd.f32 v20, v19;
	v20 =	vld [tilespmem:s6+$0x4820];
	v14 =	vmul.f32 v22, v14  }
0x11d: {  	[tilespmem:s6+$0x10450] =	vst v21;
	v21 =	vld [tilespmem:s6+$0x830];
	v15 =	vadd.f32 v16, v15;
	v3 =	vmul.f32 v28, v3;
	v17 =	vmax.f32 v17, $0.0e+00  }
0x11e: {  	v18 =	vld [tilespmem:s6+$0x4830];
	v19 =	vmax.f32 v19, $0.0e+00;
	[tilespmem:s6+$0x10470] =	vst v17;
	v17 =	vmul.f32 v37, v7;
	v13 =	vadd.f32 v14, v13  }
0x11f: {  	v16 =	vld [tilespmem:s6+$0x4840];
	v15 =	vmax.f32 v15, $0.0e+00;
	[tilespmem:s6+$0x10460] =	vst v19;
	v4 =	vmul.f32 v23, v4;
	v14 =	vmul.f32 v35, v5  }
0x120: {  	v22 =	vld [tilespmem:s6+$0x850];
	[tilespmem:s6+$0x10800] =	vst v15;
	v15 =	vadd.f32 v17, v42;
	v17 =	vmul.f32 v36, v6;
	v13 =	vmax.f32 v13, $0.0e+00  }
0x121: {  	v19 =	vld [tilespmem:s6+$0x840];
	v12 =	vmul.f32 v20, v12;
	v20 =	vadd.f32 v27, v26;
	[tilespmem:s6+$0x10810] =	vst v13;
	v13 =	vmax.f32 v39, $0.0e+00  }
0x122: {  	v3 =	vadd.f32 v4, v3;
	v14 =	vadd.f32 v17, v14;
	v17 =	vmax.f32 v24, $0.0e+00;
	[tilespmem:s11+$0x10820] =	vst v13  }
0x123: {  	v9 =	vmul.f32 v21, v9;
	v11 =	vadd.f32 v12, v11;
	v12 =	vmax.f32 v20, $0.0e+00;
	[tilespmem:s11+$0x10830] =	vst v17  }
0x124: {  	v10 =	vmul.f32 v18, v10;
	v7 =	vmul.f32 v16, v7;
	v3 =	vmax.f32 v3, $0.0e+00;
	[tilespmem:s11+$0x10860] =	vst v12  }
0x125: {  	v6 =	vmul.f32 v25, v6;
	v5 =	vmul.f32 v22, v5;
	v13 =	vmax.f32 v15, $0.0e+00;
	[tilespmem:s6+$0x10860] =	vst v3  }
0x126: {  	v9 =	vadd.f32 v10, v9;
	v8 =	vmul.f32 v19, v8;
	v14 =	vmax.f32 v14, $0.0e+00;
	[tilespmem:s11+$0x10840] =	vst v13  }
0x127: {  	v11 =	vmax.f32 v11, $0.0e+00;
	v5 =	vadd.f32 v6, v5;
	[tilespmem:s11+$0x10850] =	vst v14  }
0x128: {  	v7 =	vadd.f32 v7, v8;
	[tilespmem:s6+$0x10820] =	vst v11;
	v8 =	vmax.f32 v9, $0.0e+00  }
0x129: {  	[tilespmem:s6+$0x10830] =	vst v8;
	v4 =	vmax.f32 v5, $0.0e+00  }
0x12a: {  	v6 =	vmax.f32 v7, $0.0e+00;
	[tilespmem:s6+$0x10850] =	vst v4  }
0x12b: {  	[tilespmem:s6+$0x10840] =	vst v6  }
0x12c: {  	v31 =	vld [tilespmem:$0x18600]  }
0x12d: {  	v32 =	vld [tilespmem:$0x18680]  }
0x12e: {  	v29 =	vld [tilespmem:$0x18610]  }
0x12f: {  	v30 =	vld [tilespmem:$0x18690]  }
0x130: {  	v27 =	vld [tilespmem:$0x18620]  }
0x131: {  	v28 =	vld [tilespmem:$0x186A0]  }
0x132: {  	v25 =	vld [tilespmem:$0x18630]  }
0x133: {  	v26 =	vld [tilespmem:$0x186B0]  }
0x134: {  	v23 =	vld [tilespmem:$0x18640]  }
0x135: {  	v24 =	vld [tilespmem:$0x186C0]  }
0x136: {  	v21 =	vld [tilespmem:$0x18650]  }
0x137: {  	v22 =	vld [tilespmem:$0x186D0]  }
0x138: {  	v19 =	vld [tilespmem:$0x18660]  }
0x139: {  	v20 =	vld [tilespmem:$0x186E0]  }
0x13a: {  	v17 =	vld [tilespmem:$0x18670]  }
0x13b: {  	v18 =	vld [tilespmem:$0x186F0]  }
0x13c: {  	v15 =	vld [tilespmem:$0x18700]  }
0x13d: {  	v16 =	vld [tilespmem:$0x18780]  }
0x13e: {  	v13 =	vld [tilespmem:$0x18710]  }
0x13f: {  	v14 =	vld [tilespmem:$0x18790]  }
0x140: {  	v11 =	vld [tilespmem:$0x18720]  }
0x141: {  	v12 =	vld [tilespmem:$0x187A0]  }
0x142: {  	v9 =	vld [tilespmem:$0x18730]  }
0x143: {  	v10 =	vld [tilespmem:$0x187B0]  }
0x144: {  	v8 =	vld [tilespmem:$0x18740]  }
0x145: {  	v7 =	vld [tilespmem:$0x187C0]  }
0x146: {  	v5 =	vld [tilespmem:$0x18750]  }
0x147: {  	v6 =	vld [tilespmem:$0x187D0]  }
0x148: {  	v3 =	vld [tilespmem:$0x18760]  }
0x149: {  	s12 =	simm.s32 $0x0;
	v4 =	vld [tilespmem:$0x187E0]  }
0x14a: {  	s10 =	sand.u32 $0x3000, s12;
	s6 =	sand.u32 $0x380, s12;
	v33 =	vld [tilespmem:$0x18770]  }
0x14b: {  	v34 =	vld [tilespmem:$0x187F0];
	s11 =	sor.u32 s6, s10  }
0x14c: {  	v53 =	vld [tilespmem:s11+$0x1070]  }
0x14d: {  	v54 =	vld [tilespmem:s11+$0x5070]  }
0x14e: {  	v55 =	vld [tilespmem:s11+$0xC00]  }
0x14f: {  	v56 =	vld [tilespmem:s11+$0x4C00]  }
0x150: {  	v57 =	vld [tilespmem:s11+$0xC10]  }
0x151: {  	v58 =	vld [tilespmem:s11+$0x4C10]  }
0x152: {  	v59 =	vld [tilespmem:s11+$0xC20]  }
0x153: {  	v60 =	vld [tilespmem:s11+$0x4C20]  }
0x154: {  	v61 =	vld [tilespmem:s11+$0xC30]  }
0x155: {  	v62 =	vld [tilespmem:s11+$0x4C30]  }
0x156: {  	v63 =	vld [tilespmem:s11+$0xC40]  }
0x157: {  	v47 =	vld [tilespmem:s11+$0x4C40]  }
0x158: {  	v49 =	vld [tilespmem:s11+$0xC50]  }
0x159: {  	v52 =	vld [tilespmem:s11+$0x4C50];
	v35 =	vmul.f32 v53, v33;
	v36 =	vmul.f32 v54, v34  }
0x15a: {  	v53 =	vld [tilespmem:s11+$0xC60]  }
0x15b: {  	v37 =	vmul.f32 v55, v31;
	v38 =	vmul.f32 v56, v32;
	v55 =	vld [tilespmem:s11+$0x4C60];
	v35 =	vadd.f32 v36, v35  }
0x15c: {  	v50 =	vmul.f32 v59, v27;
	v51 =	vmul.f32 v60, v28;
	v56 =	vld [tilespmem:s11+$0xC70]  }
0x15d: {  	v39 =	vmul.f32 v57, v29;
	v40 =	vmul.f32 v58, v30;
	v58 =	vld [tilespmem:s11+$0x4C70];
	v35 =	vmax.f32 v35, $0.0e+00  }
0x15e: {  	v54 =	vmul.f32 v61, v25;
	v59 =	vld [tilespmem:s11+$0x1000];
	v36 =	vmul.f32 v62, v26;
	[tilespmem:s11+$0x11070] =	vst v35;
	v35 =	vadd.f32 v51, v50  }
0x15f: {  	v57 =	vmul.f32 v63, v23;
	v63 =	vld [tilespmem:s11+$0x1010];
	v37 =	vadd.f32 v38, v37;
	v38 =	vmul.f32 v47, v24  }
0x160: {  	v60 =	vmul.f32 v49, v21;
	v62 =	vld [tilespmem:s11+$0x5000];
	v36 =	vadd.f32 v36, v54;
	v35 =	vmax.f32 v35, $0.0e+00  }
0x161: {  	v61 =	vmul.f32 v52, v22;
	v49 =	vld [tilespmem:s11+$0x5010];
	v48 =	vmax.f32 v37, $0.0e+00;
	[tilespmem:s11+$0x10C20] =	vst v35;
	v35 =	vadd.f32 v38, v57  }
0x162: {  	[tilespmem:s11+$0x10C00] =	vst v48;
	v47 =	vmul.f32 v53, v19;
	v48 =	vmul.f32 v55, v20;
	v36 =	vmax.f32 v36, $0.0e+00  }
0x163: {  	v39 =	vadd.f32 v40, v39;
	v50 =	vld [tilespmem:s11+$0x1020];
	[tilespmem:s11+$0x10C30] =	vst v36;
	v36 =	vadd.f32 v61, v60;
	v35 =	vmax.f32 v35, $0.0e+00  }
0x164: {  	v51 =	vmul.f32 v56, v17;
	v52 =	vmul.f32 v58, v18;
	v53 =	vld [tilespmem:s11+$0x5020];
	[tilespmem:s11+$0x10C40] =	vst v35;
	v35 =	vadd.f32 v48, v47  }
0x165: {  	v54 =	vld [tilespmem:s11+$0x1030];
	v55 =	vmul.f32 v59, v15;
	v56 =	vmul.f32 v62, v16;
	v36 =	vmax.f32 v36, $0.0e+00  }
0x166: {  	v59 =	vmul.f32 v63, v13;
	v60 =	vmul.f32 v49, v14;
	v57 =	vld [tilespmem:s11+$0x5030];
	[tilespmem:s11+$0x10C50] =	vst v36;
	v35 =	vmax.f32 v35, $0.0e+00  }
0x167: {  	v58 =	vld [tilespmem:s11+$0x1040];
	v36 =	vadd.f32 v52, v51;
	[tilespmem:s11+$0x10C60] =	vst v35;
	v35 =	vadd.f32 v56, v55  }
0x168: {  	v39 =	vmax.f32 v39, $0.0e+00;
	v37 =	vld [tilespmem:s11+$0x5040];
	v38 =	vadd.f32 v60, v59;
	v62 =	vmul.f32 v50, v11  }
0x169: {  	[tilespmem:s11+$0x10C10] =	vst v39;
	v39 =	vmul.f32 v53, v12;
	v36 =	vmax.f32 v36, $0.0e+00;
	v61 =	vmax.f32 v35, $0.0e+00;
	v35 =	vld [tilespmem:s11+$0x1050]  }
0x16a: {  	s14 =	simm.s32 $0x200;
	s10 =	simm.s32 $0x80;
	v63 =	vmax.f32 v38, $0.0e+00;
	[tilespmem:s11+$0x10C70] =	vst v36;
	v36 =	vld [tilespmem:s11+$0x5050]  }
0x16b: {  	s6 =	sand.u32 $0x3000, s14;
	s12 =	sand.u32 $0x380, s10;
	v41 =	vmul.f32 v54, v9;
	v38 =	vld [tilespmem:s11+$0x1060];
	[tilespmem:s11+$0x11010] =	vst v63;
	v39 =	vadd.f32 v39, v62;
	v43 =	vmul.f32 v57, v10  }
0x16c: {  	s6 =	sor.u32 s12, s6;
	s12 =	simm.s32 $0x400;
	v40 =	vld [tilespmem:s11+$0x5060];
	v42 =	vmul.f32 v58, v8;
	[tilespmem:s11+$0x11000] =	vst v61  }
.LBB2_5:
0x16d: {  	p1 =	sne.s32 s12, $0x3E00;
	v44 =	vld [tilespmem:s6+$0x1070];
	v39 =	vmax.f32 v39, $0.0e+00;
	v41 =	vadd.f32 v43, v41;
	v37 =	vmul.f32 v37, v7  }
0x16e: {  	v43 =	vld [tilespmem:s6+$0x5070];
	[tilespmem:s11+$0x11020] =	vst v39;
	v35 =	vmul.f32 v35, v5  }
0x16f: {  	v39 =	vld [tilespmem:s6+$0xC00];
	v41 =	vmax.f32 v41, $0.0e+00;
	v37 =	vadd.f32 v37, v42;
	v36 =	vmul.f32 v36, v6  }
0x170: {  	v42 =	vld [tilespmem:s6+$0x4C00];
	[tilespmem:s11+$0x11030] =	vst v41;
	v38 =	vmul.f32 v38, v3  }
0x171: {  	v41 =	vld [tilespmem:s6+$0xC10];
	v37 =	vmax.f32 v37, $0.0e+00;
	v35 =	vadd.f32 v36, v35;
	v36 =	vmul.f32 v40, v4  }
0x172: {  	v40 =	vld [tilespmem:s6+$0x4C10];
	[tilespmem:s11+$0x11040] =	vst v37  }
0x173: {  	v44 =	vmul.f32 v44, v33;
	v37 =	vld [tilespmem:s6+$0xC20];
	v43 =	vmul.f32 v43, v34;
	v36 =	vadd.f32 v36, v38  }
0x174: {  	v35 =	vmax.f32 v35, $0.0e+00;
	v38 =	vmul.f32 v39, v31;
	v39 =	vld [tilespmem:s6+$0x4C20]  }
0x175: {  	v42 =	vmul.f32 v42, v32;
	v45 =	vld [tilespmem:s6+$0xC30];
	v43 =	vadd.f32 v43, v44;
	[tilespmem:s11+$0x11050] =	vst v35;
	v35 =	vmax.f32 v36, $0.0e+00  }
0x176: {  	v36 =	vmul.f32 v41, v29;
	v41 =	vld [tilespmem:s6+$0x4C30];
	[tilespmem:s11+$0x11060] =	vst v35;
	s11 =	smov.u32 s6  }
0x177: {  	v35 =	vadd.f32 v42, v38;
	v38 =	vmul.f32 v40, v30;
	v40 =	vld [tilespmem:s11+$0xC40];
	v42 =	vmax.f32 v43, $0.0e+00  }
0x178: {  	v37 =	vmul.f32 v37, v27;
	v43 =	vld [tilespmem:s11+$0x4C40];
	[tilespmem:s11+$0x11070] =	vst v42  }
0x179: {  	v35 =	vmax.f32 v35, $0.0e+00;
	v36 =	vadd.f32 v38, v36;
	v38 =	vmul.f32 v39, v28;
	v39 =	vld [tilespmem:s11+$0xC50]  }
0x17a: {  	[tilespmem:s11+$0x10C00] =	vst v35;
	v35 =	vmul.f32 v45, v25;
	v42 =	vld [tilespmem:s11+$0x4C50]  }
0x17b: {  	v36 =	vmax.f32 v36, $0.0e+00;
	v37 =	vadd.f32 v38, v37;
	v38 =	vmul.f32 v41, v26;
	v41 =	vld [tilespmem:s11+$0xC60]  }
0x17c: {  	[tilespmem:s11+$0x10C10] =	vst v36;
	v36 =	vmul.f32 v40, v23;
	v40 =	vld [tilespmem:s11+$0x4C60]  }
0x17d: {  	v37 =	vmax.f32 v37, $0.0e+00;
	v35 =	vadd.f32 v38, v35;
	v38 =	vmul.f32 v43, v24;
	v43 =	vld [tilespmem:s11+$0xC70]  }
0x17e: {  	[tilespmem:s11+$0x10C20] =	vst v37;
	v37 =	vmul.f32 v39, v21;
	v39 =	vld [tilespmem:s11+$0x4C70]  }
0x17f: {  	v35 =	vmax.f32 v35, $0.0e+00;
	v36 =	vadd.f32 v38, v36;
	v38 =	vmul.f32 v42, v22;
	v42 =	vld [tilespmem:s11+$0x1000]  }
0x180: {  	[tilespmem:s11+$0x10C30] =	vst v35;
	v35 =	vmul.f32 v41, v19;
	v41 =	vld [tilespmem:s11+$0x5000]  }
0x181: {  	v36 =	vmax.f32 v36, $0.0e+00;
	v37 =	vadd.f32 v38, v37;
	v38 =	vmul.f32 v40, v20;
	v40 =	vld [tilespmem:s11+$0x1010]  }
0x182: {  	[tilespmem:s11+$0x10C40] =	vst v36;
	v36 =	vmul.f32 v43, v17;
	v43 =	vld [tilespmem:s11+$0x5010]  }
0x183: {  	v37 =	vmax.f32 v37, $0.0e+00;
	v35 =	vadd.f32 v38, v35;
	v38 =	vmul.f32 v39, v18;
	v39 =	vld [tilespmem:s11+$0x1020]  }
0x184: {  	[tilespmem:s11+$0x10C50] =	vst v37;
	v37 =	vmul.f32 v42, v15;
	v42 =	vld [tilespmem:s11+$0x5020]  }
0x185: {  	v35 =	vmax.f32 v35, $0.0e+00;
	v36 =	vadd.f32 v38, v36;
	v38 =	vmul.f32 v41, v16;
	v41 =	vld [tilespmem:s11+$0x1030]  }
0x186: {  	[tilespmem:s11+$0x10C60] =	vst v35;
	v35 =	vmul.f32 v40, v13;
	v40 =	vld [tilespmem:s11+$0x5030]  }
0x187: {  	v36 =	vmax.f32 v36, $0.0e+00;
	v38 =	vadd.f32 v38, v37;
	v43 =	vmul.f32 v43, v14;
	v44 =	vld [tilespmem:s11+$0x1040]  }
.Ltmp1:
0x188: {  	[tilespmem:s11+$0x10C70] =	vst v36;
	v39 =	vmul.f32 v39, v11;
	v37 =	vld [tilespmem:s11+$0x5040];
	(pc) =	sbr.rel @p1 .LBB2_5-.Ltmp1, $4  }
0x189: {  	v36 =	vmax.f32 v38, $0.0e+00;
	v38 =	vadd.f32 v43, v35;
	v42 =	vmul.f32 v42, v12;
	v35 =	vld [tilespmem:s11+$0x1050]  }
0x18a: {  	s10 =	sadd.s32 $0x80, s10;
	[tilespmem:s11+$0x11000] =	vst v36;
	v41 =	vmul.f32 v41, v9;
	v36 =	vld [tilespmem:s11+$0x5050]  }
0x18b: {  	s14 =	sand.u32 $0x380, s10;
	s6 =	sand.u32 $0x3000, s12;
	v45 =	vmax.f32 v38, $0.0e+00;
	v39 =	vadd.f32 v42, v39;
	v43 =	vmul.f32 v40, v10;
	v38 =	vld [tilespmem:s11+$0x1060]  }
0x18c: {  	s12 =	sadd.s32 $0x200, s12;
	s6 =	sor.u32 s14, s6;
	[tilespmem:s11+$0x11010] =	vst v45;
	v42 =	vmul.f32 v44, v8;
	v40 =	vld [tilespmem:s11+$0x5060]  }
0x18d: {  	v44 =	vld [tilespmem:s6+$0x1070]  }
0x18e: {  	v45 =	vld [tilespmem:s6+$0x5070]  }
0x18f: {  	v46 =	vld [tilespmem:s6+$0xC00]  }
0x190: {  	v47 =	vld [tilespmem:s6+$0x4C00]  }
0x191: {  	v48 =	vld [tilespmem:s6+$0xC10]  }
0x192: {  	v49 =	vld [tilespmem:s6+$0x4C10]  }
0x193: {  	v50 =	vld [tilespmem:s6+$0xC20]  }
0x194: {  	v59 =	vld [tilespmem:s6+$0x4C20]  }
0x195: {  	v60 =	vld [tilespmem:s6+$0xC30]  }
0x196: {  	v61 =	vld [tilespmem:s6+$0x4C30]  }
0x197: {  	v62 =	vld [tilespmem:s6+$0xC40]  }
0x198: {  	v51 =	vld [tilespmem:s6+$0x4C50]  }
0x199: {  	v52 =	vld [tilespmem:s6+$0xC60]  }
0x19a: {  	v53 =	vld [tilespmem:s6+$0x4C60]  }
0x19b: {  	v54 =	vld [tilespmem:s6+$0xC70];
	v33 =	vmul.f32 v44, v33;
	v34 =	vmul.f32 v45, v34  }
0x19c: {  	v55 =	vld [tilespmem:s6+$0x4C70];
	v31 =	vmul.f32 v46, v31;
	v32 =	vmul.f32 v47, v32  }
0x19d: {  	v56 =	vld [tilespmem:s6+$0x1000];
	v29 =	vmul.f32 v48, v29;
	v30 =	vmul.f32 v49, v30  }
0x19e: {  	v57 =	vld [tilespmem:s6+$0x5000];
	v27 =	vmul.f32 v50, v27;
	v28 =	vmul.f32 v59, v28  }
0x19f: {  	v58 =	vld [tilespmem:s6+$0x1010];
	v25 =	vmul.f32 v60, v25;
	v26 =	vmul.f32 v61, v26  }
0x1a0: {  	v23 =	vmul.f32 v62, v23;
	v22 =	vmul.f32 v51, v22  }
0x1a1: {  	v19 =	vmul.f32 v52, v19;
	v20 =	vmul.f32 v53, v20  }
0x1a2: {  	v17 =	vmul.f32 v54, v17;
	v18 =	vmul.f32 v55, v18  }
0x1a3: {  	v15 =	vmul.f32 v56, v15;
	v16 =	vmul.f32 v57, v16  }
0x1a4: {  	v43 =	vadd.f32 v43, v41;
	v47 =	vld [tilespmem:s6+$0x4C40];
	v13 =	vmul.f32 v58, v13;
	v44 =	vmul.f32 v35, v5  }
0x1a5: {  	v49 =	vld [tilespmem:s6+$0xC50];
	v46 =	vmul.f32 v36, v6;
	v51 =	vmax.f32 v39, $0.0e+00;
	v33 =	vadd.f32 v34, v33  }
0x1a6: {  	v59 =	vld [tilespmem:s6+$0x5010];
	v48 =	vmul.f32 v38, v3;
	v52 =	vmax.f32 v43, $0.0e+00;
	[tilespmem:s11+$0x11020] =	vst v51;
	v31 =	vadd.f32 v32, v31  }
0x1a7: {  	v60 =	vld [tilespmem:s6+$0x1020];
	[tilespmem:s11+$0x11030] =	vst v52;
	v29 =	vadd.f32 v30, v29;
	v27 =	vadd.f32 v28, v27;
	v63 =	vmax.f32 v33, $0.0e+00  }
0x1a8: {  	v61 =	vld [tilespmem:s6+$0x5020];
	v25 =	vadd.f32 v26, v25;
	v19 =	vadd.f32 v20, v19;
	v31 =	vmax.f32 v31, $0.0e+00;
	[tilespmem:s6+$0x11070] =	vst v63  }
0x1a9: {  	v62 =	vld [tilespmem:s6+$0x1030];
	v17 =	vadd.f32 v18, v17;
	v15 =	vadd.f32 v16, v15;
	v29 =	vmax.f32 v29, $0.0e+00;
	[tilespmem:s6+$0x10C00] =	vst v31  }
0x1aa: {  	v50 =	vld [tilespmem:s6+$0x1060];
	v34 =	vmul.f32 v37, v7;
	v27 =	vmax.f32 v27, $0.0e+00;
	v25 =	vmax.f32 v25, $0.0e+00;
	[tilespmem:s6+$0x10C10] =	vst v29  }
0x1ab: {  	v54 =	vld [tilespmem:s6+$0x5060];
	v19 =	vmax.f32 v19, $0.0e+00;
	v17 =	vmax.f32 v17, $0.0e+00;
	[tilespmem:s6+$0x10C20] =	vst v27;
	v24 =	vmul.f32 v47, v24  }
0x1ac: {  	v32 =	vld [tilespmem:s6+$0x1040];
	v15 =	vmax.f32 v15, $0.0e+00;
	[tilespmem:s6+$0x10C30] =	vst v25;
	v21 =	vmul.f32 v49, v21;
	v14 =	vmul.f32 v59, v14  }
0x1ad: {  	v37 =	vld [tilespmem:s6+$0x1050];
	v45 =	vadd.f32 v34, v42;
	[tilespmem:s6+$0x10C60] =	vst v19;
	v49 =	vmul.f32 v40, v4;
	v11 =	vmul.f32 v60, v11  }
0x1ae: {  	v33 =	vld [tilespmem:s6+$0x5040];
	[tilespmem:s6+$0x10C70] =	vst v17;
	v12 =	vmul.f32 v61, v12;
	v9 =	vmul.f32 v62, v9;
	v23 =	vadd.f32 v24, v23  }
0x1af: {  	v63 =	vld [tilespmem:s6+$0x5030];
	[tilespmem:s6+$0x11000] =	vst v15;
	v3 =	vmul.f32 v50, v3;
	v55 =	vmax.f32 v45, $0.0e+00;
	v21 =	vadd.f32 v22, v21  }
0x1b0: {  	v47 =	vld [tilespmem:s6+$0x5050];
	v60 =	vmul.f32 v54, v4;
	v13 =	vadd.f32 v14, v13;
	[tilespmem:s11+$0x11040] =	vst v55;
	v23 =	vmax.f32 v23, $0.0e+00  }
0x1b1: {  	v14 =	vadd.f32 v46, v44;
	v53 =	vadd.f32 v49, v48;
	v21 =	vmax.f32 v21, $0.0e+00;
	[tilespmem:s6+$0x10C40] =	vst v23  }
0x1b2: {  	v11 =	vadd.f32 v12, v11;
	v8 =	vmul.f32 v32, v8;
	v13 =	vmax.f32 v13, $0.0e+00;
	[tilespmem:s6+$0x10C50] =	vst v21  }
0x1b3: {  	v58 =	vmul.f32 v37, v5;
	v14 =	vmax.f32 v14, $0.0e+00;
	v57 =	vmul.f32 v33, v7;
	[tilespmem:s6+$0x11010] =	vst v13  }
0x1b4: {  	v3 =	vadd.f32 v60, v3;
	v56 =	vmax.f32 v53, $0.0e+00;
	v10 =	vmul.f32 v63, v10;
	[tilespmem:s11+$0x11050] =	vst v14  }
0x1b5: {  	v11 =	vmax.f32 v11, $0.0e+00;
	v59 =	vmul.f32 v47, v6;
	[tilespmem:s11+$0x11060] =	vst v56;
	v7 =	vadd.f32 v57, v8  }
0x1b6: {  	v3 =	vmax.f32 v3, $0.0e+00;
	[tilespmem:s6+$0x11020] =	vst v11;
	v9 =	vadd.f32 v10, v9  }
0x1b7: {  	[tilespmem:s6+$0x11060] =	vst v3;
	v5 =	vadd.f32 v59, v58;
	v62 =	vmax.f32 v7, $0.0e+00  }
0x1b8: {  	s10 =	sshll.u32 s2, $0xC;
	v61 =	vmax.f32 v9, $0.0e+00;
	[tilespmem:s6+$0x11040] =	vst v62  }
0x1b9: {  	s11 =	sadd.s32 s8, s10;
	s10 =	rddreg [dreg:$0x3];
	v63 =	vmax.f32 v5, $0.0e+00;
	[tilespmem:s6+$0x11030] =	vst v61  }
0x1ba: {  	s12 =	simm.s32 $0x10400;
	[tilespmem:s6+$0x11050] =	vst v63;
	s6 =	sadd.s32 s10, s11  }
0x1bb: {  	[hbm4b:s6+s21] =	stream.strided.scatter [tilespmem:s12], [sflag:$0x3], $0x400, s22, s21, $0x38;
	[tilespmem:$0x18800] =	vst v63  }
0x1bc: {  	s14 =	sadd.s32 $0x10, s6;
	s12 =	simm.s32 $0x10800  }
0x1bd: {  	[hbm4b:s14+s21] =	stream.strided.scatter [tilespmem:s12], [sflag:$0x3], $0x400, s22, s21, $0x38;
	[tilespmem:$0x18800] =	vst v63  }
0x1be: {  	s12 =	sadd.s32 $0x20, s6;
	s14 =	simm.s32 $0x10C00  }
0x1bf: {  	[hbm4b:s12+s21] =	stream.strided.scatter [tilespmem:s14], [sflag:$0x3], $0x400, s22, s21, $0x38;
	[tilespmem:$0x18800] =	vst v63  }
0x1c0: {  	s12 =	sadd.s32 $0x30, s6;
	s14 =	simm.s32 $0x11000  }
0x1c1: {  	[hbm4b:s12+s21] =	stream.strided.scatter [tilespmem:s14], [sflag:$0x3], $0x400, s22, s21, $0x38;
	[tilespmem:$0x18800] =	vst v63  }
0x1c2: {  	s12 =	sadd.s32 $0x200, s6;
	s14 =	simm.s32 $0x11400  }
0x1c3: {  	[hbm4b:s12+s21] =	stream.strided.scatter [tilespmem:s14], [sflag:$0x3], $0x400, s22, s21, $0x38;
	[tilespmem:$0x18800] =	vst v63  }
0x1c4: {  	s12 =	sadd.s32 $0x210, s6;
	s14 =	simm.s32 $0x11800  }
0x1c5: {  	[hbm4b:s12+s21] =	stream.strided.scatter [tilespmem:s14], [sflag:$0x3], $0x400, s22, s21, $0x38;
	[tilespmem:$0x18800] =	vst v63  }
0x1c6: {  	s12 =	sadd.s32 $0x220, s6;
	s14 =	simm.s32 $0x11C00  }
0x1c7: {  	[hbm4b:s12+s21] =	stream.strided.scatter [tilespmem:s14], [sflag:$0x3], $0x400, s22, s21, $0x38;
	[tilespmem:$0x18800] =	vst v63  }
0x1c8: {  	s12 =	sadd.s32 $0x230, s6;
	s14 =	simm.s32 $0x12000  }
0x1c9: {  	[hbm4b:s12+s21] =	stream.strided.scatter [tilespmem:s14], [sflag:$0x3], $0x400, s22, s21, $0x38;
	[tilespmem:$0x18800] =	vst v63  }
0x1ca: {  	s12 =	sadd.s32 $0x400, s6;
	s14 =	simm.s32 $0x12400  }
0x1cb: {  	[hbm4b:s12+s21] =	stream.strided.scatter [tilespmem:s14], [sflag:$0x3], $0x400, s22, s21, $0x38;
	[tilespmem:$0x18800] =	vst v63  }
0x1cc: {  	s12 =	sadd.s32 $0x410, s6;
	s14 =	simm.s32 $0x12800  }
0x1cd: {  	[hbm4b:s12+s21] =	stream.strided.scatter [tilespmem:s14], [sflag:$0x3], $0x400, s22, s21, $0x38;
	[tilespmem:$0x18800] =	vst v63  }
0x1ce: {  	s12 =	sadd.s32 $0x420, s6;
	s14 =	simm.s32 $0x12C00  }
0x1cf: {  	[hbm4b:s12+s21] =	stream.strided.scatter [tilespmem:s14], [sflag:$0x3], $0x400, s22, s21, $0x38;
	[tilespmem:$0x18800] =	vst v63  }
0x1d0: {  	s12 =	sadd.s32 $0x430, s6;
	s14 =	simm.s32 $0x13000  }
0x1d1: {  	[hbm4b:s12+s21] =	stream.strided.scatter [tilespmem:s14], [sflag:$0x3], $0x400, s22, s21, $0x38;
	[tilespmem:$0x18800] =	vst v63  }
0x1d2: {  	s12 =	sadd.s32 $0x600, s6;
	s14 =	simm.s32 $0x13400  }
0x1d3: {  	[hbm4b:s12+s21] =	stream.strided.scatter [tilespmem:s14], [sflag:$0x3], $0x400, s22, s21, $0x38;
	[tilespmem:$0x18800] =	vst v63  }
0x1d4: {  	p1 =	seq.s32 s2, $0x7;
	s12 =	sadd.s32 $0x610, s6;
	s14 =	simm.s32 $0x13800  }
0x1d5: {  	[hbm4b:s12+s21] =	stream.strided.scatter [tilespmem:s14], [sflag:$0x3], $0x400, s22, s21, $0x38;
	[tilespmem:$0x18800] =	vst v63  }
.Ltmp2:
0x1d6: {  	_ = 	snop;
	(pc) =	sbr.rel @p1 .LBB2_8-.Ltmp2, $4  }
0x1d7: {  	s12 =	sadd.s32 $0x620, s6;
	s14 =	simm.s32 $0x13C00  }
0x1d8: {  	[hbm4b:s12+s21] =	stream.strided.scatter [tilespmem:s14], [sflag:$0x3], $0x400, s22, s21, $0x38;
	[tilespmem:$0x18800] =	vst v63  }
0x1d9: {  	s6 =	sadd.s32 $0x630, s6;
	s14 =	simm.s32 $0x14000  }
0x1da: {  	[hbm4b:s6+s21] =	stream.strided.scatter [tilespmem:s14], [sflag:$0x3], $0x400, s22, s21, $0x38;
	[tilespmem:$0x18800] =	vst v63  }
0x1db: {  	s5 =	sadd.s32 $0x2, s5  }
0x1dc: {  	s6 =	sshll.u32 s5, $0x6;
	s5 =	sshll.u32 s5, $0x5  }
0x1dd: {  	s6 =	sand.u32 $0x700, s6;
	s5 =	sand.u32 $0x40, s5  }
0x1de: {  	s5 =	sor.u32 s5, s6  }
0x1df: {  	v3 =	vld [tilespmem:s5+$0x0];
	_ =	sdelay $0x4  }
0x1e0: {  	v4 =	vshll.u32 v3, $0x2  }
0x1e1: {  	v3 =	vand.u32 $0x7, v3;
	v4 =	vand.u32 $0xFFFFFFE0, v4  }
0x1e2: {  	v3 =	vor.u32 v3, v4  }
0x1e3: {  	v4 =	vperm.xlane v3, v0;
	_ =	sdelay $0x1  }
0x1e4: {  	v4 =	vadd.s32 v1, v4;
	_ =	sdelay $0x1  }
0x1e5: {  	v3 =	vperm.xlane v3, v2;
	_ =	sdelay $0x1  }
0x1e6: {  	s10 =	simm.s32 $0x400;
	v3 =	vadd.s32 v1, v3  }
0x1e7: {  	[tilespmem:s10], [sflag:$0x1] =	stream.indirect_vreg.gather [hbm4b:s1+s4], $0x80, v4, vm0, $0xb8;
	[tilespmem:$0x18800] =	vst v63  }
0x1e8: {  	s12 =	simm.s32 $0xC00  }
0x1e9: {  	[tilespmem:s12], [sflag:$0x1] =	stream.indirect_vreg.gather [hbm4b:s7+s4], $0x80, v4, vm0, $0xb8;
	[tilespmem:$0x18800] =	vst v63  }
0x1ea: {  	s14 =	simm.s32 $0x1400  }
0x1eb: {  	[tilespmem:s14], [sflag:$0x1] =	stream.indirect_vreg.gather [hbm4b:s1+s4], $0x80, v3, vm0, $0xb8;
	[tilespmem:$0x18800] =	vst v63  }
0x1ec: {  	s10 =	simm.s32 $0x1C00  }
0x1ed: {  	[tilespmem:s10], [sflag:$0x1] =	stream.indirect_vreg.gather [hbm4b:s7+s4], $0x80, v3, vm0, $0xb8;
	[tilespmem:$0x18800] =	vst v63  }
0x1ee: {  	v3 =	vld [tilespmem:s5+$0x10];
	_ =	sdelay $0x4  }
0x1ef: {  	v61 =	vshll.u32 v3, $0x2  }
0x1f0: {  	v3 =	vand.u32 $0x7, v3;
	v4 =	vand.u32 $0xFFFFFFE0, v61  }
0x1f1: {  	v3 =	vor.u32 v3, v4  }
0x1f2: {  	v4 =	vperm.xlane v3, v0;
	_ =	sdelay $0x1  }
0x1f3: {  	v4 =	vadd.s32 v1, v4;
	_ =	sdelay $0x1  }
0x1f4: {  	v3 =	vperm.xlane v3, v2;
	_ =	sdelay $0x1  }
0x1f5: {  	s12 =	simm.s32 $0x2400;
	v3 =	vadd.s32 v1, v3  }
0x1f6: {  	[tilespmem:s12], [sflag:$0x1] =	stream.indirect_vreg.gather [hbm4b:s1+s4], $0x80, v4, vm0, $0xb8;
	[tilespmem:$0x18800] =	vst v63  }
0x1f7: {  	s14 =	simm.s32 $0x2C00  }
0x1f8: {  	[tilespmem:s14], [sflag:$0x1] =	stream.indirect_vreg.gather [hbm4b:s7+s4], $0x80, v4, vm0, $0xb8;
	[tilespmem:$0x18800] =	vst v63  }
0x1f9: {  	s10 =	simm.s32 $0x3400  }
0x1fa: {  	[tilespmem:s10], [sflag:$0x1] =	stream.indirect_vreg.gather [hbm4b:s1+s4], $0x80, v3, vm0, $0xb8;
	[tilespmem:$0x18800] =	vst v63  }
0x1fb: {  	s12 =	simm.s32 $0x3C00  }
0x1fc: {  	[tilespmem:s12], [sflag:$0x1] =	stream.indirect_vreg.gather [hbm4b:s7+s4], $0x80, v3, vm0, $0xb8;
	[tilespmem:$0x18800] =	vst v63  }
0x1fd: {  	v3 =	vld [tilespmem:s5+$0x80];
	_ =	sdelay $0x4  }
0x1fe: {  	v62 =	vshll.u32 v3, $0x2  }
0x1ff: {  	v3 =	vand.u32 $0x7, v3;
	v4 =	vand.u32 $0xFFFFFFE0, v62  }
0x200: {  	v3 =	vor.u32 v3, v4  }
0x201: {  	v4 =	vperm.xlane v3, v0;
	_ =	sdelay $0x1  }
0x202: {  	v4 =	vadd.s32 v1, v4;
	_ =	sdelay $0x1  }
0x203: {  	v3 =	vperm.xlane v3, v2;
	_ =	sdelay $0x1  }
0x204: {  	s14 =	simm.s32 $0x4400;
	v3 =	vadd.s32 v1, v3  }
0x205: {  	[tilespmem:s14], [sflag:$0x1] =	stream.indirect_vreg.gather [hbm4b:s1+s4], $0x80, v4, vm0, $0xb8;
	[tilespmem:$0x18800] =	vst v63  }
0x206: {  	s10 =	simm.s32 $0x4C00  }
0x207: {  	[tilespmem:s10], [sflag:$0x1] =	stream.indirect_vreg.gather [hbm4b:s7+s4], $0x80, v4, vm0, $0xb8;
	[tilespmem:$0x18800] =	vst v63  }
0x208: {  	s12 =	simm.s32 $0x5400  }
0x209: {  	[tilespmem:s12], [sflag:$0x1] =	stream.indirect_vreg.gather [hbm4b:s1+s4], $0x80, v3, vm0, $0xb8;
	[tilespmem:$0x18800] =	vst v63  }
0x20a: {  	s14 =	simm.s32 $0x5C00  }
0x20b: {  	[tilespmem:s14], [sflag:$0x1] =	stream.indirect_vreg.gather [hbm4b:s7+s4], $0x80, v3, vm0, $0xb8;
	[tilespmem:$0x18800] =	vst v63  }
0x20c: {  	v3 =	vld [tilespmem:s5+$0x90];
	_ =	sdelay $0x4  }
0x20d: {  	v63 =	vshll.u32 v3, $0x2  }
0x20e: {  	v3 =	vand.u32 $0x7, v3;
	v4 =	vand.u32 $0xFFFFFFE0, v63  }
0x20f: {  	v3 =	vor.u32 v3, v4  }
0x210: {  	v4 =	vperm.xlane v3, v0;
	_ =	sdelay $0x1  }
0x211: {  	v4 =	vadd.s32 v1, v4;
	_ =	sdelay $0x1  }
0x212: {  	v3 =	vperm.xlane v3, v2;
	_ =	sdelay $0x1  }
0x213: {  	s6 =	simm.s32 $0x6400;
	v3 =	vadd.s32 v1, v3  }
0x214: {  	[tilespmem:s6], [sflag:$0x1] =	stream.indirect_vreg.gather [hbm4b:s1+s4], $0x80, v4, vm0, $0xb8;
	[tilespmem:$0x18800] =	vst v63  }
0x215: {  	s10 =	simm.s32 $0x6C00  }
0x216: {  	[tilespmem:s10], [sflag:$0x1] =	stream.indirect_vreg.gather [hbm4b:s7+s4], $0x80, v4, vm0, $0xb8;
	[tilespmem:$0x18800] =	vst v63  }
0x217: {  	s12 =	simm.s32 $0x7400  }
0x218: {  	[tilespmem:s12], [sflag:$0x1] =	stream.indirect_vreg.gather [hbm4b:s1+s4], $0x80, v3, vm0, $0xb8;
	[tilespmem:$0x18800] =	vst v63  }
0x219: {  	s14 =	simm.s32 $0x7C00  }
0x21a: {  	[tilespmem:s14], [sflag:$0x1] =	stream.indirect_vreg.gather [hbm4b:s7+s4], $0x80, v3, vm0, $0xb8;
	[tilespmem:$0x18800] =	vst v63  }
.LBB2_8:
0x21b: {  	_ =	swait.ge [sflag:s13], $0x4000  }
0x21c: {  	[sflag:s13] =	ssyncset.done $0x0  }
0x21d: {  	[sflag:s13] =	ssyncadd.s32 $0xFFFFC000  }
0x21e: {  	_ =	swait.ge [sflag:s13], $0x4000  }
0x21f: {  	[sflag:s13] =	ssyncset.done $0x0  }
0x220: {  	s5 =	simm.s32 @!p0 $0x4;
	[sflag:s13] =	ssyncadd.s32 $0xFFFFC000  }
0x221: {  	_ =	swait.ge @!p0 [sflag:s5], $0x4000  }
0x222: {  	[sflag:s5] =	ssyncset.done @!p0 $0x0  }
0x223: {  	[sflag:s5] =	ssyncadd.s32 @!p0 $0xFFFFC000  }
0x224: {  	v31 =	vld [tilespmem:$0x18400]  }
0x225: {  	v32 =	vld [tilespmem:$0x18480]  }
0x226: {  	v29 =	vld [tilespmem:$0x18410]  }
0x227: {  	v30 =	vld [tilespmem:$0x18490]  }
0x228: {  	v27 =	vld [tilespmem:$0x18420]  }
0x229: {  	v28 =	vld [tilespmem:$0x184A0]  }
0x22a: {  	v25 =	vld [tilespmem:$0x18430]  }
0x22b: {  	v26 =	vld [tilespmem:$0x184B0]  }
0x22c: {  	v23 =	vld [tilespmem:$0x18440]  }
0x22d: {  	v24 =	vld [tilespmem:$0x184C0]  }
0x22e: {  	v21 =	vld [tilespmem:$0x18450]  }
0x22f: {  	v22 =	vld [tilespmem:$0x184D0]  }
0x230: {  	v19 =	vld [tilespmem:$0x18460]  }
0x231: {  	v20 =	vld [tilespmem:$0x184E0]  }
0x232: {  	v17 =	vld [tilespmem:$0x18470]  }
0x233: {  	v18 =	vld [tilespmem:$0x184F0]  }
0x234: {  	v15 =	vld [tilespmem:$0x18500]  }
0x235: {  	v16 =	vld [tilespmem:$0x18580]  }
0x236: {  	v13 =	vld [tilespmem:$0x18510]  }
0x237: {  	v14 =	vld [tilespmem:$0x18590]  }
0x238: {  	v11 =	vld [tilespmem:$0x18520]  }
0x239: {  	v12 =	vld [tilespmem:$0x185A0]  }
0x23a: {  	v9 =	vld [tilespmem:$0x18530]  }
0x23b: {  	v10 =	vld [tilespmem:$0x185B0]  }
0x23c: {  	v8 =	vld [tilespmem:$0x18540]  }
0x23d: {  	v7 =	vld [tilespmem:$0x185C0]  }
0x23e: {  	v5 =	vld [tilespmem:$0x18550]  }
0x23f: {  	v6 =	vld [tilespmem:$0x185D0]  }
0x240: {  	v3 =	vld [tilespmem:$0x18560]  }
0x241: {  	s12 =	simm.s32 $0x0;
	v4 =	vld [tilespmem:$0x185E0]  }
0x242: {  	s6 =	sand.u32 $0x3000, s12;
	s5 =	sand.u32 $0x380, s12;
	v33 =	vld [tilespmem:$0x18570]  }
0x243: {  	v34 =	vld [tilespmem:$0x185F0];
	s5 =	sor.u32 s5, s6  }
0x244: {  	v35 =	vld [tilespmem:s5+$0x8870]  }
0x245: {  	v36 =	vld [tilespmem:s5+$0xC870]  }
0x246: {  	v37 =	vld [tilespmem:s5+$0x8400]  }
0x247: {  	v38 =	vld [tilespmem:s5+$0xC400]  }
0x248: {  	v39 =	vld [tilespmem:s5+$0x8410]  }
0x249: {  	v40 =	vld [tilespmem:s5+$0xC410]  }
0x24a: {  	v41 =	vld [tilespmem:s5+$0x8420]  }
0x24b: {  	v42 =	vld [tilespmem:s5+$0xC420]  }
0x24c: {  	v43 =	vld [tilespmem:s5+$0x8430]  }
0x24d: {  	v63 =	vld [tilespmem:s5+$0xC430]  }
0x24e: {  	v44 =	vld [tilespmem:s5+$0x8440]  }
0x24f: {  	v47 =	vld [tilespmem:s5+$0xC440]  }
0x250: {  	v49 =	vld [tilespmem:s5+$0x8450]  }
0x251: {  	v52 =	vld [tilespmem:s5+$0xC450];
	v35 =	vmul.f32 v35, v33;
	v36 =	vmul.f32 v36, v34  }
0x252: {  	v53 =	vld [tilespmem:s5+$0x8460]  }
0x253: {  	v55 =	vld [tilespmem:s5+$0xC460];
	v37 =	vmul.f32 v37, v31;
	v38 =	vmul.f32 v38, v32;
	v35 =	vadd.f32 v36, v35  }
0x254: {  	v56 =	vld [tilespmem:s5+$0x8470];
	v50 =	vmul.f32 v41, v27;
	v51 =	vmul.f32 v42, v28  }
0x255: {  	v58 =	vld [tilespmem:s5+$0xC470];
	v39 =	vmul.f32 v39, v29;
	v40 =	vmul.f32 v40, v30;
	v35 =	vmax.f32 v35, $0.0e+00  }
0x256: {  	v59 =	vld [tilespmem:s5+$0x8800];
	v54 =	vmul.f32 v43, v25;
	v36 =	vmul.f32 v63, v26;
	[tilespmem:s5+$0x14870] =	vst v35;
	v35 =	vadd.f32 v51, v50  }
0x257: {  	v62 =	vld [tilespmem:s5+$0xC800];
	v57 =	vmul.f32 v44, v23;
	v37 =	vadd.f32 v38, v37;
	v38 =	vmul.f32 v47, v24  }
0x258: {  	v60 =	vmul.f32 v49, v21;
	v63 =	vld [tilespmem:s5+$0x8810];
	v36 =	vadd.f32 v36, v54;
	v35 =	vmax.f32 v35, $0.0e+00  }
0x259: {  	v61 =	vmul.f32 v52, v22;
	v48 =	vmax.f32 v37, $0.0e+00;
	v50 =	vld [tilespmem:s5+$0xC810];
	[tilespmem:s5+$0x14420] =	vst v35;
	v35 =	vadd.f32 v38, v57  }
0x25a: {  	v49 =	vmul.f32 v55, v20;
	[tilespmem:s5+$0x14400] =	vst v48;
	v48 =	vmul.f32 v53, v19;
	v36 =	vmax.f32 v36, $0.0e+00  }
0x25b: {  	v52 =	vmul.f32 v56, v17;
	v54 =	vld [tilespmem:s5+$0xC820];
	[tilespmem:s5+$0x14430] =	vst v36;
	v36 =	vadd.f32 v61, v60;
	v35 =	vmax.f32 v35, $0.0e+00  }
0x25c: {  	v56 =	vmul.f32 v59, v15;
	v39 =	vadd.f32 v40, v39;
	v51 =	vld [tilespmem:s5+$0x8820];
	[tilespmem:s5+$0x14440] =	vst v35;
	v35 =	vadd.f32 v49, v48  }
0x25d: {  	v55 =	vld [tilespmem:s5+$0x8830];
	v53 =	vmul.f32 v58, v18;
	v57 =	vmul.f32 v62, v16;
	v36 =	vmax.f32 v36, $0.0e+00  }
0x25e: {  	v58 =	vld [tilespmem:s5+$0xC830];
	v59 =	vmul.f32 v63, v13;
	[tilespmem:s5+$0x14450] =	vst v36;
	v60 =	vmul.f32 v50, v14;
	v35 =	vmax.f32 v35, $0.0e+00  }
0x25f: {  	v45 =	vld [tilespmem:s5+$0x8840];
	v39 =	vmax.f32 v39, $0.0e+00;
	v36 =	vadd.f32 v53, v52;
	[tilespmem:s5+$0x14460] =	vst v35;
	v35 =	vadd.f32 v57, v56  }
0x260: {  	v37 =	vld [tilespmem:s5+$0xC840];
	[tilespmem:s5+$0x14410] =	vst v39;
	v39 =	vmul.f32 v54, v12;
	v38 =	vadd.f32 v60, v59  }
0x261: {  	v62 =	vmul.f32 v51, v11;
	v36 =	vmax.f32 v36, $0.0e+00;
	v61 =	vmax.f32 v35, $0.0e+00;
	v35 =	vld [tilespmem:s5+$0x8850]  }
0x262: {  	s14 =	simm.s32 $0x200;
	s10 =	simm.s32 $0x80;
	[tilespmem:s5+$0x14470] =	vst v36;
	v36 =	vld [tilespmem:s5+$0xC850];
	v63 =	vmax.f32 v38, $0.0e+00  }
0x263: {  	s12 =	sand.u32 $0x380, s10;
	s6 =	sand.u32 $0x3000, s14;
	v41 =	vmul.f32 v55, v9;
	v43 =	vmul.f32 v58, v10;
	v39 =	vadd.f32 v39, v62;
	v38 =	vld [tilespmem:s5+$0x8860];
	[tilespmem:s5+$0x14810] =	vst v63  }
0x264: {  	s6 =	sor.u32 s12, s6;
	s12 =	simm.s32 $0x400;
	v42 =	vmul.f32 v45, v8;
	v40 =	vld [tilespmem:s5+$0xC860];
	[tilespmem:s5+$0x14800] =	vst v61  }
.LBB2_9:
0x265: {  	p0 =	sne.s32 s12, $0x3E00;
	v44 =	vld [tilespmem:s6+$0x8870];
	v39 =	vmax.f32 v39, $0.0e+00;
	v41 =	vadd.f32 v43, v41;
	v37 =	vmul.f32 v37, v7  }
0x266: {  	v43 =	vld [tilespmem:s6+$0xC870];
	[tilespmem:s5+$0x14820] =	vst v39;
	v35 =	vmul.f32 v35, v5  }
0x267: {  	v39 =	vld [tilespmem:s6+$0x8400];
	v41 =	vmax.f32 v41, $0.0e+00;
	v37 =	vadd.f32 v37, v42;
	v36 =	vmul.f32 v36, v6  }
0x268: {  	v42 =	vld [tilespmem:s6+$0xC400];
	[tilespmem:s5+$0x14830] =	vst v41;
	v38 =	vmul.f32 v38, v3  }
0x269: {  	v41 =	vld [tilespmem:s6+$0x8410];
	v37 =	vmax.f32 v37, $0.0e+00;
	v35 =	vadd.f32 v36, v35;
	v36 =	vmul.f32 v40, v4  }
0x26a: {  	v40 =	vld [tilespmem:s6+$0xC410];
	[tilespmem:s5+$0x14840] =	vst v37  }
0x26b: {  	v44 =	vmul.f32 v44, v33;
	v37 =	vld [tilespmem:s6+$0x8420];
	v43 =	vmul.f32 v43, v34;
	v36 =	vadd.f32 v36, v38  }
0x26c: {  	v35 =	vmax.f32 v35, $0.0e+00;
	v38 =	vmul.f32 v39, v31;
	v39 =	vld [tilespmem:s6+$0xC420]  }
0x26d: {  	v42 =	vmul.f32 v42, v32;
	v45 =	vld [tilespmem:s6+$0x8430];
	v43 =	vadd.f32 v43, v44;
	[tilespmem:s5+$0x14850] =	vst v35;
	v35 =	vmax.f32 v36, $0.0e+00  }
0x26e: {  	v36 =	vmul.f32 v41, v29;
	v41 =	vld [tilespmem:s6+$0xC430];
	[tilespmem:s5+$0x14860] =	vst v35;
	s5 =	smov.u32 s6  }
0x26f: {  	v35 =	vadd.f32 v42, v38;
	v38 =	vmul.f32 v40, v30;
	v40 =	vld [tilespmem:s5+$0x8440];
	v42 =	vmax.f32 v43, $0.0e+00  }
0x270: {  	v37 =	vmul.f32 v37, v27;
	v43 =	vld [tilespmem:s5+$0xC440];
	[tilespmem:s5+$0x14870] =	vst v42  }
0x271: {  	v35 =	vmax.f32 v35, $0.0e+00;
	v36 =	vadd.f32 v38, v36;
	v38 =	vmul.f32 v39, v28;
	v39 =	vld [tilespmem:s5+$0x8450]  }
0x272: {  	[tilespmem:s5+$0x14400] =	vst v35;
	v35 =	vmul.f32 v45, v25;
	v42 =	vld [tilespmem:s5+$0xC450]  }
0x273: {  	v36 =	vmax.f32 v36, $0.0e+00;
	v37 =	vadd.f32 v38, v37;
	v38 =	vmul.f32 v41, v26;
	v41 =	vld [tilespmem:s5+$0x8460]  }
0x274: {  	[tilespmem:s5+$0x14410] =	vst v36;
	v36 =	vmul.f32 v40, v23;
	v40 =	vld [tilespmem:s5+$0xC460]  }
0x275: {  	v37 =	vmax.f32 v37, $0.0e+00;
	v35 =	vadd.f32 v38, v35;
	v38 =	vmul.f32 v43, v24;
	v43 =	vld [tilespmem:s5+$0x8470]  }
0x276: {  	[tilespmem:s5+$0x14420] =	vst v37;
	v37 =	vmul.f32 v39, v21;
	v39 =	vld [tilespmem:s5+$0xC470]  }
0x277: {  	v35 =	vmax.f32 v35, $0.0e+00;
	v36 =	vadd.f32 v38, v36;
	v38 =	vmul.f32 v42, v22;
	v42 =	vld [tilespmem:s5+$0x8800]  }
0x278: {  	[tilespmem:s5+$0x14430] =	vst v35;
	v35 =	vmul.f32 v41, v19;
	v41 =	vld [tilespmem:s5+$0xC800]  }
0x279: {  	v36 =	vmax.f32 v36, $0.0e+00;
	v37 =	vadd.f32 v38, v37;
	v38 =	vmul.f32 v40, v20;
	v40 =	vld [tilespmem:s5+$0x8810]  }
0x27a: {  	[tilespmem:s5+$0x14440] =	vst v36;
	v36 =	vmul.f32 v43, v17;
	v43 =	vld [tilespmem:s5+$0xC810]  }
0x27b: {  	v37 =	vmax.f32 v37, $0.0e+00;
	v35 =	vadd.f32 v38, v35;
	v38 =	vmul.f32 v39, v18;
	v39 =	vld [tilespmem:s5+$0x8820]  }
0x27c: {  	[tilespmem:s5+$0x14450] =	vst v37;
	v37 =	vmul.f32 v42, v15;
	v42 =	vld [tilespmem:s5+$0xC820]  }
0x27d: {  	v35 =	vmax.f32 v35, $0.0e+00;
	v36 =	vadd.f32 v38, v36;
	v38 =	vmul.f32 v41, v16;
	v41 =	vld [tilespmem:s5+$0x8830]  }
0x27e: {  	[tilespmem:s5+$0x14460] =	vst v35;
	v35 =	vmul.f32 v40, v13;
	v40 =	vld [tilespmem:s5+$0xC830]  }
0x27f: {  	v36 =	vmax.f32 v36, $0.0e+00;
	v38 =	vadd.f32 v38, v37;
	v43 =	vmul.f32 v43, v14;
	v44 =	vld [tilespmem:s5+$0x8840]  }
.Ltmp3:
0x280: {  	[tilespmem:s5+$0x14470] =	vst v36;
	v39 =	vmul.f32 v39, v11;
	v37 =	vld [tilespmem:s5+$0xC840];
	(pc) =	sbr.rel @p0 .LBB2_9-.Ltmp3, $4  }
0x281: {  	v36 =	vmax.f32 v38, $0.0e+00;
	v38 =	vadd.f32 v43, v35;
	v42 =	vmul.f32 v42, v12;
	v35 =	vld [tilespmem:s5+$0x8850]  }
0x282: {  	s10 =	sadd.s32 $0x80, s10;
	[tilespmem:s5+$0x14800] =	vst v36;
	v41 =	vmul.f32 v41, v9;
	v36 =	vld [tilespmem:s5+$0xC850]  }
0x283: {  	s14 =	sand.u32 $0x380, s10;
	s6 =	sand.u32 $0x3000, s12;
	v45 =	vmax.f32 v38, $0.0e+00;
	v39 =	vadd.f32 v42, v39;
	v43 =	vmul.f32 v40, v10;
	v38 =	vld [tilespmem:s5+$0x8860]  }
0x284: {  	s12 =	sadd.s32 $0x200, s12;
	s6 =	sor.u32 s14, s6;
	[tilespmem:s5+$0x14810] =	vst v45;
	v42 =	vmul.f32 v44, v8;
	v40 =	vld [tilespmem:s5+$0xC860]  }
0x285: {  	v46 =	vld [tilespmem:s6+$0x8400]  }
0x286: {  	v47 =	vld [tilespmem:s6+$0xC400]  }
0x287: {  	v48 =	vld [tilespmem:s6+$0x8410]  }
0x288: {  	v49 =	vld [tilespmem:s6+$0xC410]  }
0x289: {  	v50 =	vld [tilespmem:s6+$0x8420]  }
0x28a: {  	v60 =	vld [tilespmem:s6+$0xC420]  }
0x28b: {  	v61 =	vld [tilespmem:s6+$0x8430]  }
0x28c: {  	v62 =	vld [tilespmem:s6+$0xC430]  }
0x28d: {  	v63 =	vld [tilespmem:s6+$0x8440]  }
0x28e: {  	v51 =	vld [tilespmem:s6+$0xC440];
	v31 =	vmul.f32 v46, v31  }
0x28f: {  	v44 =	vld [tilespmem:s6+$0x8870];
	v32 =	vmul.f32 v47, v32;
	v29 =	vmul.f32 v48, v29  }
0x290: {  	v45 =	vld [tilespmem:s6+$0xC870];
	v30 =	vmul.f32 v49, v30;
	v27 =	vmul.f32 v50, v27  }
0x291: {  	v52 =	vld [tilespmem:s6+$0x8450];
	v28 =	vmul.f32 v60, v28;
	v25 =	vmul.f32 v61, v25  }
0x292: {  	v26 =	vmul.f32 v62, v26;
	v23 =	vmul.f32 v63, v23;
	v29 =	vadd.f32 v30, v29;
	v30 =	vld [tilespmem:s6+$0xC450]  }
0x293: {  	v24 =	vmul.f32 v51, v24;
	v31 =	vadd.f32 v32, v31;
	v27 =	vadd.f32 v28, v27;
	v28 =	vld [tilespmem:s6+$0xC460]  }
0x294: {  	v25 =	vadd.f32 v26, v25;
	v26 =	vld [tilespmem:s6+$0xC470]  }
0x295: {  	v23 =	vadd.f32 v24, v23;
	v24 =	vld [tilespmem:s6+$0xC800];
	v31 =	vmax.f32 v31, $0.0e+00  }
0x296: {  	v29 =	vmax.f32 v29, $0.0e+00;
	[tilespmem:s6+$0x14400] =	vst v31;
	v31 =	vld [tilespmem:s6+$0x8460]  }
0x297: {  	v27 =	vmax.f32 v27, $0.0e+00;
	[tilespmem:s6+$0x14410] =	vst v29;
	v29 =	vld [tilespmem:s6+$0x8470]  }
0x298: {  	v33 =	vmul.f32 v44, v33;
	v34 =	vmul.f32 v45, v34;
	v23 =	vmax.f32 v23, $0.0e+00;
	[tilespmem:s6+$0x14420] =	vst v27;
	v27 =	vld [tilespmem:s6+$0x8800]  }
0x299: {  	v21 =	vmul.f32 v52, v21;
	v25 =	vmax.f32 v25, $0.0e+00;
	[tilespmem:s6+$0x14440] =	vst v23;
	v23 =	vld [tilespmem:s6+$0x8820];
	v22 =	vmul.f32 v30, v22  }
0x29a: {  	v33 =	vadd.f32 v34, v33;
	[tilespmem:s6+$0x14430] =	vst v25;
	v25 =	vld [tilespmem:s6+$0x8810]  }
0x29b: {  	v20 =	vmul.f32 v28, v20;
	v18 =	vmul.f32 v26, v18;
	v21 =	vadd.f32 v22, v21;
	v22 =	vld [tilespmem:s6+$0xC810]  }
0x29c: {  	v16 =	vmul.f32 v24, v16;
	v26 =	vmul.f32 v38, v3;
	v28 =	vld [tilespmem:s6+$0x8860]  }
0x29d: {  	v47 =	vmax.f32 v33, $0.0e+00;
	v19 =	vmul.f32 v31, v19;
	v17 =	vmul.f32 v29, v17  }
0x29e: {  	v24 =	vadd.f32 v43, v41;
	v15 =	vmul.f32 v27, v15;
	v11 =	vmul.f32 v23, v11;
	v23 =	vld [tilespmem:s6+$0xC860]  }
0x29f: {  	v13 =	vmul.f32 v25, v13;
	v25 =	vld [tilespmem:s6+$0xC850];
	v27 =	vmul.f32 v40, v4;
	v17 =	vadd.f32 v18, v17  }
0x2a0: {  	[tilespmem:s6+$0x14870] =	vst v47;
	v21 =	vmax.f32 v21, $0.0e+00;
	v19 =	vadd.f32 v20, v19;
	v20 =	vld [tilespmem:s6+$0xC820];
	v14 =	vmul.f32 v22, v14  }
0x2a1: {  	[tilespmem:s6+$0x14450] =	vst v21;
	v21 =	vld [tilespmem:s6+$0x8830];
	v15 =	vadd.f32 v16, v15;
	v3 =	vmul.f32 v28, v3;
	v17 =	vmax.f32 v17, $0.0e+00  }
0x2a2: {  	v18 =	vld [tilespmem:s6+$0xC830];
	v19 =	vmax.f32 v19, $0.0e+00;
	[tilespmem:s6+$0x14470] =	vst v17;
	v17 =	vmul.f32 v37, v7;
	v13 =	vadd.f32 v14, v13  }
0x2a3: {  	v16 =	vld [tilespmem:s6+$0xC840];
	v15 =	vmax.f32 v15, $0.0e+00;
	[tilespmem:s6+$0x14460] =	vst v19;
	v4 =	vmul.f32 v23, v4;
	v14 =	vmul.f32 v35, v5  }
0x2a4: {  	v22 =	vld [tilespmem:s6+$0x8850];
	[tilespmem:s6+$0x14800] =	vst v15;
	v15 =	vadd.f32 v17, v42;
	v17 =	vmul.f32 v36, v6;
	v13 =	vmax.f32 v13, $0.0e+00  }
0x2a5: {  	v19 =	vld [tilespmem:s6+$0x8840];
	v12 =	vmul.f32 v20, v12;
	v20 =	vadd.f32 v27, v26;
	[tilespmem:s6+$0x14810] =	vst v13;
	v13 =	vmax.f32 v39, $0.0e+00  }
0x2a6: {  	v3 =	vadd.f32 v4, v3;
	v14 =	vadd.f32 v17, v14;
	v17 =	vmax.f32 v24, $0.0e+00;
	[tilespmem:s5+$0x14820] =	vst v13  }
0x2a7: {  	v9 =	vmul.f32 v21, v9;
	v11 =	vadd.f32 v12, v11;
	v12 =	vmax.f32 v20, $0.0e+00;
	[tilespmem:s5+$0x14830] =	vst v17  }
0x2a8: {  	v10 =	vmul.f32 v18, v10;
	v7 =	vmul.f32 v16, v7;
	v3 =	vmax.f32 v3, $0.0e+00;
	[tilespmem:s5+$0x14860] =	vst v12  }
0x2a9: {  	v6 =	vmul.f32 v25, v6;
	v5 =	vmul.f32 v22, v5;
	v13 =	vmax.f32 v15, $0.0e+00;
	[tilespmem:s6+$0x14860] =	vst v3  }
0x2aa: {  	v9 =	vadd.f32 v10, v9;
	v8 =	vmul.f32 v19, v8;
	v14 =	vmax.f32 v14, $0.0e+00;
	[tilespmem:s5+$0x14840] =	vst v13  }
0x2ab: {  	v11 =	vmax.f32 v11, $0.0e+00;
	v5 =	vadd.f32 v6, v5;
	[tilespmem:s5+$0x14850] =	vst v14  }
0x2ac: {  	v7 =	vadd.f32 v7, v8;
	[tilespmem:s6+$0x14820] =	vst v11;
	v8 =	vmax.f32 v9, $0.0e+00  }
0x2ad: {  	[tilespmem:s6+$0x14830] =	vst v8;
	v4 =	vmax.f32 v5, $0.0e+00  }
0x2ae: {  	v6 =	vmax.f32 v7, $0.0e+00;
	[tilespmem:s6+$0x14850] =	vst v4  }
0x2af: {  	[tilespmem:s6+$0x14840] =	vst v6  }
0x2b0: {  	v31 =	vld [tilespmem:$0x18600]  }
0x2b1: {  	v32 =	vld [tilespmem:$0x18680]  }
0x2b2: {  	v29 =	vld [tilespmem:$0x18610]  }
0x2b3: {  	v30 =	vld [tilespmem:$0x18690]  }
0x2b4: {  	v27 =	vld [tilespmem:$0x18620]  }
0x2b5: {  	v28 =	vld [tilespmem:$0x186A0]  }
0x2b6: {  	v25 =	vld [tilespmem:$0x18630]  }
0x2b7: {  	v26 =	vld [tilespmem:$0x186B0]  }
0x2b8: {  	v23 =	vld [tilespmem:$0x18640]  }
0x2b9: {  	v24 =	vld [tilespmem:$0x186C0]  }
0x2ba: {  	v21 =	vld [tilespmem:$0x18650]  }
0x2bb: {  	v22 =	vld [tilespmem:$0x186D0]  }
0x2bc: {  	v19 =	vld [tilespmem:$0x18660]  }
0x2bd: {  	v20 =	vld [tilespmem:$0x186E0]  }
0x2be: {  	v17 =	vld [tilespmem:$0x18670]  }
0x2bf: {  	v18 =	vld [tilespmem:$0x186F0]  }
0x2c0: {  	v15 =	vld [tilespmem:$0x18700]  }
0x2c1: {  	v16 =	vld [tilespmem:$0x18780]  }
0x2c2: {  	v13 =	vld [tilespmem:$0x18710]  }
0x2c3: {  	v14 =	vld [tilespmem:$0x18790]  }
0x2c4: {  	v11 =	vld [tilespmem:$0x18720]  }
0x2c5: {  	v12 =	vld [tilespmem:$0x187A0]  }
0x2c6: {  	v9 =	vld [tilespmem:$0x18730]  }
0x2c7: {  	v10 =	vld [tilespmem:$0x187B0]  }
0x2c8: {  	v8 =	vld [tilespmem:$0x18740]  }
0x2c9: {  	v7 =	vld [tilespmem:$0x187C0]  }
0x2ca: {  	v5 =	vld [tilespmem:$0x18750]  }
0x2cb: {  	v6 =	vld [tilespmem:$0x187D0]  }
0x2cc: {  	v3 =	vld [tilespmem:$0x18760]  }
0x2cd: {  	s10 =	simm.s32 $0x0;
	v4 =	vld [tilespmem:$0x187E0]  }
0x2ce: {  	s12 =	sand.u32 $0x3000, s10;
	s5 =	sand.u32 $0x380, s10;
	v33 =	vld [tilespmem:$0x18770]  }
0x2cf: {  	s5 =	sor.u32 s5, s12;
	v34 =	vld [tilespmem:$0x187F0]  }
0x2d0: {  	v53 =	vld [tilespmem:s5+$0x9070]  }
0x2d1: {  	v54 =	vld [tilespmem:s5+$0xD070]  }
0x2d2: {  	v55 =	vld [tilespmem:s5+$0x8C00]  }
0x2d3: {  	v56 =	vld [tilespmem:s5+$0xCC00]  }
0x2d4: {  	v57 =	vld [tilespmem:s5+$0x8C10]  }
0x2d5: {  	v58 =	vld [tilespmem:s5+$0xCC10]  }
0x2d6: {  	v59 =	vld [tilespmem:s5+$0x8C20]  }
0x2d7: {  	v60 =	vld [tilespmem:s5+$0xCC20]  }
0x2d8: {  	v61 =	vld [tilespmem:s5+$0x8C30]  }
0x2d9: {  	v62 =	vld [tilespmem:s5+$0xCC30]  }
0x2da: {  	v63 =	vld [tilespmem:s5+$0x8C40]  }
0x2db: {  	v47 =	vld [tilespmem:s5+$0xCC40]  }
0x2dc: {  	v49 =	vld [tilespmem:s5+$0x8C50]  }
0x2dd: {  	v52 =	vld [tilespmem:s5+$0xCC50];
	v35 =	vmul.f32 v53, v33;
	v36 =	vmul.f32 v54, v34  }
0x2de: {  	v53 =	vld [tilespmem:s5+$0x8C60]  }
0x2df: {  	v37 =	vmul.f32 v55, v31;
	v38 =	vmul.f32 v56, v32;
	v55 =	vld [tilespmem:s5+$0xCC60];
	v35 =	vadd.f32 v36, v35  }
0x2e0: {  	v50 =	vmul.f32 v59, v27;
	v51 =	vmul.f32 v60, v28;
	v56 =	vld [tilespmem:s5+$0x8C70]  }
0x2e1: {  	v39 =	vmul.f32 v57, v29;
	v40 =	vmul.f32 v58, v30;
	v58 =	vld [tilespmem:s5+$0xCC70];
	v35 =	vmax.f32 v35, $0.0e+00  }
0x2e2: {  	v54 =	vmul.f32 v61, v25;
	v59 =	vld [tilespmem:s5+$0x9000];
	v36 =	vmul.f32 v62, v26;
	[tilespmem:s5+$0x15070] =	vst v35;
	v35 =	vadd.f32 v51, v50  }
0x2e3: {  	v57 =	vmul.f32 v63, v23;
	v63 =	vld [tilespmem:s5+$0x9010];
	v37 =	vadd.f32 v38, v37;
	v38 =	vmul.f32 v47, v24  }
0x2e4: {  	v60 =	vmul.f32 v49, v21;
	v62 =	vld [tilespmem:s5+$0xD000];
	v36 =	vadd.f32 v36, v54;
	v35 =	vmax.f32 v35, $0.0e+00  }
0x2e5: {  	v61 =	vmul.f32 v52, v22;
	v49 =	vld [tilespmem:s5+$0xD010];
	v48 =	vmax.f32 v37, $0.0e+00;
	[tilespmem:s5+$0x14C20] =	vst v35;
	v35 =	vadd.f32 v38, v57  }
0x2e6: {  	[tilespmem:s5+$0x14C00] =	vst v48;
	v47 =	vmul.f32 v53, v19;
	v48 =	vmul.f32 v55, v20;
	v36 =	vmax.f32 v36, $0.0e+00  }
0x2e7: {  	v39 =	vadd.f32 v40, v39;
	v50 =	vld [tilespmem:s5+$0x9020];
	[tilespmem:s5+$0x14C30] =	vst v36;
	v36 =	vadd.f32 v61, v60;
	v35 =	vmax.f32 v35, $0.0e+00  }
0x2e8: {  	v51 =	vmul.f32 v56, v17;
	v52 =	vmul.f32 v58, v18;
	v53 =	vld [tilespmem:s5+$0xD020];
	[tilespmem:s5+$0x14C40] =	vst v35;
	v35 =	vadd.f32 v48, v47  }
0x2e9: {  	v54 =	vld [tilespmem:s5+$0x9030];
	v55 =	vmul.f32 v59, v15;
	v56 =	vmul.f32 v62, v16;
	v36 =	vmax.f32 v36, $0.0e+00  }
0x2ea: {  	v59 =	vmul.f32 v63, v13;
	v60 =	vmul.f32 v49, v14;
	v57 =	vld [tilespmem:s5+$0xD030];
	[tilespmem:s5+$0x14C50] =	vst v36;
	v35 =	vmax.f32 v35, $0.0e+00  }
0x2eb: {  	v58 =	vld [tilespmem:s5+$0x9040];
	v36 =	vadd.f32 v52, v51;
	[tilespmem:s5+$0x14C60] =	vst v35;
	v35 =	vadd.f32 v56, v55  }
0x2ec: {  	v39 =	vmax.f32 v39, $0.0e+00;
	v37 =	vld [tilespmem:s5+$0xD040];
	v38 =	vadd.f32 v60, v59;
	v62 =	vmul.f32 v50, v11  }
0x2ed: {  	[tilespmem:s5+$0x14C10] =	vst v39;
	v39 =	vmul.f32 v53, v12;
	v36 =	vmax.f32 v36, $0.0e+00;
	v61 =	vmax.f32 v35, $0.0e+00;
	v35 =	vld [tilespmem:s5+$0x9050]  }
0x2ee: {  	s14 =	simm.s32 $0x200;
	s10 =	simm.s32 $0x80;
	v63 =	vmax.f32 v38, $0.0e+00;
	[tilespmem:s5+$0x14C70] =	vst v36;
	v36 =	vld [tilespmem:s5+$0xD050]  }
0x2ef: {  	s12 =	sand.u32 $0x380, s10;
	s6 =	sand.u32 $0x3000, s14;
	v41 =	vmul.f32 v54, v9;
	v38 =	vld [tilespmem:s5+$0x9060];
	[tilespmem:s5+$0x15010] =	vst v63;
	v39 =	vadd.f32 v39, v62;
	v43 =	vmul.f32 v57, v10  }
0x2f0: {  	s6 =	sor.u32 s12, s6;
	s12 =	simm.s32 $0x400;
	v40 =	vld [tilespmem:s5+$0xD060];
	v42 =	vmul.f32 v58, v8;
	[tilespmem:s5+$0x15000] =	vst v61  }
.LBB2_11:
0x2f1: {  	p0 =	sne.s32 s12, $0x3E00;
	v44 =	vld [tilespmem:s6+$0x9070];
	v39 =	vmax.f32 v39, $0.0e+00;
	v41 =	vadd.f32 v43, v41;
	v37 =	vmul.f32 v37, v7  }
0x2f2: {  	v43 =	vld [tilespmem:s6+$0xD070];
	[tilespmem:s5+$0x15020] =	vst v39;
	v35 =	vmul.f32 v35, v5  }
0x2f3: {  	v39 =	vld [tilespmem:s6+$0x8C00];
	v41 =	vmax.f32 v41, $0.0e+00;
	v37 =	vadd.f32 v37, v42;
	v36 =	vmul.f32 v36, v6  }
0x2f4: {  	v42 =	vld [tilespmem:s6+$0xCC00];
	[tilespmem:s5+$0x15030] =	vst v41;
	v38 =	vmul.f32 v38, v3  }
0x2f5: {  	v41 =	vld [tilespmem:s6+$0x8C10];
	v37 =	vmax.f32 v37, $0.0e+00;
	v35 =	vadd.f32 v36, v35;
	v36 =	vmul.f32 v40, v4  }
0x2f6: {  	v40 =	vld [tilespmem:s6+$0xCC10];
	[tilespmem:s5+$0x15040] =	vst v37  }
0x2f7: {  	v44 =	vmul.f32 v44, v33;
	v37 =	vld [tilespmem:s6+$0x8C20];
	v43 =	vmul.f32 v43, v34;
	v36 =	vadd.f32 v36, v38  }
0x2f8: {  	v35 =	vmax.f32 v35, $0.0e+00;
	v38 =	vmul.f32 v39, v31;
	v39 =	vld [tilespmem:s6+$0xCC20]  }
0x2f9: {  	v42 =	vmul.f32 v42, v32;
	v45 =	vld [tilespmem:s6+$0x8C30];
	v43 =	vadd.f32 v43, v44;
	[tilespmem:s5+$0x15050] =	vst v35;
	v35 =	vmax.f32 v36, $0.0e+00  }
0x2fa: {  	v36 =	vmul.f32 v41, v29;
	v41 =	vld [tilespmem:s6+$0xCC30];
	[tilespmem:s5+$0x15060] =	vst v35;
	s5 =	smov.u32 s6  }
0x2fb: {  	v35 =	vadd.f32 v42, v38;
	v38 =	vmul.f32 v40, v30;
	v40 =	vld [tilespmem:s5+$0x8C40];
	v42 =	vmax.f32 v43, $0.0e+00  }
0x2fc: {  	v37 =	vmul.f32 v37, v27;
	v43 =	vld [tilespmem:s5+$0xCC40];
	[tilespmem:s5+$0x15070] =	vst v42  }
0x2fd: {  	v35 =	vmax.f32 v35, $0.0e+00;
	v36 =	vadd.f32 v38, v36;
	v38 =	vmul.f32 v39, v28;
	v39 =	vld [tilespmem:s5+$0x8C50]  }
0x2fe: {  	[tilespmem:s5+$0x14C00] =	vst v35;
	v35 =	vmul.f32 v45, v25;
	v42 =	vld [tilespmem:s5+$0xCC50]  }
0x2ff: {  	v36 =	vmax.f32 v36, $0.0e+00;
	v37 =	vadd.f32 v38, v37;
	v38 =	vmul.f32 v41, v26;
	v41 =	vld [tilespmem:s5+$0x8C60]  }
0x300: {  	[tilespmem:s5+$0x14C10] =	vst v36;
	v36 =	vmul.f32 v40, v23;
	v40 =	vld [tilespmem:s5+$0xCC60]  }
0x301: {  	v37 =	vmax.f32 v37, $0.0e+00;
	v35 =	vadd.f32 v38, v35;
	v38 =	vmul.f32 v43, v24;
	v43 =	vld [tilespmem:s5+$0x8C70]  }
0x302: {  	[tilespmem:s5+$0x14C20] =	vst v37;
	v37 =	vmul.f32 v39, v21;
	v39 =	vld [tilespmem:s5+$0xCC70]  }
0x303: {  	v35 =	vmax.f32 v35, $0.0e+00;
	v36 =	vadd.f32 v38, v36;
	v38 =	vmul.f32 v42, v22;
	v42 =	vld [tilespmem:s5+$0x9000]  }
0x304: {  	[tilespmem:s5+$0x14C30] =	vst v35;
	v35 =	vmul.f32 v41, v19;
	v41 =	vld [tilespmem:s5+$0xD000]  }
0x305: {  	v36 =	vmax.f32 v36, $0.0e+00;
	v37 =	vadd.f32 v38, v37;
	v38 =	vmul.f32 v40, v20;
	v40 =	vld [tilespmem:s5+$0x9010]  }
0x306: {  	[tilespmem:s5+$0x14C40] =	vst v36;
	v36 =	vmul.f32 v43, v17;
	v43 =	vld [tilespmem:s5+$0xD010]  }
0x307: {  	v37 =	vmax.f32 v37, $0.0e+00;
	v35 =	vadd.f32 v38, v35;
	v38 =	vmul.f32 v39, v18;
	v39 =	vld [tilespmem:s5+$0x9020]  }
0x308: {  	[tilespmem:s5+$0x14C50] =	vst v37;
	v37 =	vmul.f32 v42, v15;
	v42 =	vld [tilespmem:s5+$0xD020]  }
0x309: {  	v35 =	vmax.f32 v35, $0.0e+00;
	v36 =	vadd.f32 v38, v36;
	v38 =	vmul.f32 v41, v16;
	v41 =	vld [tilespmem:s5+$0x9030]  }
0x30a: {  	[tilespmem:s5+$0x14C60] =	vst v35;
	v35 =	vmul.f32 v40, v13;
	v40 =	vld [tilespmem:s5+$0xD030]  }
0x30b: {  	v36 =	vmax.f32 v36, $0.0e+00;
	v38 =	vadd.f32 v38, v37;
	v43 =	vmul.f32 v43, v14;
	v44 =	vld [tilespmem:s5+$0x9040]  }
.Ltmp4:
0x30c: {  	[tilespmem:s5+$0x14C70] =	vst v36;
	v39 =	vmul.f32 v39, v11;
	v37 =	vld [tilespmem:s5+$0xD040];
	(pc) =	sbr.rel @p0 .LBB2_11-.Ltmp4, $4  }
0x30d: {  	v36 =	vmax.f32 v38, $0.0e+00;
	v38 =	vadd.f32 v43, v35;
	v42 =	vmul.f32 v42, v12;
	v35 =	vld [tilespmem:s5+$0x9050]  }
0x30e: {  	s10 =	sadd.s32 $0x80, s10;
	[tilespmem:s5+$0x15000] =	vst v36;
	v41 =	vmul.f32 v41, v9;
	v36 =	vld [tilespmem:s5+$0xD050]  }
0x30f: {  	s14 =	sand.u32 $0x380, s10;
	s6 =	sand.u32 $0x3000, s12;
	v45 =	vmax.f32 v38, $0.0e+00;
	v39 =	vadd.f32 v42, v39;
	v43 =	vmul.f32 v40, v10;
	v38 =	vld [tilespmem:s5+$0x9060]  }
0x310: {  	s12 =	sadd.s32 $0x200, s12;
	s6 =	sor.u32 s14, s6;
	[tilespmem:s5+$0x15010] =	vst v45;
	v42 =	vmul.f32 v44, v8;
	v40 =	vld [tilespmem:s5+$0xD060]  }
0x311: {  	v44 =	vld [tilespmem:s6+$0x9070]  }
0x312: {  	v45 =	vld [tilespmem:s6+$0xD070]  }
0x313: {  	v46 =	vld [tilespmem:s6+$0x8C00]  }
0x314: {  	v47 =	vld [tilespmem:s6+$0xCC00]  }
0x315: {  	v48 =	vld [tilespmem:s6+$0x8C10]  }
0x316: {  	v49 =	vld [tilespmem:s6+$0xCC10]  }
0x317: {  	v50 =	vld [tilespmem:s6+$0x8C20]  }
0x318: {  	v59 =	vld [tilespmem:s6+$0xCC20]  }
0x319: {  	v60 =	vld [tilespmem:s6+$0x8C30]  }
0x31a: {  	v61 =	vld [tilespmem:s6+$0xCC30]  }
0x31b: {  	v62 =	vld [tilespmem:s6+$0x8C40]  }
0x31c: {  	v51 =	vld [tilespmem:s6+$0xCC50]  }
0x31d: {  	v52 =	vld [tilespmem:s6+$0x8C60]  }
0x31e: {  	v53 =	vld [tilespmem:s6+$0xCC60]  }
0x31f: {  	v54 =	vld [tilespmem:s6+$0x8C70];
	v33 =	vmul.f32 v44, v33;
	v34 =	vmul.f32 v45, v34  }
0x320: {  	v55 =	vld [tilespmem:s6+$0xCC70];
	v31 =	vmul.f32 v46, v31;
	v32 =	vmul.f32 v47, v32  }
0x321: {  	v56 =	vld [tilespmem:s6+$0x9000];
	v29 =	vmul.f32 v48, v29;
	v30 =	vmul.f32 v49, v30  }
0x322: {  	v57 =	vld [tilespmem:s6+$0xD000];
	v27 =	vmul.f32 v50, v27;
	v28 =	vmul.f32 v59, v28  }
0x323: {  	v58 =	vld [tilespmem:s6+$0x9010];
	v25 =	vmul.f32 v60, v25;
	v26 =	vmul.f32 v61, v26  }
0x324: {  	v23 =	vmul.f32 v62, v23;
	v22 =	vmul.f32 v51, v22  }
0x325: {  	v19 =	vmul.f32 v52, v19;
	v20 =	vmul.f32 v53, v20  }
0x326: {  	v17 =	vmul.f32 v54, v17;
	v18 =	vmul.f32 v55, v18  }
0x327: {  	v15 =	vmul.f32 v56, v15;
	v16 =	vmul.f32 v57, v16  }
0x328: {  	v43 =	vadd.f32 v43, v41;
	v47 =	vld [tilespmem:s6+$0xCC40];
	v13 =	vmul.f32 v58, v13;
	v44 =	vmul.f32 v35, v5  }
0x329: {  	v49 =	vld [tilespmem:s6+$0x8C50];
	v46 =	vmul.f32 v36, v6;
	v51 =	vmax.f32 v39, $0.0e+00;
	v33 =	vadd.f32 v34, v33  }
0x32a: {  	v59 =	vld [tilespmem:s6+$0xD010];
	v48 =	vmul.f32 v38, v3;
	v52 =	vmax.f32 v43, $0.0e+00;
	[tilespmem:s5+$0x15020] =	vst v51;
	v31 =	vadd.f32 v32, v31  }
0x32b: {  	v60 =	vld [tilespmem:s6+$0x9020];
	[tilespmem:s5+$0x15030] =	vst v52;
	v29 =	vadd.f32 v30, v29;
	v27 =	vadd.f32 v28, v27;
	v63 =	vmax.f32 v33, $0.0e+00  }
0x32c: {  	v61 =	vld [tilespmem:s6+$0xD020];
	v25 =	vadd.f32 v26, v25;
	v19 =	vadd.f32 v20, v19;
	v31 =	vmax.f32 v31, $0.0e+00;
	[tilespmem:s6+$0x15070] =	vst v63  }
0x32d: {  	v62 =	vld [tilespmem:s6+$0x9030];
	v17 =	vadd.f32 v18, v17;
	v15 =	vadd.f32 v16, v15;
	v29 =	vmax.f32 v29, $0.0e+00;
	[tilespmem:s6+$0x14C00] =	vst v31  }
0x32e: {  	v50 =	vld [tilespmem:s6+$0x9060];
	v34 =	vmul.f32 v37, v7;
	v27 =	vmax.f32 v27, $0.0e+00;
	v25 =	vmax.f32 v25, $0.0e+00;
	[tilespmem:s6+$0x14C10] =	vst v29  }
0x32f: {  	v54 =	vld [tilespmem:s6+$0xD060];
	v19 =	vmax.f32 v19, $0.0e+00;
	v17 =	vmax.f32 v17, $0.0e+00;
	[tilespmem:s6+$0x14C20] =	vst v27;
	v24 =	vmul.f32 v47, v24  }
0x330: {  	v32 =	vld [tilespmem:s6+$0x9040];
	v15 =	vmax.f32 v15, $0.0e+00;
	[tilespmem:s6+$0x14C30] =	vst v25;
	v21 =	vmul.f32 v49, v21;
	v14 =	vmul.f32 v59, v14  }
0x331: {  	v37 =	vld [tilespmem:s6+$0x9050];
	v45 =	vadd.f32 v34, v42;
	[tilespmem:s6+$0x14C60] =	vst v19;
	v49 =	vmul.f32 v40, v4;
	v11 =	vmul.f32 v60, v11  }
0x332: {  	v33 =	vld [tilespmem:s6+$0xD040];
	[tilespmem:s6+$0x14C70] =	vst v17;
	v12 =	vmul.f32 v61, v12;
	v9 =	vmul.f32 v62, v9;
	v23 =	vadd.f32 v24, v23  }
0x333: {  	v63 =	vld [tilespmem:s6+$0xD030];
	[tilespmem:s6+$0x15000] =	vst v15;
	v3 =	vmul.f32 v50, v3;
	v55 =	vmax.f32 v45, $0.0e+00;
	v21 =	vadd.f32 v22, v21  }
0x334: {  	v47 =	vld [tilespmem:s6+$0xD050];
	v60 =	vmul.f32 v54, v4;
	v13 =	vadd.f32 v14, v13;
	[tilespmem:s5+$0x15040] =	vst v55;
	v23 =	vmax.f32 v23, $0.0e+00  }
0x335: {  	v14 =	vadd.f32 v46, v44;
	v53 =	vadd.f32 v49, v48;
	v21 =	vmax.f32 v21, $0.0e+00;
	[tilespmem:s6+$0x14C40] =	vst v23  }
0x336: {  	v11 =	vadd.f32 v12, v11;
	v8 =	vmul.f32 v32, v8;
	v13 =	vmax.f32 v13, $0.0e+00;
	[tilespmem:s6+$0x14C50] =	vst v21  }
0x337: {  	v58 =	vmul.f32 v37, v5;
	v14 =	vmax.f32 v14, $0.0e+00;
	v57 =	vmul.f32 v33, v7;
	[tilespmem:s6+$0x15010] =	vst v13  }
0x338: {  	v3 =	vadd.f32 v60, v3;
	v56 =	vmax.f32 v53, $0.0e+00;
	v10 =	vmul.f32 v63, v10;
	[tilespmem:s5+$0x15050] =	vst v14  }
0x339: {  	v11 =	vmax.f32 v11, $0.0e+00;
	v59 =	vmul.f32 v47, v6;
	[tilespmem:s5+$0x15060] =	vst v56;
	v7 =	vadd.f32 v57, v8  }
0x33a: {  	v3 =	vmax.f32 v3, $0.0e+00;
	[tilespmem:s6+$0x15020] =	vst v11;
	v9 =	vadd.f32 v10, v9  }
0x33b: {  	[tilespmem:s6+$0x15060] =	vst v3;
	v5 =	vadd.f32 v59, v58;
	v62 =	vmax.f32 v7, $0.0e+00  }
0x33c: {  	v61 =	vmax.f32 v9, $0.0e+00;
	[tilespmem:s6+$0x15040] =	vst v62  }
0x33d: {  	v63 =	vmax.f32 v5, $0.0e+00;
	[tilespmem:s6+$0x15030] =	vst v61  }
0x33e: {  	s5 =	sadd.s32 s11, s9;
	s11 =	simm.s32 $0x14400;
	[tilespmem:s6+$0x15050] =	vst v63  }
0x33f: {  	[hbm4b:s5+s21] =	stream.strided.scatter [tilespmem:s11], [sflag:$0x4], $0x400, s22, s21, $0x38;
	[tilespmem:$0x18800] =	vst v63  }
0x340: {  	s12 =	sadd.s32 $0x10, s5  }
0x341: {  	[hbm4b:s12+s21] =	stream.strided.scatter [tilespmem:s15], [sflag:$0x4], $0x400, s22, s21, $0x38;
	[tilespmem:$0x18800] =	vst v63  }
0x342: {  	s14 =	sadd.s32 $0x20, s5  }
0x343: {  	[hbm4b:s14+s21] =	stream.strided.scatter [tilespmem:s16], [sflag:$0x4], $0x400, s22, s21, $0x38;
	[tilespmem:$0x18800] =	vst v63  }
0x344: {  	s10 =	sadd.s32 $0x30, s5  }
0x345: {  	[hbm4b:s10+s21] =	stream.strided.scatter [tilespmem:s17], [sflag:$0x4], $0x400, s22, s21, $0x38;
	[tilespmem:$0x18800] =	vst v63  }
0x346: {  	s11 =	sadd.s32 $0x200, s5  }
0x347: {  	[hbm4b:s11+s21] =	stream.strided.scatter [tilespmem:s18], [sflag:$0x4], $0x400, s22, s21, $0x38;
	[tilespmem:$0x18800] =	vst v63  }
0x348: {  	s12 =	sadd.s32 $0x210, s5  }
0x349: {  	[hbm4b:s12+s21] =	stream.strided.scatter [tilespmem:s19], [sflag:$0x4], $0x400, s22, s21, $0x38;
	[tilespmem:$0x18800] =	vst v63  }
0x34a: {  	s14 =	sadd.s32 $0x220, s5  }
0x34b: {  	[hbm4b:s14+s21] =	stream.strided.scatter [tilespmem:s23], [sflag:$0x4], $0x400, s22, s21, $0x38;
	[tilespmem:$0x18800] =	vst v63  }
0x34c: {  	s10 =	sadd.s32 $0x230, s5  }
0x34d: {  	[hbm4b:s10+s21] =	stream.strided.scatter [tilespmem:s24], [sflag:$0x4], $0x400, s22, s21, $0x38;
	[tilespmem:$0x18800] =	vst v63  }
0x34e: {  	s11 =	sadd.s32 $0x400, s5  }
0x34f: {  	[hbm4b:s11+s21] =	stream.strided.scatter [tilespmem:s25], [sflag:$0x4], $0x400, s22, s21, $0x38;
	[tilespmem:$0x18800] =	vst v63  }
0x350: {  	s12 =	sadd.s32 $0x410, s5  }
0x351: {  	[hbm4b:s12+s21] =	stream.strided.scatter [tilespmem:s26], [sflag:$0x4], $0x400, s22, s21, $0x38;
	[tilespmem:$0x18800] =	vst v63  }
0x352: {  	s14 =	sadd.s32 $0x420, s5  }
0x353: {  	[hbm4b:s14+s21] =	stream.strided.scatter [tilespmem:s28], [sflag:$0x4], $0x400, s22, s21, $0x38;
	[tilespmem:$0x18800] =	vst v63  }
0x354: {  	s10 =	sadd.s32 $0x430, s5  }
0x355: {  	[hbm4b:s10+s21] =	stream.strided.scatter [tilespmem:s29], [sflag:$0x4], $0x400, s22, s21, $0x38;
	[tilespmem:$0x18800] =	vst v63  }
0x356: {  	s2 =	sadd.s32 $0x1, s2;
	s11 =	sadd.s32 $0x600, s5  }
0x357: {  	[hbm4b:s11+s21] =	stream.strided.scatter [tilespmem:s3], [sflag:$0x4], $0x400, s22, s21, $0x38;
	[tilespmem:$0x18800] =	vst v63  }
0x358: {  	p0 =	sne.s32 s2, $0x8;
	s12 =	sadd.s32 $0x610, s5  }
0x359: {  	[hbm4b:s12+s21] =	stream.strided.scatter [tilespmem:s30], [sflag:$0x4], $0x400, s22, s21, $0x38;
	[tilespmem:$0x18800] =	vst v63  }
.Ltmp5:
0x35a: {  	_ = 	snop;
	(pc) =	sbr.rel @p0 .LBB2_2-.Ltmp5, $4  }
0x35b: {  	s14 =	sadd.s32 $0x620, s5  }
0x35c: {  	[hbm4b:s14+s21] =	stream.strided.scatter [tilespmem:s31], [sflag:$0x4], $0x400, s22, s21, $0x38;
	[tilespmem:$0x18800] =	vst v63  }
0x35d: {  	s5 =	sadd.s32 $0x630, s5  }
0x35e: {  	[hbm4b:s5+s21] =	stream.strided.scatter [tilespmem:s0], [sflag:$0x4], $0x400, s22, s21, $0x38;
	[tilespmem:$0x18800] =	vst v63  }
0x35f: {  	s2 =	simm.s32 $0x3  }
0x360: {  	_ =	swait.ge [sflag:s2], $0x4000  }
0x361: {  	[sflag:s2] =	ssyncset.done $0x0  }
0x362: {  	s5 =	simm.s32 $0x4;
	[sflag:s2] =	ssyncadd.s32 $0xFFFFC000  }
0x363: {  	_ =	swait.ge [sflag:s5], $0x4000  }
0x364: {  	s6 =	rddreg [dreg:$0x8]  }
0x365: {  	s14 =	rddreg [dreg:$0x7];
	s6 =	sadd.s32 $0x1, s6  }
0x366: {  	p0 =	sne.s32 s6, s14  }
.Ltmp6:
0x367: {  	_ = 	snop;
	(pc) =	sbr.rel @p0 .LBB2_1-.Ltmp6, $3  }
0x368: {  	_ =	sdelay $0x1  }
0x369: {  	[sflag:s5] =	ssyncset.done $0x0  }
0x36a: {  	[sflag:s5] =	ssyncadd.s32 $0xFFFFC000  }
0x36b: {  	_ =	sfence.sel $0x180000  }
0x36c: {  	[bflag:$0x0] =	sbarrier.arrive $0xFFFF  }
0x36d: {  	_ =	strace $0x90000047  }
0x36e: {  	s0 =	stileid.u32;
	[bflag:$0x2] =	sbarrier.arrive $0xFFFF  }
0x36f: {  	p0 =	sne.s32 s0, $0x0;
	s0 =	rddreg [dreg:$0x4]  }
0x370: {  	s0 =	sadd.s32 @!p0 $0x100000, s0  }
0x371: {  	[sflag:s0] =	ssyncadd.tile.s32 @!p0 $0x1;
	_ =	shalt  }
.Lfunc_end2:
_tile_overlayer_lowered:
.L_overlay_start_2:
0x372: {  	(tag) =	ssettag $0x2  }
0x373: {  	s0 =	rddreg [dreg:$0x0];
	s2 =	stileid.u32  }
0x374: {  	s1 =	rddreg [dreg:$0x1];
	p0 =	sne.s32 s2, $0x0  }
0x375: {  	s3 =	rddreg [dreg:$0x2];
	[bflag:$0x3] =	sbarrier.arrive $0xFFFF;
	s2 =	simm.s32 @!p0 $0x1C05  }
0x376: {  	[timem:s3], [sflag:s2] =	dma.local @!p0 [hbm:s0], s1  }
0x377: {  	s0 =	simm.s32 @!p0 $0x5  }
0x378: {  	_ =	swait.ge @!p0 [sflag:s0], s1  }
0x379: {  	s1 =	ssub.s32 @!p0 $0x0, s1;
	[sflag:s0] =	ssyncset.done @!p0 $0x0  }
0x37a: {  	[sflag:s0] =	ssyncadd.s32 @!p0 s1  }
0x37b: {  	[bflag:$0x3] =	sbarrier.arrive $0xFFFF  }
0x37c: {  	_ =	shalt  }

</sc_bundles>
